<compile_context>
chip_gen: v7x
topology: tpu7x:2x2x1
jax: 0.10.2.dev20260603
libtpu: 0.0.44.dev20260713+nightly
codegen_flags: <defaults>
</compile_context>

<pallas_src>
import dataclasses

import jax
import jax.numpy as jnp
from jax import lax
from jax.experimental import pallas as pl
from jax.experimental.pallas import tpu as pltpu
from jax.experimental.pallas import tpu_sc as plsc

N_NODES = 100000
N_SEG = 256
D = 128
CH = 80
NCHUNKS = N_NODES // CH
NC = 2
NS = 16
NW = NC * NS
CNT_W = 16
MULTI = 4
BIG = MULTI * CH
NBIG = 150
SC_ROWS = NBIG * BIG
T_STEPS = -(-NBIG // NW)
RB = 4000
TC_BLOCKS = (N_NODES - SC_ROWS) // RB
TC_OFF = SC_ROWS // RB


def _sc_body(nodes_hbm, ids_hbm, zeros_hbm, zcnt_hbm, sums_hbm,
             counts_hbm, rows_v, ids_v, cnt_v, acc_sh,
             sem_r0, sem_r1, sem_i0, sem_i1):
  c = lax.axis_index("c")
  s = lax.axis_index("s")
  wid = c * NS + s
  sem_r = (sem_r0, sem_r1)
  sem_i = (sem_i0, sem_i1)

  pltpu.sync_copy(zcnt_hbm, cnt_v)

  @pl.when(s == 0)
  def _():
    pltpu.sync_copy(zeros_hbm, acc_sh)

  plsc.subcore_barrier()

  lane = lax.iota(jnp.int32, 16)
  one16 = jnp.full((16,), 1.0, jnp.float32)

  def load_descs(t, slot):
    b = wid + NW * t
    return (
        pltpu.make_async_copy(nodes_hbm.at[pl.ds(b * BIG, BIG)],
                              rows_v.at[slot], sem_r[slot]),
        pltpu.make_async_copy(ids_hbm.at[pl.ds(b, 1)],
                              ids_v.at[slot], sem_i[slot]),
    )

  for t in range(T_STEPS):
    slot = t % 2
    if t == 0:
      @pl.when(wid + NW * t < NBIG)
      def _(t=t, slot=slot):
        for d in load_descs(t, slot):
          d.start()
    if t + 1 < T_STEPS:
      @pl.when(wid + NW * (t + 1) < NBIG)
      def _(t=t, slot=slot):
        for d in load_descs(t + 1, 1 - slot):
          d.start()

    @pl.when(wid + NW * t < NBIG)
    def _(t=t, slot=slot):
      for d in load_descs(t, slot):
        d.wait()
      descs = []
      for j in range(MULTI):
        descs.append(pltpu.async_copy(
            rows_v.at[slot, pl.ds(j * CH, CH)],
            acc_sh.at[ids_v.at[slot, 0, j]], sem_r[slot], add=True))
      for j in range(MULTI):
        for k in range(CH // 16):
          idv = ids_v[slot, 0, j, pl.ds(k * 16, 16)]
          plsc.addupdate_scatter(cnt_v, [idv, lane], one16)
      for d in descs:
        d.wait()

  plsc.subcore_barrier()

  @pl.when(s == 0)
  def _():
    pltpu.sync_copy(acc_sh, sums_hbm.at[c])
  pltpu.sync_copy(cnt_v, counts_hbm.at[wid])


@jax.jit
def _sc_segment_sums(nodes, ids2d, zeros, zcnt):
  mesh = plsc.VectorSubcoreMesh(core_axis_name="c", subcore_axis_name="s")
  cp = pltpu.CompilerParams()
  if "needs_layout_passes" in pltpu.CompilerParams.__dataclass_fields__:
    cp = dataclasses.replace(cp, needs_layout_passes=False)
  kern = pl.kernel(
      _sc_body,
      out_type=(
          jax.ShapeDtypeStruct((NC, N_SEG, D), jnp.float32),
          jax.ShapeDtypeStruct((NW, N_SEG, CNT_W), jnp.float32),
      ),
      mesh=mesh,
      scratch_types=[
          pltpu.VMEM((2, BIG, D), jnp.float32),
          pltpu.VMEM((2, 1, MULTI, CH), jnp.int32),
          pltpu.VMEM((N_SEG, CNT_W), jnp.float32),
          pltpu.VMEM_SHARED((N_SEG, D), jnp.float32),
          pltpu.SemaphoreType.DMA,
          pltpu.SemaphoreType.DMA,
          pltpu.SemaphoreType.DMA,
          pltpu.SemaphoreType.DMA,
      ],
      compiler_params=cp,
  )
  return kern(nodes, ids2d, zeros, zcnt)


def _tc_partial_body(x_ref, ids_ref, sums_ref, cnts_ref):
  i = pl.program_id(0)
  iot = lax.broadcasted_iota(jnp.int32, (N_SEG, 1), 0).astype(jnp.bfloat16)
  oh_t = (iot == ids_ref[0].astype(jnp.bfloat16)).astype(jnp.bfloat16)
  x = x_ref[...].astype(jnp.bfloat16)
  part = lax.dot_general(oh_t, x, (((1,), (0,)), ((), ())),
                         preferred_element_type=jnp.float32)
  pcnt = jnp.sum(oh_t.astype(jnp.float32), axis=1, keepdims=True)

  @pl.when(i == 0)
  def _():
    sums_ref[...] = jnp.zeros_like(sums_ref)
    cnts_ref[...] = jnp.zeros_like(cnts_ref)

  sums_ref[...] += part
  cnts_ref[...] += jnp.broadcast_to(pcnt, (N_SEG, 8))


@jax.jit
def _tc_partial(nodes, ids_tc):
  return pl.pallas_call(
      _tc_partial_body,
      grid=(TC_BLOCKS,),
      in_specs=[
          pl.BlockSpec((RB, D), lambda i: (TC_OFF + i, 0)),
          pl.BlockSpec((1, 1, RB), lambda i: (TC_OFF + i, 0, 0)),
      ],
      out_specs=[
          pl.BlockSpec((N_SEG, D), lambda i: (0, 0)),
          pl.BlockSpec((N_SEG, 8), lambda i: (0, 0)),
      ],
      out_shape=[
          jax.ShapeDtypeStruct((N_SEG, D), jnp.float32),
          jax.ShapeDtypeStruct((N_SEG, 8), jnp.float32),
      ],
  )(nodes, ids_tc)


def _tc_body(sums_ref, counts_ref, tcs_ref, tcc_ref, ctx_ref, w_ref, b_ref,
             out_ref):
  sums = sums_ref[0] + sums_ref[1] + tcs_ref[...]
  cnt = (counts_ref[...].sum(axis=0).sum(axis=-1)[:, None]
         + tcc_ref[:, 0:1])
  pooled = sums / jnp.maximum(cnt, 1.0)
  w_ctx = w_ref[0:D, :]
  w_pool = w_ref[D:2 * D, :]
  out = (
      lax.dot_general(ctx_ref[...], w_ctx, (((1,), (0,)), ((), ())),
                      preferred_element_type=jnp.float32)
      + lax.dot_general(pooled, w_pool, (((1,), (0,)), ((), ())),
                        preferred_element_type=jnp.float32)
      + b_ref[...]
  )
  out_ref[...] = jnp.maximum(out, 0.0)


@jax.jit
def _tc_finish(sums, counts, tc_sums, tc_cnts, context_state, w, b2d):
  return pl.pallas_call(
      _tc_body,
      out_shape=jax.ShapeDtypeStruct((N_SEG, D), jnp.float32),
  )(sums, counts, tc_sums, tc_cnts, context_state, w, b2d)


def kernel(node_states, segment_ids, context_state, W, b):
  ids32 = segment_ids.astype(jnp.int32)
  ids3d = ids32[:SC_ROWS].reshape(NBIG, MULTI, CH)
  ids_tc = ids32.reshape(N_NODES // RB, 1, RB)
  zeros = jnp.zeros((N_SEG, D), jnp.float32)
  zcnt = jnp.zeros((N_SEG, CNT_W), jnp.float32)
  sums, counts = _sc_segment_sums(node_states, ids3d, zeros, zcnt)
  tc_sums, tc_cnts = _tc_partial(node_states, ids_tc)
  return _tc_finish(sums, counts, tc_sums, tc_cnts, context_state, W,
                    b.reshape(1, D))

# --- scband reference (transcript-rebuilt; emitter-appended) ---
"""Pipeline reference for scband-context-update-36996848288221 (READ-ONLY COPY).

The authoritative reference and input builder live on the scoring server;
editing this copy changes nothing except your own understanding.
"""

import jax, jax.numpy as jnp
import numpy as np

N_NODES = 100000
N_COMPONENTS = 256
D_FEAT = 128


def setup_inputs(seed: int = 0) -> dict:
    key = jax.random.key(seed)
    k1, k2, k3, k4 = jax.random.split(key, 4)
    node_states = jax.random.normal(k1, (N_NODES, D_FEAT), dtype=jnp.float32)
    segment_ids = jnp.sort(jax.random.randint(k2, (N_NODES,), 0, N_COMPONENTS, dtype=jnp.int64))
    context_state = jax.random.normal(k3, (N_COMPONENTS, D_FEAT), dtype=jnp.float32)
    # NextStateFromConcat dense kernel: concat([context, pooled]) -> D_FEAT
    W = jax.random.normal(k4, (2 * D_FEAT, D_FEAT), dtype=jnp.float32) * (1.0 / np.sqrt(2 * D_FEAT))
    b = jnp.zeros((D_FEAT,), dtype=jnp.float32)
    return {
        "node_states": node_states,
        "segment_ids": segment_ids,
        "context_state": context_state,
        "W": W,
        "b": b,
    }


def reference(node_states, segment_ids, context_state, W, b):
    # ContextUpdate.call:
    # 1) context_input_feature: the current context hidden state.
    # 2) node_set_inputs: mean-pool node states per graph component (Pool to context, 'mean').
    num_segments = context_state.shape[0]
    sums = jax.ops.segment_sum(node_states, segment_ids, num_segments=num_segments)
    counts = jax.ops.segment_sum(
        jnp.ones((node_states.shape[0], 1), dtype=node_states.dtype),
        segment_ids,
        num_segments=num_segments,
    )
    pooled = sums / jnp.maximum(counts, 1.0)
    # 3) next_state = NextStateFromConcat(Dense(D_FEAT, relu)) over
    #    (context_input, {"nodes": pooled}, {})
    concat = jnp.concatenate([context_state, pooled], axis=-1)
    new_context = jax.nn.relu(concat @ W + b)
    return new_context

if __name__ == "__main__":
    import jax
    _d = setup_inputs()
    print(jax.jit(kernel)(*tuple(_d.values())))

</pallas_src>

<mosaic_0001>
#map = affine_map<(d0, d1) -> (0, 0)>
#map1 = affine_map<(d0, d1) -> (0, 0, 0)>
module attributes {stable_mosaic.version = 14 : i64} {
  func.func @_sc_body(%arg0: i32, %arg1: i32, %arg2: memref<100000x128xf32, #tpu.memory_space<hbm>>, %arg3: memref<150x4x80xi32, #tpu.memory_space<hbm>>, %arg4: memref<256x128xf32, #tpu.memory_space<hbm>>, %arg5: memref<256x16xf32, #tpu.memory_space<hbm>>, %arg6: memref<2x256x128xf32, #tpu.memory_space<hbm>>, %arg7: memref<32x256x16xf32, #tpu.memory_space<hbm>>, %arg8: memref<2x320x128xf32, #tpu.memory_space<vmem>>, %arg9: memref<2x1x4x80xi32, #tpu.memory_space<vmem>>, %arg10: memref<256x16xf32, #tpu.memory_space<vmem>>, %arg11: memref<256x128xf32, #tpu.memory_space<vmem_shared>>, %arg12: memref<!tpu.dma_semaphore, #tpu.memory_space<semaphore_mem>>, %arg13: memref<!tpu.dma_semaphore, #tpu.memory_space<semaphore_mem>>, %arg14: memref<!tpu.dma_semaphore, #tpu.memory_space<semaphore_mem>>, %arg15: memref<!tpu.dma_semaphore, #tpu.memory_space<semaphore_mem>>) attributes {dimension_semantics = [#tpu.dimension_semantics<core_parallel>, #tpu.dimension_semantics<subcore_parallel>], iteration_bounds = array<i64: 2, 16>, scalar_prefetch = 0 : i64, scratch_operands = 8 : i64, tpu.core_type = #tpu.core_type<sc_vector_subcore>, window_params = [{transform_indices = #map}, {transform_indices = #map1}, {transform_indices = #map}, {transform_indices = #map}, {transform_indices = #map1}, {transform_indices = #map1}]} {
    %mul3A = arith.constant 16 : i32
    %mul3A_0 = arith.muli %arg0, %mul3A : i32
    %add3A = arith.addi %mul3A_0, %arg1 : i32
    "tpu.region"() ({
      %run_scoped3A = tpu.sem_alloc : memref<!tpu.dma_semaphore, #tpu.memory_space<semaphore_mem>>
      tpu.enqueue_dma source(%arg5 : memref<256x16xf32, #tpu.memory_space<hbm>>) target(%arg10 : memref<256x16xf32, #tpu.memory_space<vmem>>) target_semaphore(%run_scoped3A : memref<!tpu.dma_semaphore, #tpu.memory_space<semaphore_mem>>)
      tpu.wait_dma2 semaphore(%run_scoped3A : memref<!tpu.dma_semaphore, #tpu.memory_space<semaphore_mem>>) src(%arg5 : memref<256x16xf32, #tpu.memory_space<hbm>>) dst(%arg10 : memref<256x16xf32, #tpu.memory_space<vmem>>)
      tpu.yield
    }) : () -> ()
    %eq3A = arith.constant 0 : i32
    %eq3A_1 = arith.cmpi eq, %arg1, %eq3A : i32
    %convert_element_type3A = arith.extui %eq3A_1 : i1 to i32
    %cond3A = arith.constant 0 : i32
    %cond3A_2 = arith.cmpi ne, %convert_element_type3A, %cond3A : i32
    scf.if %cond3A_2 {
      "tpu.region"() ({
        %run_scoped3A = tpu.sem_alloc : memref<!tpu.dma_semaphore, #tpu.memory_space<semaphore_mem>>
        tpu.enqueue_dma source(%arg4 : memref<256x128xf32, #tpu.memory_space<hbm>>) target(%arg11 : memref<256x128xf32, #tpu.memory_space<vmem_shared>>) target_semaphore(%run_scoped3A : memref<!tpu.dma_semaphore, #tpu.memory_space<semaphore_mem>>)
        tpu.wait_dma2 semaphore(%run_scoped3A : memref<!tpu.dma_semaphore, #tpu.memory_space<semaphore_mem>>) src(%arg4 : memref<256x128xf32, #tpu.memory_space<hbm>>) dst(%arg11 : memref<256x128xf32, #tpu.memory_space<vmem_shared>>)
        tpu.yield
      }) : () -> ()
    } else {
    }
    %barrier3A = arith.constant 0 : index
    tpu.barrier barrier_id(%barrier3A)
    %iota3A = tpu.iota {dimensions = array<i32: 0>} : vector<16xi32>
    %broadcast_in_dim3A = arith.constant 1.000000e+00 : f32
    %broadcast_in_dim3A_3 = vector.broadcast %broadcast_in_dim3A : f32 to vector<16xf32>
    %add3A_4 = arith.constant 0 : i32
    %add3A_5 = arith.addi %add3A, %add3A_4 : i32
    %lt3A = arith.constant 150 : i32
    %lt3A_6 = arith.cmpi slt, %add3A_5, %lt3A : i32
    %convert_element_type3A_7 = arith.extui %lt3A_6 : i1 to i32
    %cond3A_8 = arith.constant 0 : i32
    %cond3A_9 = arith.cmpi ne, %convert_element_type3A_7, %cond3A_8 : i32
    scf.if %cond3A_9 {
      %add3A_79 = arith.constant 0 : i32
      %add3A_80 = arith.addi %add3A, %add3A_79 : i32
      %mul3A_81 = arith.constant 320 : i32
      %mul3A_82 = arith.muli %add3A_80, %mul3A_81 : i32
      %dma_start3A = arith.constant 0 : i32
      %dma_start3A_83 = arith.constant 0 : i32
      %dma_start3A_84 = arith.constant 0 : i32
      %dma_start3A_85 = tpu.memref_slice %arg8[%dma_start3A, %dma_start3A_83, %dma_start3A_84] : memref<2x320x128xf32, #tpu.memory_space<vmem>> -> memref<1x320x128xf32, #tpu.memory_space<vmem>>
      %dma_start3A_86 = tpu.memref_squeeze %dma_start3A_85 : memref<1x320x128xf32, #tpu.memory_space<vmem>> -> memref<320x128xf32, #tpu.memory_space<vmem>>
      %dma_start3A_87 = arith.constant 0 : i32
      %dma_start3A_88 = tpu.memref_slice %arg2[%mul3A_82, %dma_start3A_87] : memref<100000x128xf32, #tpu.memory_space<hbm>> -> memref<320x128xf32, #tpu.memory_space<hbm>>
      %dma_start3A_89 = arith.constant 0 : i32
      %dma_start3A_90 = arith.constant 0 : i32
      %dma_start3A_91 = tpu.memref_slice %arg8[%dma_start3A, %dma_start3A_89, %dma_start3A_90] : memref<2x320x128xf32, #tpu.memory_space<vmem>> -> memref<1x320x128xf32, #tpu.memory_space<vmem>>
      %dma_start3A_92 = tpu.memref_squeeze %dma_start3A_91 : memref<1x320x128xf32, #tpu.memory_space<vmem>> -> memref<320x128xf32, #tpu.memory_space<vmem>>
      %dma_start3A_93 = arith.constant 0 : i32
      %dma_start3A_94 = tpu.memref_slice %arg2[%mul3A_82, %dma_start3A_93] : memref<100000x128xf32, #tpu.memory_space<hbm>> -> memref<320x128xf32, #tpu.memory_space<hbm>>
      tpu.enqueue_dma source(%dma_start3A_94 : memref<320x128xf32, #tpu.memory_space<hbm>>) target(%dma_start3A_92 : memref<320x128xf32, #tpu.memory_space<vmem>>) target_semaphore(%arg12 : memref<!tpu.dma_semaphore, #tpu.memory_space<semaphore_mem>>)
      %dma_start3A_95 = arith.constant 0 : i32
      %dma_start3A_96 = arith.constant 0 : i32
      %dma_start3A_97 = arith.constant 0 : i32
      %dma_start3A_98 = arith.constant 0 : i32
      %dma_start3A_99 = tpu.memref_slice %arg9[%dma_start3A_95, %dma_start3A_96, %dma_start3A_97, %dma_start3A_98] : memref<2x1x4x80xi32, #tpu.memory_space<vmem>> -> memref<1x1x4x80xi32, #tpu.memory_space<vmem>>
      %dma_start3A_100 = tpu.memref_squeeze %dma_start3A_99 : memref<1x1x4x80xi32, #tpu.memory_space<vmem>> -> memref<1x4x80xi32, #tpu.memory_space<vmem>>
      %dma_start3A_101 = arith.constant 0 : i32
      %dma_start3A_102 = arith.constant 0 : i32
      %dma_start3A_103 = tpu.memref_slice %arg3[%add3A_80, %dma_start3A_101, %dma_start3A_102] : memref<150x4x80xi32, #tpu.memory_space<hbm>> -> memref<1x4x80xi32, #tpu.memory_space<hbm>>
      %dma_start3A_104 = arith.constant 0 : i32
      %dma_start3A_105 = arith.constant 0 : i32
      %dma_start3A_106 = arith.constant 0 : i32
      %dma_start3A_107 = tpu.memref_slice %arg9[%dma_start3A_95, %dma_start3A_104, %dma_start3A_105, %dma_start3A_106] : memref<2x1x4x80xi32, #tpu.memory_space<vmem>> -> memref<1x1x4x80xi32, #tpu.memory_space<vmem>>
      %dma_start3A_108 = tpu.memref_squeeze %dma_start3A_107 : memref<1x1x4x80xi32, #tpu.memory_space<vmem>> -> memref<1x4x80xi32, #tpu.memory_space<vmem>>
      %dma_start3A_109 = arith.constant 0 : i32
      %dma_start3A_110 = arith.constant 0 : i32
      %dma_start3A_111 = tpu.memref_slice %arg3[%add3A_80, %dma_start3A_109, %dma_start3A_110] : memref<150x4x80xi32, #tpu.memory_space<hbm>> -> memref<1x4x80xi32, #tpu.memory_space<hbm>>
      tpu.enqueue_dma source(%dma_start3A_111 : memref<1x4x80xi32, #tpu.memory_space<hbm>>) target(%dma_start3A_108 : memref<1x4x80xi32, #tpu.memory_space<vmem>>) target_semaphore(%arg14 : memref<!tpu.dma_semaphore, #tpu.memory_space<semaphore_mem>>)
    } else {
    }
    %add3A_10 = arith.constant 32 : i32
    %add3A_11 = arith.addi %add3A, %add3A_10 : i32
    %lt3A_12 = arith.constant 150 : i32
    %lt3A_13 = arith.cmpi slt, %add3A_11, %lt3A_12 : i32
    %convert_element_type3A_14 = arith.extui %lt3A_13 : i1 to i32
    %cond3A_15 = arith.constant 0 : i32
    %cond3A_16 = arith.cmpi ne, %convert_element_type3A_14, %cond3A_15 : i32
    scf.if %cond3A_16 {
      %add3A_79 = arith.constant 32 : i32
      %add3A_80 = arith.addi %add3A, %add3A_79 : i32
      %mul3A_81 = arith.constant 320 : i32
      %mul3A_82 = arith.muli %add3A_80, %mul3A_81 : i32
      %dma_start3A = arith.constant 1 : i32
      %dma_start3A_83 = arith.constant 0 : i32
      %dma_start3A_84 = arith.constant 0 : i32
      %dma_start3A_85 = tpu.memref_slice %arg8[%dma_start3A, %dma_start3A_83, %dma_start3A_84] : memref<2x320x128xf32, #tpu.memory_space<vmem>> -> memref<1x320x128xf32, #tpu.memory_space<vmem>>
      %dma_start3A_86 = tpu.memref_squeeze %dma_start3A_85 : memref<1x320x128xf32, #tpu.memory_space<vmem>> -> memref<320x128xf32, #tpu.memory_space<vmem>>
      %dma_start3A_87 = arith.constant 0 : i32
      %dma_start3A_88 = tpu.memref_slice %arg2[%mul3A_82, %dma_start3A_87] : memref<100000x128xf32, #tpu.memory_space<hbm>> -> memref<320x128xf32, #tpu.memory_space<hbm>>
      %dma_start3A_89 = arith.constant 0 : i32
      %dma_start3A_90 = arith.constant 0 : i32
      %dma_start3A_91 = tpu.memref_slice %arg8[%dma_start3A, %dma_start3A_89, %dma_start3A_90] : memref<2x320x128xf32, #tpu.memory_space<vmem>> -> memref<1x320x128xf32, #tpu.memory_space<vmem>>
      %dma_start3A_92 = tpu.memref_squeeze %dma_start3A_91 : memref<1x320x128xf32, #tpu.memory_space<vmem>> -> memref<320x128xf32, #tpu.memory_space<vmem>>
      %dma_start3A_93 = arith.constant 0 : i32
      %dma_start3A_94 = tpu.memref_slice %arg2[%mul3A_82, %dma_start3A_93] : memref<100000x128xf32, #tpu.memory_space<hbm>> -> memref<320x128xf32, #tpu.memory_space<hbm>>
      tpu.enqueue_dma source(%dma_start3A_94 : memref<320x128xf32, #tpu.memory_space<hbm>>) target(%dma_start3A_92 : memref<320x128xf32, #tpu.memory_space<vmem>>) target_semaphore(%arg13 : memref<!tpu.dma_semaphore, #tpu.memory_space<semaphore_mem>>)
      %dma_start3A_95 = arith.constant 1 : i32
      %dma_start3A_96 = arith.constant 0 : i32
      %dma_start3A_97 = arith.constant 0 : i32
      %dma_start3A_98 = arith.constant 0 : i32
      %dma_start3A_99 = tpu.memref_slice %arg9[%dma_start3A_95, %dma_start3A_96, %dma_start3A_97, %dma_start3A_98] : memref<2x1x4x80xi32, #tpu.memory_space<vmem>> -> memref<1x1x4x80xi32, #tpu.memory_space<vmem>>
      %dma_start3A_100 = tpu.memref_squeeze %dma_start3A_99 : memref<1x1x4x80xi32, #tpu.memory_space<vmem>> -> memref<1x4x80xi32, #tpu.memory_space<vmem>>
      %dma_start3A_101 = arith.constant 0 : i32
      %dma_start3A_102 = arith.constant 0 : i32
      %dma_start3A_103 = tpu.memref_slice %arg3[%add3A_80, %dma_start3A_101, %dma_start3A_102] : memref<150x4x80xi32, #tpu.memory_space<hbm>> -> memref<1x4x80xi32, #tpu.memory_space<hbm>>
      %dma_start3A_104 = arith.constant 0 : i32
      %dma_start3A_105 = arith.constant 0 : i32
      %dma_start3A_106 = arith.constant 0 : i32
      %dma_start3A_107 = tpu.memref_slice %arg9[%dma_start3A_95, %dma_start3A_104, %dma_start3A_105, %dma_start3A_106] : memref<2x1x4x80xi32, #tpu.memory_space<vmem>> -> memref<1x1x4x80xi32, #tpu.memory_space<vmem>>
      %dma_start3A_108 = tpu.memref_squeeze %dma_start3A_107 : memref<1x1x4x80xi32, #tpu.memory_space<vmem>> -> memref<1x4x80xi32, #tpu.memory_space<vmem>>
      %dma_start3A_109 = arith.constant 0 : i32
      %dma_start3A_110 = arith.constant 0 : i32
      %dma_start3A_111 = tpu.memref_slice %arg3[%add3A_80, %dma_start3A_109, %dma_start3A_110] : memref<150x4x80xi32, #tpu.memory_space<hbm>> -> memref<1x4x80xi32, #tpu.memory_space<hbm>>
      tpu.enqueue_dma source(%dma_start3A_111 : memref<1x4x80xi32, #tpu.memory_space<hbm>>) target(%dma_start3A_108 : memref<1x4x80xi32, #tpu.memory_space<vmem>>) target_semaphore(%arg15 : memref<!tpu.dma_semaphore, #tpu.memory_space<semaphore_mem>>)
    } else {
    }
    %add3A_17 = arith.constant 0 : i32
    %add3A_18 = arith.addi %add3A, %add3A_17 : i32
    %lt3A_19 = arith.constant 150 : i32
    %lt3A_20 = arith.cmpi slt, %add3A_18, %lt3A_19 : i32
    %convert_element_type3A_21 = arith.extui %lt3A_20 : i1 to i32
    %cond3A_22 = arith.constant 0 : i32
    %cond3A_23 = arith.cmpi ne, %convert_element_type3A_21, %cond3A_22 : i32
    scf.if %cond3A_23 {
      %add3A_79 = arith.constant 0 : i32
      %add3A_80 = arith.addi %add3A, %add3A_79 : i32
      %mul3A_81 = arith.constant 320 : i32
      %mul3A_82 = arith.muli %add3A_80, %mul3A_81 : i32
      %dma_wait3A = arith.constant 0 : i32
      %dma_wait3A_83 = arith.constant 0 : i32
      %dma_wait3A_84 = arith.constant 0 : i32
      %dma_wait3A_85 = tpu.memref_slice %arg8[%dma_wait3A, %dma_wait3A_83, %dma_wait3A_84] : memref<2x320x128xf32, #tpu.memory_space<vmem>> -> memref<1x320x128xf32, #tpu.memory_space<vmem>>
      %dma_wait3A_86 = tpu.memref_squeeze %dma_wait3A_85 : memref<1x320x128xf32, #tpu.memory_space<vmem>> -> memref<320x128xf32, #tpu.memory_space<vmem>>
      %dma_wait3A_87 = arith.constant 0 : i32
      %dma_wait3A_88 = tpu.memref_slice %arg2[%mul3A_82, %dma_wait3A_87] : memref<100000x128xf32, #tpu.memory_space<hbm>> -> memref<320x128xf32, #tpu.memory_space<hbm>>
      %dma_wait3A_89 = arith.constant 0 : i32
      %dma_wait3A_90 = arith.constant 0 : i32
      %dma_wait3A_91 = tpu.memref_slice %arg8[%dma_wait3A, %dma_wait3A_89, %dma_wait3A_90] : memref<2x320x128xf32, #tpu.memory_space<vmem>> -> memref<1x320x128xf32, #tpu.memory_space<vmem>>
      %dma_wait3A_92 = tpu.memref_squeeze %dma_wait3A_91 : memref<1x320x128xf32, #tpu.memory_space<vmem>> -> memref<320x128xf32, #tpu.memory_space<vmem>>
      %dma_wait3A_93 = arith.constant 0 : i32
      %dma_wait3A_94 = tpu.memref_slice %arg2[%mul3A_82, %dma_wait3A_93] : memref<100000x128xf32, #tpu.memory_space<hbm>> -> memref<320x128xf32, #tpu.memory_space<hbm>>
      tpu.wait_dma2 semaphore(%arg12 : memref<!tpu.dma_semaphore, #tpu.memory_space<semaphore_mem>>) src(%dma_wait3A_94 : memref<320x128xf32, #tpu.memory_space<hbm>>) dst(%dma_wait3A_92 : memref<320x128xf32, #tpu.memory_space<vmem>>)
      %dma_wait3A_95 = arith.constant 0 : i32
      %dma_wait3A_96 = arith.constant 0 : i32
      %dma_wait3A_97 = arith.constant 0 : i32
      %dma_wait3A_98 = arith.constant 0 : i32
      %dma_wait3A_99 = tpu.memref_slice %arg9[%dma_wait3A_95, %dma_wait3A_96, %dma_wait3A_97, %dma_wait3A_98] : memref<2x1x4x80xi32, #tpu.memory_space<vmem>> -> memref<1x1x4x80xi32, #tpu.memory_space<vmem>>
      %dma_wait3A_100 = tpu.memref_squeeze %dma_wait3A_99 : memref<1x1x4x80xi32, #tpu.memory_space<vmem>> -> memref<1x4x80xi32, #tpu.memory_space<vmem>>
      %dma_wait3A_101 = arith.constant 0 : i32
      %dma_wait3A_102 = arith.constant 0 : i32
      %dma_wait3A_103 = tpu.memref_slice %arg3[%add3A_80, %dma_wait3A_101, %dma_wait3A_102] : memref<150x4x80xi32, #tpu.memory_space<hbm>> -> memref<1x4x80xi32, #tpu.memory_space<hbm>>
      %dma_wait3A_104 = arith.constant 0 : i32
      %dma_wait3A_105 = arith.constant 0 : i32
      %dma_wait3A_106 = arith.constant 0 : i32
      %dma_wait3A_107 = tpu.memref_slice %arg9[%dma_wait3A_95, %dma_wait3A_104, %dma_wait3A_105, %dma_wait3A_106] : memref<2x1x4x80xi32, #tpu.memory_space<vmem>> -> memref<1x1x4x80xi32, #tpu.memory_space<vmem>>
      %dma_wait3A_108 = tpu.memref_squeeze %dma_wait3A_107 : memref<1x1x4x80xi32, #tpu.memory_space<vmem>> -> memref<1x4x80xi32, #tpu.memory_space<vmem>>
      %dma_wait3A_109 = arith.constant 0 : i32
      %dma_wait3A_110 = arith.constant 0 : i32
      %dma_wait3A_111 = tpu.memref_slice %arg3[%add3A_80, %dma_wait3A_109, %dma_wait3A_110] : memref<150x4x80xi32, #tpu.memory_space<hbm>> -> memref<1x4x80xi32, #tpu.memory_space<hbm>>
      tpu.wait_dma2 semaphore(%arg14 : memref<!tpu.dma_semaphore, #tpu.memory_space<semaphore_mem>>) src(%dma_wait3A_111 : memref<1x4x80xi32, #tpu.memory_space<hbm>>) dst(%dma_wait3A_108 : memref<1x4x80xi32, #tpu.memory_space<vmem>>)
      %dma_start3A = arith.constant 0 : i32
      %dma_start3A_112 = arith.constant 0 : i32
      %dma_start3A_113 = arith.constant 0 : i32
      %dma_start3A_114 = arith.constant 0 : i32
      %dma_start3A_115 = arith.constant 0 : i32
      %dma_start3A_116 = arith.constant 0 : i32
      %dma_start3A_117 = tpu.memref_slice %arg8[%dma_start3A, %dma_start3A_115, %dma_start3A_116] : memref<2x320x128xf32, #tpu.memory_space<vmem>> -> memref<1x80x128xf32, #tpu.memory_space<vmem>>
      %dma_start3A_118 = tpu.memref_squeeze %dma_start3A_117 : memref<1x80x128xf32, #tpu.memory_space<vmem>> -> memref<80x128xf32, #tpu.memory_space<vmem>>
      %dma_start3A_119 = arith.constant 0 : i32
      %dma_start3A_120 = tpu.memref_slice %arg9[%dma_start3A_112, %dma_start3A_113, %dma_start3A_114, %dma_start3A_119] : memref<2x1x4x80xi32, #tpu.memory_space<vmem>> -> memref<1x1x1x80xi32, #tpu.memory_space<vmem>>
      %dma_start3A_121 = tpu.memref_squeeze %dma_start3A_120 : memref<1x1x1x80xi32, #tpu.memory_space<vmem>> -> memref<80xi32, #tpu.memory_space<vmem>>
      %dma_start3A_122 = arith.constant 0 : i32
      %dma_start3A_123 = arith.constant 0 : i32
      %dma_start3A_124 = tpu.memref_slice %arg11[%dma_start3A_122, %dma_start3A_123] : memref<256x128xf32, #tpu.memory_space<vmem_shared>> -> memref<256x128xf32, #tpu.memory_space<vmem_shared>>
      tpu.enqueue_indirect_dma source(%dma_start3A_118 : memref<80x128xf32, #tpu.memory_space<vmem>>) target(%dma_start3A_124 : memref<256x128xf32, #tpu.memory_space<vmem_shared>>) offsets(%dma_start3A_121 : memref<80xi32, #tpu.memory_space<vmem>>) semaphore(%arg12 : memref<!tpu.dma_semaphore, #tpu.memory_space<semaphore_mem>>) {add = true}
      %dma_start3A_125 = arith.constant 0 : i32
      %dma_start3A_126 = arith.constant 0 : i32
      %dma_start3A_127 = arith.constant 0 : i32
      %dma_start3A_128 = arith.constant 1 : i32
      %dma_start3A_129 = arith.constant 80 : i32
      %dma_start3A_130 = arith.constant 0 : i32
      %dma_start3A_131 = tpu.memref_slice %arg8[%dma_start3A_125, %dma_start3A_129, %dma_start3A_130] : memref<2x320x128xf32, #tpu.memory_space<vmem>> -> memref<1x80x128xf32, #tpu.memory_space<vmem>>
      %dma_start3A_132 = tpu.memref_squeeze %dma_start3A_131 : memref<1x80x128xf32, #tpu.memory_space<vmem>> -> memref<80x128xf32, #tpu.memory_space<vmem>>
      %dma_start3A_133 = arith.constant 0 : i32
      %dma_start3A_134 = tpu.memref_slice %arg9[%dma_start3A_126, %dma_start3A_127, %dma_start3A_128, %dma_start3A_133] : memref<2x1x4x80xi32, #tpu.memory_space<vmem>> -> memref<1x1x1x80xi32, #tpu.memory_space<vmem>>
      %dma_start3A_135 = tpu.memref_squeeze %dma_start3A_134 : memref<1x1x1x80xi32, #tpu.memory_space<vmem>> -> memref<80xi32, #tpu.memory_space<vmem>>
      %dma_start3A_136 = arith.constant 0 : i32
      %dma_start3A_137 = arith.constant 0 : i32
      %dma_start3A_138 = tpu.memref_slice %arg11[%dma_start3A_136, %dma_start3A_137] : memref<256x128xf32, #tpu.memory_space<vmem_shared>> -> memref<256x128xf32, #tpu.memory_space<vmem_shared>>
      tpu.enqueue_indirect_dma source(%dma_start3A_132 : memref<80x128xf32, #tpu.memory_space<vmem>>) target(%dma_start3A_138 : memref<256x128xf32, #tpu.memory_space<vmem_shared>>) offsets(%dma_start3A_135 : memref<80xi32, #tpu.memory_space<vmem>>) semaphore(%arg12 : memref<!tpu.dma_semaphore, #tpu.memory_space<semaphore_mem>>) {add = true}
      %dma_start3A_139 = arith.constant 0 : i32
      %dma_start3A_140 = arith.constant 0 : i32
      %dma_start3A_141 = arith.constant 0 : i32
      %dma_start3A_142 = arith.constant 2 : i32
      %dma_start3A_143 = arith.constant 160 : i32
      %dma_start3A_144 = arith.constant 0 : i32
      %dma_start3A_145 = tpu.memref_slice %arg8[%dma_start3A_139, %dma_start3A_143, %dma_start3A_144] : memref<2x320x128xf32, #tpu.memory_space<vmem>> -> memref<1x80x128xf32, #tpu.memory_space<vmem>>
      %dma_start3A_146 = tpu.memref_squeeze %dma_start3A_145 : memref<1x80x128xf32, #tpu.memory_space<vmem>> -> memref<80x128xf32, #tpu.memory_space<vmem>>
      %dma_start3A_147 = arith.constant 0 : i32
      %dma_start3A_148 = tpu.memref_slice %arg9[%dma_start3A_140, %dma_start3A_141, %dma_start3A_142, %dma_start3A_147] : memref<2x1x4x80xi32, #tpu.memory_space<vmem>> -> memref<1x1x1x80xi32, #tpu.memory_space<vmem>>
      %dma_start3A_149 = tpu.memref_squeeze %dma_start3A_148 : memref<1x1x1x80xi32, #tpu.memory_space<vmem>> -> memref<80xi32, #tpu.memory_space<vmem>>
      %dma_start3A_150 = arith.constant 0 : i32
      %dma_start3A_151 = arith.constant 0 : i32
      %dma_start3A_152 = tpu.memref_slice %arg11[%dma_start3A_150, %dma_start3A_151] : memref<256x128xf32, #tpu.memory_space<vmem_shared>> -> memref<256x128xf32, #tpu.memory_space<vmem_shared>>
      tpu.enqueue_indirect_dma source(%dma_start3A_146 : memref<80x128xf32, #tpu.memory_space<vmem>>) target(%dma_start3A_152 : memref<256x128xf32, #tpu.memory_space<vmem_shared>>) offsets(%dma_start3A_149 : memref<80xi32, #tpu.memory_space<vmem>>) semaphore(%arg12 : memref<!tpu.dma_semaphore, #tpu.memory_space<semaphore_mem>>) {add = true}
      %dma_start3A_153 = arith.constant 0 : i32
      %dma_start3A_154 = arith.constant 0 : i32
      %dma_start3A_155 = arith.constant 0 : i32
      %dma_start3A_156 = arith.constant 3 : i32
      %dma_start3A_157 = arith.constant 240 : i32
      %dma_start3A_158 = arith.constant 0 : i32
      %dma_start3A_159 = tpu.memref_slice %arg8[%dma_start3A_153, %dma_start3A_157, %dma_start3A_158] : memref<2x320x128xf32, #tpu.memory_space<vmem>> -> memref<1x80x128xf32, #tpu.memory_space<vmem>>
      %dma_start3A_160 = tpu.memref_squeeze %dma_start3A_159 : memref<1x80x128xf32, #tpu.memory_space<vmem>> -> memref<80x128xf32, #tpu.memory_space<vmem>>
      %dma_start3A_161 = arith.constant 0 : i32
      %dma_start3A_162 = tpu.memref_slice %arg9[%dma_start3A_154, %dma_start3A_155, %dma_start3A_156, %dma_start3A_161] : memref<2x1x4x80xi32, #tpu.memory_space<vmem>> -> memref<1x1x1x80xi32, #tpu.memory_space<vmem>>
      %dma_start3A_163 = tpu.memref_squeeze %dma_start3A_162 : memref<1x1x1x80xi32, #tpu.memory_space<vmem>> -> memref<80xi32, #tpu.memory_space<vmem>>
      %dma_start3A_164 = arith.constant 0 : i32
      %dma_start3A_165 = arith.constant 0 : i32
      %dma_start3A_166 = tpu.memref_slice %arg11[%dma_start3A_164, %dma_start3A_165] : memref<256x128xf32, #tpu.memory_space<vmem_shared>> -> memref<256x128xf32, #tpu.memory_space<vmem_shared>>
      tpu.enqueue_indirect_dma source(%dma_start3A_160 : memref<80x128xf32, #tpu.memory_space<vmem>>) target(%dma_start3A_166 : memref<256x128xf32, #tpu.memory_space<vmem_shared>>) offsets(%dma_start3A_163 : memref<80xi32, #tpu.memory_space<vmem>>) semaphore(%arg12 : memref<!tpu.dma_semaphore, #tpu.memory_space<semaphore_mem>>) {add = true}
      %get3A = arith.constant 0 : i32
      %get3A_167 = arith.constant 0 : i32
      %get3A_168 = arith.constant 0 : i32
      %get3A_169 = arith.index_cast %get3A : i32 to index
      %get3A_170 = arith.index_cast %get3A_167 : i32 to index
      %get3A_171 = arith.index_cast %get3A_168 : i32 to index
      %get3A_172 = arith.constant 0 : index
      %get3A_173 = tpu.vector_load %arg9[%get3A_169, %get3A_170, %get3A_171, %get3A_172] {strides = array<i32>} : memref<2x1x4x80xi32, #tpu.memory_space<vmem>>, vector<16xi32>,
      tpu.vector_store_idx %arg10[%get3A_173, %iota3A], %broadcast_in_dim3A_3 {add = true} : memref<256x16xf32, #tpu.memory_space<vmem>>[vector<16xi32>, vector<16xi32>], vector<16xf32>,
      %get3A_174 = arith.constant 0 : i32
      %get3A_175 = arith.constant 0 : i32
      %get3A_176 = arith.constant 0 : i32
      %get3A_177 = arith.index_cast %get3A_174 : i32 to index
      %get3A_178 = arith.index_cast %get3A_175 : i32 to index
      %get3A_179 = arith.index_cast %get3A_176 : i32 to index
      %get3A_180 = arith.constant 16 : index
      %get3A_181 = tpu.vector_load %arg9[%get3A_177, %get3A_178, %get3A_179, %get3A_180] {strides = array<i32>} : memref<2x1x4x80xi32, #tpu.memory_space<vmem>>, vector<16xi32>,
      tpu.vector_store_idx %arg10[%get3A_181, %iota3A], %broadcast_in_dim3A_3 {add = true} : memref<256x16xf32, #tpu.memory_space<vmem>>[vector<16xi32>, vector<16xi32>], vector<16xf32>,
      %get3A_182 = arith.constant 0 : i32
      %get3A_183 = arith.constant 0 : i32
      %get3A_184 = arith.constant 0 : i32
      %get3A_185 = arith.index_cast %get3A_182 : i32 to index
      %get3A_186 = arith.index_cast %get3A_183 : i32 to index
      %get3A_187 = arith.index_cast %get3A_184 : i32 to index
      %get3A_188 = arith.constant 32 : index
      %get3A_189 = tpu.vector_load %arg9[%get3A_185, %get3A_186, %get3A_187, %get3A_188] {strides = array<i32>} : memref<2x1x4x80xi32, #tpu.memory_space<vmem>>, vector<16xi32>,
      tpu.vector_store_idx %arg10[%get3A_189, %iota3A], %broadcast_in_dim3A_3 {add = true} : memref<256x16xf32, #tpu.memory_space<vmem>>[vector<16xi32>, vector<16xi32>], vector<16xf32>,
      %get3A_190 = arith.constant 0 : i32
      %get3A_191 = arith.constant 0 : i32
      %get3A_192 = arith.constant 0 : i32
      %get3A_193 = arith.index_cast %get3A_190 : i32 to index
      %get3A_194 = arith.index_cast %get3A_191 : i32 to index
      %get3A_195 = arith.index_cast %get3A_192 : i32 to index
      %get3A_196 = arith.constant 48 : index
      %get3A_197 = tpu.vector_load %arg9[%get3A_193, %get3A_194, %get3A_195, %get3A_196] {strides = array<i32>} : memref<2x1x4x80xi32, #tpu.memory_space<vmem>>, vector<16xi32>,
      tpu.vector_store_idx %arg10[%get3A_197, %iota3A], %broadcast_in_dim3A_3 {add = true} : memref<256x16xf32, #tpu.memory_space<vmem>>[vector<16xi32>, vector<16xi32>], vector<16xf32>,
      %get3A_198 = arith.constant 0 : i32
      %get3A_199 = arith.constant 0 : i32
      %get3A_200 = arith.constant 0 : i32
      %get3A_201 = arith.index_cast %get3A_198 : i32 to index
      %get3A_202 = arith.index_cast %get3A_199 : i32 to index
      %get3A_203 = arith.index_cast %get3A_200 : i32 to index
      %get3A_204 = arith.constant 64 : index
      %get3A_205 = tpu.vector_load %arg9[%get3A_201, %get3A_202, %get3A_203, %get3A_204] {strides = array<i32>} : memref<2x1x4x80xi32, #tpu.memory_space<vmem>>, vector<16xi32>,
      tpu.vector_store_idx %arg10[%get3A_205, %iota3A], %broadcast_in_dim3A_3 {add = true} : memref<256x16xf32, #tpu.memory_space<vmem>>[vector<16xi32>, vector<16xi32>], vector<16xf32>,
      %get3A_206 = arith.constant 0 : i32
      %get3A_207 = arith.constant 0 : i32
      %get3A_208 = arith.constant 1 : i32
      %get3A_209 = arith.index_cast %get3A_206 : i32 to index
      %get3A_210 = arith.index_cast %get3A_207 : i32 to index
      %get3A_211 = arith.index_cast %get3A_208 : i32 to index
      %get3A_212 = arith.constant 0 : index
      %get3A_213 = tpu.vector_load %arg9[%get3A_209, %get3A_210, %get3A_211, %get3A_212] {strides = array<i32>} : memref<2x1x4x80xi32, #tpu.memory_space<vmem>>, vector<16xi32>,
      tpu.vector_store_idx %arg10[%get3A_213, %iota3A], %broadcast_in_dim3A_3 {add = true} : memref<256x16xf32, #tpu.memory_space<vmem>>[vector<16xi32>, vector<16xi32>], vector<16xf32>,
      %get3A_214 = arith.constant 0 : i32
      %get3A_215 = arith.constant 0 : i32
      %get3A_216 = arith.constant 1 : i32
      %get3A_217 = arith.index_cast %get3A_214 : i32 to index
      %get3A_218 = arith.index_cast %get3A_215 : i32 to index
      %get3A_219 = arith.index_cast %get3A_216 : i32 to index
      %get3A_220 = arith.constant 16 : index
      %get3A_221 = tpu.vector_load %arg9[%get3A_217, %get3A_218, %get3A_219, %get3A_220] {strides = array<i32>} : memref<2x1x4x80xi32, #tpu.memory_space<vmem>>, vector<16xi32>,
      tpu.vector_store_idx %arg10[%get3A_221, %iota3A], %broadcast_in_dim3A_3 {add = true} : memref<256x16xf32, #tpu.memory_space<vmem>>[vector<16xi32>, vector<16xi32>], vector<16xf32>,
      %get3A_222 = arith.constant 0 : i32
      %get3A_223 = arith.constant 0 : i32
      %get3A_224 = arith.constant 1 : i32
      %get3A_225 = arith.index_cast %get3A_222 : i32 to index
      %get3A_226 = arith.index_cast %get3A_223 : i32 to index
      %get3A_227 = arith.index_cast %get3A_224 : i32 to index
      %get3A_228 = arith.constant 32 : index
      %get3A_229 = tpu.vector_load %arg9[%get3A_225, %get3A_226, %get3A_227, %get3A_228] {strides = array<i32>} : memref<2x1x4x80xi32, #tpu.memory_space<vmem>>, vector<16xi32>,
      tpu.vector_store_idx %arg10[%get3A_229, %iota3A], %broadcast_in_dim3A_3 {add = true} : memref<256x16xf32, #tpu.memory_space<vmem>>[vector<16xi32>, vector<16xi32>], vector<16xf32>,
      %get3A_230 = arith.constant 0 : i32
      %get3A_231 = arith.constant 0 : i32
      %get3A_232 = arith.constant 1 : i32
      %get3A_233 = arith.index_cast %get3A_230 : i32 to index
      %get3A_234 = arith.index_cast %get3A_231 : i32 to index
      %get3A_235 = arith.index_cast %get3A_232 : i32 to index
      %get3A_236 = arith.constant 48 : index
      %get3A_237 = tpu.vector_load %arg9[%get3A_233, %get3A_234, %get3A_235, %get3A_236] {strides = array<i32>} : memref<2x1x4x80xi32, #tpu.memory_space<vmem>>, vector<16xi32>,
      tpu.vector_store_idx %arg10[%get3A_237, %iota3A], %broadcast_in_dim3A_3 {add = true} : memref<256x16xf32, #tpu.memory_space<vmem>>[vector<16xi32>, vector<16xi32>], vector<16xf32>,
      %get3A_238 = arith.constant 0 : i32
      %get3A_239 = arith.constant 0 : i32
      %get3A_240 = arith.constant 1 : i32
      %get3A_241 = arith.index_cast %get3A_238 : i32 to index
      %get3A_242 = arith.index_cast %get3A_239 : i32 to index
      %get3A_243 = arith.index_cast %get3A_240 : i32 to index
      %get3A_244 = arith.constant 64 : index
      %get3A_245 = tpu.vector_load %arg9[%get3A_241, %get3A_242, %get3A_243, %get3A_244] {strides = array<i32>} : memref<2x1x4x80xi32, #tpu.memory_space<vmem>>, vector<16xi32>,
      tpu.vector_store_idx %arg10[%get3A_245, %iota3A], %broadcast_in_dim3A_3 {add = true} : memref<256x16xf32, #tpu.memory_space<vmem>>[vector<16xi32>, vector<16xi32>], vector<16xf32>,
      %get3A_246 = arith.constant 0 : i32
      %get3A_247 = arith.constant 0 : i32
      %get3A_248 = arith.constant 2 : i32
      %get3A_249 = arith.index_cast %get3A_246 : i32 to index
      %get3A_250 = arith.index_cast %get3A_247 : i32 to index
      %get3A_251 = arith.index_cast %get3A_248 : i32 to index
      %get3A_252 = arith.constant 0 : index
      %get3A_253 = tpu.vector_load %arg9[%get3A_249, %get3A_250, %get3A_251, %get3A_252] {strides = array<i32>} : memref<2x1x4x80xi32, #tpu.memory_space<vmem>>, vector<16xi32>,
      tpu.vector_store_idx %arg10[%get3A_253, %iota3A], %broadcast_in_dim3A_3 {add = true} : memref<256x16xf32, #tpu.memory_space<vmem>>[vector<16xi32>, vector<16xi32>], vector<16xf32>,
      %get3A_254 = arith.constant 0 : i32
      %get3A_255 = arith.constant 0 : i32
      %get3A_256 = arith.constant 2 : i32
      %get3A_257 = arith.index_cast %get3A_254 : i32 to index
      %get3A_258 = arith.index_cast %get3A_255 : i32 to index
      %get3A_259 = arith.index_cast %get3A_256 : i32 to index
      %get3A_260 = arith.constant 16 : index
      %get3A_261 = tpu.vector_load %arg9[%get3A_257, %get3A_258, %get3A_259, %get3A_260] {strides = array<i32>} : memref<2x1x4x80xi32, #tpu.memory_space<vmem>>, vector<16xi32>,
      tpu.vector_store_idx %arg10[%get3A_261, %iota3A], %broadcast_in_dim3A_3 {add = true} : memref<256x16xf32, #tpu.memory_space<vmem>>[vector<16xi32>, vector<16xi32>], vector<16xf32>,
      %get3A_262 = arith.constant 0 : i32
      %get3A_263 = arith.constant 0 : i32
      %get3A_264 = arith.constant 2 : i32
      %get3A_265 = arith.index_cast %get3A_262 : i32 to index
      %get3A_266 = arith.index_cast %get3A_263 : i32 to index
      %get3A_267 = arith.index_cast %get3A_264 : i32 to index
      %get3A_268 = arith.constant 32 : index
      %get3A_269 = tpu.vector_load %arg9[%get3A_265, %get3A_266, %get3A_267, %get3A_268] {strides = array<i32>} : memref<2x1x4x80xi32, #tpu.memory_space<vmem>>, vector<16xi32>,
      tpu.vector_store_idx %arg10[%get3A_269, %iota3A], %broadcast_in_dim3A_3 {add = true} : memref<256x16xf32, #tpu.memory_space<vmem>>[vector<16xi32>, vector<16xi32>], vector<16xf32>,
      %get3A_270 = arith.constant 0 : i32
      %get3A_271 = arith.constant 0 : i32
      %get3A_272 = arith.constant 2 : i32
      %get3A_273 = arith.index_cast %get3A_270 : i32 to index
      %get3A_274 = arith.index_cast %get3A_271 : i32 to index
      %get3A_275 = arith.index_cast %get3A_272 : i32 to index
      %get3A_276 = arith.constant 48 : index
      %get3A_277 = tpu.vector_load %arg9[%get3A_273, %get3A_274, %get3A_275, %get3A_276] {strides = array<i32>} : memref<2x1x4x80xi32, #tpu.memory_space<vmem>>, vector<16xi32>,
      tpu.vector_store_idx %arg10[%get3A_277, %iota3A], %broadcast_in_dim3A_3 {add = true} : memref<256x16xf32, #tpu.memory_space<vmem>>[vector<16xi32>, vector<16xi32>], vector<16xf32>,
      %get3A_278 = arith.constant 0 : i32
      %get3A_279 = arith.constant 0 : i32
      %get3A_280 = arith.constant 2 : i32
      %get3A_281 = arith.index_cast %get3A_278 : i32 to index
      %get3A_282 = arith.index_cast %get3A_279 : i32 to index
      %get3A_283 = arith.index_cast %get3A_280 : i32 to index
      %get3A_284 = arith.constant 64 : index
      %get3A_285 = tpu.vector_load %arg9[%get3A_281, %get3A_282, %get3A_283, %get3A_284] {strides = array<i32>} : memref<2x1x4x80xi32, #tpu.memory_space<vmem>>, vector<16xi32>,
      tpu.vector_store_idx %arg10[%get3A_285, %iota3A], %broadcast_in_dim3A_3 {add = true} : memref<256x16xf32, #tpu.memory_space<vmem>>[vector<16xi32>, vector<16xi32>], vector<16xf32>,
      %get3A_286 = arith.constant 0 : i32
      %get3A_287 = arith.constant 0 : i32
      %get3A_288 = arith.constant 3 : i32
      %get3A_289 = arith.index_cast %get3A_286 : i32 to index
      %get3A_290 = arith.index_cast %get3A_287 : i32 to index
      %get3A_291 = arith.index_cast %get3A_288 : i32 to index
      %get3A_292 = arith.constant 0 : index
      %get3A_293 = tpu.vector_load %arg9[%get3A_289, %get3A_290, %get3A_291, %get3A_292] {strides = array<i32>} : memref<2x1x4x80xi32, #tpu.memory_space<vmem>>, vector<16xi32>,
      tpu.vector_store_idx %arg10[%get3A_293, %iota3A], %broadcast_in_dim3A_3 {add = true} : memref<256x16xf32, #tpu.memory_space<vmem>>[vector<16xi32>, vector<16xi32>], vector<16xf32>,
      %get3A_294 = arith.constant 0 : i32
      %get3A_295 = arith.constant 0 : i32
      %get3A_296 = arith.constant 3 : i32
      %get3A_297 = arith.index_cast %get3A_294 : i32 to index
      %get3A_298 = arith.index_cast %get3A_295 : i32 to index
      %get3A_299 = arith.index_cast %get3A_296 : i32 to index
      %get3A_300 = arith.constant 16 : index
      %get3A_301 = tpu.vector_load %arg9[%get3A_297, %get3A_298, %get3A_299, %get3A_300] {strides = array<i32>} : memref<2x1x4x80xi32, #tpu.memory_space<vmem>>, vector<16xi32>,
      tpu.vector_store_idx %arg10[%get3A_301, %iota3A], %broadcast_in_dim3A_3 {add = true} : memref<256x16xf32, #tpu.memory_space<vmem>>[vector<16xi32>, vector<16xi32>], vector<16xf32>,
      %get3A_302 = arith.constant 0 : i32
      %get3A_303 = arith.constant 0 : i32
      %get3A_304 = arith.constant 3 : i32
      %get3A_305 = arith.index_cast %get3A_302 : i32 to index
      %get3A_306 = arith.index_cast %get3A_303 : i32 to index
      %get3A_307 = arith.index_cast %get3A_304 : i32 to index
      %get3A_308 = arith.constant 32 : index
      %get3A_309 = tpu.vector_load %arg9[%get3A_305, %get3A_306, %get3A_307, %get3A_308] {strides = array<i32>} : memref<2x1x4x80xi32, #tpu.memory_space<vmem>>, vector<16xi32>,
      tpu.vector_store_idx %arg10[%get3A_309, %iota3A], %broadcast_in_dim3A_3 {add = true} : memref<256x16xf32, #tpu.memory_space<vmem>>[vector<16xi32>, vector<16xi32>], vector<16xf32>,
      %get3A_310 = arith.constant 0 : i32
      %get3A_311 = arith.constant 0 : i32
      %get3A_312 = arith.constant 3 : i32
      %get3A_313 = arith.index_cast %get3A_310 : i32 to index
      %get3A_314 = arith.index_cast %get3A_311 : i32 to index
      %get3A_315 = arith.index_cast %get3A_312 : i32 to index
      %get3A_316 = arith.constant 48 : index
      %get3A_317 = tpu.vector_load %arg9[%get3A_313, %get3A_314, %get3A_315, %get3A_316] {strides = array<i32>} : memref<2x1x4x80xi32, #tpu.memory_space<vmem>>, vector<16xi32>,
      tpu.vector_store_idx %arg10[%get3A_317, %iota3A], %broadcast_in_dim3A_3 {add = true} : memref<256x16xf32, #tpu.memory_space<vmem>>[vector<16xi32>, vector<16xi32>], vector<16xf32>,
      %get3A_318 = arith.constant 0 : i32
      %get3A_319 = arith.constant 0 : i32
      %get3A_320 = arith.constant 3 : i32
      %get3A_321 = arith.index_cast %get3A_318 : i32 to index
      %get3A_322 = arith.index_cast %get3A_319 : i32 to index
      %get3A_323 = arith.index_cast %get3A_320 : i32 to index
      %get3A_324 = arith.constant 64 : index
      %get3A_325 = tpu.vector_load %arg9[%get3A_321, %get3A_322, %get3A_323, %get3A_324] {strides = array<i32>} : memref<2x1x4x80xi32, #tpu.memory_space<vmem>>, vector<16xi32>,
      tpu.vector_store_idx %arg10[%get3A_325, %iota3A], %broadcast_in_dim3A_3 {add = true} : memref<256x16xf32, #tpu.memory_space<vmem>>[vector<16xi32>, vector<16xi32>], vector<16xf32>,
      %dma_wait3A_326 = arith.constant 0 : i32
      %dma_wait3A_327 = arith.constant 0 : i32
      %dma_wait3A_328 = arith.constant 0 : i32
      %dma_wait3A_329 = arith.constant 0 : i32
      %dma_wait3A_330 = arith.constant 0 : i32
      %dma_wait3A_331 = arith.constant 0 : i32
      %dma_wait3A_332 = tpu.memref_slice %arg8[%dma_wait3A_326, %dma_wait3A_330, %dma_wait3A_331] : memref<2x320x128xf32, #tpu.memory_space<vmem>> -> memref<1x80x128xf32, #tpu.memory_space<vmem>>
      %dma_wait3A_333 = tpu.memref_squeeze %dma_wait3A_332 : memref<1x80x128xf32, #tpu.memory_space<vmem>> -> memref<80x128xf32, #tpu.memory_space<vmem>>
      %dma_wait3A_334 = arith.constant 0 : i32
      %dma_wait3A_335 = tpu.memref_slice %arg9[%dma_wait3A_327, %dma_wait3A_328, %dma_wait3A_329, %dma_wait3A_334] : memref<2x1x4x80xi32, #tpu.memory_space<vmem>> -> memref<1x1x1x80xi32, #tpu.memory_space<vmem>>
      %dma_wait3A_336 = tpu.memref_squeeze %dma_wait3A_335 : memref<1x1x1x80xi32, #tpu.memory_space<vmem>> -> memref<80xi32, #tpu.memory_space<vmem>>
      %dma_wait3A_337 = arith.constant 0 : i32
      %dma_wait3A_338 = arith.constant 0 : i32
      %dma_wait3A_339 = tpu.memref_slice %arg11[%dma_wait3A_337, %dma_wait3A_338] : memref<256x128xf32, #tpu.memory_space<vmem_shared>> -> memref<256x128xf32, #tpu.memory_space<vmem_shared>>
      tpu.wait_indirect_dma semaphore(%arg12 : memref<!tpu.dma_semaphore, #tpu.memory_space<semaphore_mem>>) src(%dma_wait3A_333 : memref<80x128xf32, #tpu.memory_space<vmem>>) dst(%dma_wait3A_339 : memref<256x128xf32, #tpu.memory_space<vmem_shared>>)
      %dma_wait3A_340 = arith.constant 0 : i32
      %dma_wait3A_341 = arith.constant 0 : i32
      %dma_wait3A_342 = arith.constant 0 : i32
      %dma_wait3A_343 = arith.constant 1 : i32
      %dma_wait3A_344 = arith.constant 80 : i32
      %dma_wait3A_345 = arith.constant 0 : i32
      %dma_wait3A_346 = tpu.memref_slice %arg8[%dma_wait3A_340, %dma_wait3A_344, %dma_wait3A_345] : memref<2x320x128xf32, #tpu.memory_space<vmem>> -> memref<1x80x128xf32, #tpu.memory_space<vmem>>
      %dma_wait3A_347 = tpu.memref_squeeze %dma_wait3A_346 : memref<1x80x128xf32, #tpu.memory_space<vmem>> -> memref<80x128xf32, #tpu.memory_space<vmem>>
      %dma_wait3A_348 = arith.constant 0 : i32
      %dma_wait3A_349 = tpu.memref_slice %arg9[%dma_wait3A_341, %dma_wait3A_342, %dma_wait3A_343, %dma_wait3A_348] : memref<2x1x4x80xi32, #tpu.memory_space<vmem>> -> memref<1x1x1x80xi32, #tpu.memory_space<vmem>>
      %dma_wait3A_350 = tpu.memref_squeeze %dma_wait3A_349 : memref<1x1x1x80xi32, #tpu.memory_space<vmem>> -> memref<80xi32, #tpu.memory_space<vmem>>
      %dma_wait3A_351 = arith.constant 0 : i32
      %dma_wait3A_352 = arith.constant 0 : i32
      %dma_wait3A_353 = tpu.memref_slice %arg11[%dma_wait3A_351, %dma_wait3A_352] : memref<256x128xf32, #tpu.memory_space<vmem_shared>> -> memref<256x128xf32, #tpu.memory_space<vmem_shared>>
      tpu.wait_indirect_dma semaphore(%arg12 : memref<!tpu.dma_semaphore, #tpu.memory_space<semaphore_mem>>) src(%dma_wait3A_347 : memref<80x128xf32, #tpu.memory_space<vmem>>) dst(%dma_wait3A_353 : memref<256x128xf32, #tpu.memory_space<vmem_shared>>)
      %dma_wait3A_354 = arith.constant 0 : i32
      %dma_wait3A_355 = arith.constant 0 : i32
      %dma_wait3A_356 = arith.constant 0 : i32
      %dma_wait3A_357 = arith.constant 2 : i32
      %dma_wait3A_358 = arith.constant 160 : i32
      %dma_wait3A_359 = arith.constant 0 : i32
      %dma_wait3A_360 = tpu.memref_slice %arg8[%dma_wait3A_354, %dma_wait3A_358, %dma_wait3A_359] : memref<2x320x128xf32, #tpu.memory_space<vmem>> -> memref<1x80x128xf32, #tpu.memory_space<vmem>>
      %dma_wait3A_361 = tpu.memref_squeeze %dma_wait3A_360 : memref<1x80x128xf32, #tpu.memory_space<vmem>> -> memref<80x128xf32, #tpu.memory_space<vmem>>
      %dma_wait3A_362 = arith.constant 0 : i32
      %dma_wait3A_363 = tpu.memref_slice %arg9[%dma_wait3A_355, %dma_wait3A_356, %dma_wait3A_357, %dma_wait3A_362] : memref<2x1x4x80xi32, #tpu.memory_space<vmem>> -> memref<1x1x1x80xi32, #tpu.memory_space<vmem>>
      %dma_wait3A_364 = tpu.memref_squeeze %dma_wait3A_363 : memref<1x1x1x80xi32, #tpu.memory_space<vmem>> -> memref<80xi32, #tpu.memory_space<vmem>>
      %dma_wait3A_365 = arith.constant 0 : i32
      %dma_wait3A_366 = arith.constant 0 : i32
      %dma_wait3A_367 = tpu.memref_slice %arg11[%dma_wait3A_365, %dma_wait3A_366] : memref<256x128xf32, #tpu.memory_space<vmem_shared>> -> memref<256x128xf32, #tpu.memory_space<vmem_shared>>
      tpu.wait_indirect_dma semaphore(%arg12 : memref<!tpu.dma_semaphore, #tpu.memory_space<semaphore_mem>>) src(%dma_wait3A_361 : memref<80x128xf32, #tpu.memory_space<vmem>>) dst(%dma_wait3A_367 : memref<256x128xf32, #tpu.memory_space<vmem_shared>>)
      %dma_wait3A_368 = arith.constant 0 : i32
      %dma_wait3A_369 = arith.constant 0 : i32
      %dma_wait3A_370 = arith.constant 0 : i32
      %dma_wait3A_371 = arith.constant 3 : i32
      %dma_wait3A_372 = arith.constant 240 : i32
      %dma_wait3A_373 = arith.constant 0 : i32
      %dma_wait3A_374 = tpu.memref_slice %arg8[%dma_wait3A_368, %dma_wait3A_372, %dma_wait3A_373] : memref<2x320x128xf32, #tpu.memory_space<vmem>> -> memref<1x80x128xf32, #tpu.memory_space<vmem>>
      %dma_wait3A_375 = tpu.memref_squeeze %dma_wait3A_374 : memref<1x80x128xf32, #tpu.memory_space<vmem>> -> memref<80x128xf32, #tpu.memory_space<vmem>>
      %dma_wait3A_376 = arith.constant 0 : i32
      %dma_wait3A_377 = tpu.memref_slice %arg9[%dma_wait3A_369, %dma_wait3A_370, %dma_wait3A_371, %dma_wait3A_376] : memref<2x1x4x80xi32, #tpu.memory_space<vmem>> -> memref<1x1x1x80xi32, #tpu.memory_space<vmem>>
      %dma_wait3A_378 = tpu.memref_squeeze %dma_wait3A_377 : memref<1x1x1x80xi32, #tpu.memory_space<vmem>> -> memref<80xi32, #tpu.memory_space<vmem>>
      %dma_wait3A_379 = arith.constant 0 : i32
      %dma_wait3A_380 = arith.constant 0 : i32
      %dma_wait3A_381 = tpu.memref_slice %arg11[%dma_wait3A_379, %dma_wait3A_380] : memref<256x128xf32, #tpu.memory_space<vmem_shared>> -> memref<256x128xf32, #tpu.memory_space<vmem_shared>>
      tpu.wait_indirect_dma semaphore(%arg12 : memref<!tpu.dma_semaphore, #tpu.memory_space<semaphore_mem>>) src(%dma_wait3A_375 : memref<80x128xf32, #tpu.memory_space<vmem>>) dst(%dma_wait3A_381 : memref<256x128xf32, #tpu.memory_space<vmem_shared>>)
    } else {
    }
    %add3A_24 = arith.constant 64 : i32
    %add3A_25 = arith.addi %add3A, %add3A_24 : i32
    %lt3A_26 = arith.constant 150 : i32
    %lt3A_27 = arith.cmpi slt, %add3A_25, %lt3A_26 : i32
    %convert_element_type3A_28 = arith.extui %lt3A_27 : i1 to i32
    %cond3A_29 = arith.constant 0 : i32
    %cond3A_30 = arith.cmpi ne, %convert_element_type3A_28, %cond3A_29 : i32
    scf.if %cond3A_30 {
      %add3A_79 = arith.constant 64 : i32
      %add3A_80 = arith.addi %add3A, %add3A_79 : i32
      %mul3A_81 = arith.constant 320 : i32
      %mul3A_82 = arith.muli %add3A_80, %mul3A_81 : i32
      %dma_start3A = arith.constant 0 : i32
      %dma_start3A_83 = arith.constant 0 : i32
      %dma_start3A_84 = arith.constant 0 : i32
      %dma_start3A_85 = tpu.memref_slice %arg8[%dma_start3A, %dma_start3A_83, %dma_start3A_84] : memref<2x320x128xf32, #tpu.memory_space<vmem>> -> memref<1x320x128xf32, #tpu.memory_space<vmem>>
      %dma_start3A_86 = tpu.memref_squeeze %dma_start3A_85 : memref<1x320x128xf32, #tpu.memory_space<vmem>> -> memref<320x128xf32, #tpu.memory_space<vmem>>
      %dma_start3A_87 = arith.constant 0 : i32
      %dma_start3A_88 = tpu.memref_slice %arg2[%mul3A_82, %dma_start3A_87] : memref<100000x128xf32, #tpu.memory_space<hbm>> -> memref<320x128xf32, #tpu.memory_space<hbm>>
      %dma_start3A_89 = arith.constant 0 : i32
      %dma_start3A_90 = arith.constant 0 : i32
      %dma_start3A_91 = tpu.memref_slice %arg8[%dma_start3A, %dma_start3A_89, %dma_start3A_90] : memref<2x320x128xf32, #tpu.memory_space<vmem>> -> memref<1x320x128xf32, #tpu.memory_space<vmem>>
      %dma_start3A_92 = tpu.memref_squeeze %dma_start3A_91 : memref<1x320x128xf32, #tpu.memory_space<vmem>> -> memref<320x128xf32, #tpu.memory_space<vmem>>
      %dma_start3A_93 = arith.constant 0 : i32
      %dma_start3A_94 = tpu.memref_slice %arg2[%mul3A_82, %dma_start3A_93] : memref<100000x128xf32, #tpu.memory_space<hbm>> -> memref<320x128xf32, #tpu.memory_space<hbm>>
      tpu.enqueue_dma source(%dma_start3A_94 : memref<320x128xf32, #tpu.memory_space<hbm>>) target(%dma_start3A_92 : memref<320x128xf32, #tpu.memory_space<vmem>>) target_semaphore(%arg12 : memref<!tpu.dma_semaphore, #tpu.memory_space<semaphore_mem>>)
      %dma_start3A_95 = arith.constant 0 : i32
      %dma_start3A_96 = arith.constant 0 : i32
      %dma_start3A_97 = arith.constant 0 : i32
      %dma_start3A_98 = arith.constant 0 : i32
      %dma_start3A_99 = tpu.memref_slice %arg9[%dma_start3A_95, %dma_start3A_96, %dma_start3A_97, %dma_start3A_98] : memref<2x1x4x80xi32, #tpu.memory_space<vmem>> -> memref<1x1x4x80xi32, #tpu.memory_space<vmem>>
      %dma_start3A_100 = tpu.memref_squeeze %dma_start3A_99 : memref<1x1x4x80xi32, #tpu.memory_space<vmem>> -> memref<1x4x80xi32, #tpu.memory_space<vmem>>
      %dma_start3A_101 = arith.constant 0 : i32
      %dma_start3A_102 = arith.constant 0 : i32
      %dma_start3A_103 = tpu.memref_slice %arg3[%add3A_80, %dma_start3A_101, %dma_start3A_102] : memref<150x4x80xi32, #tpu.memory_space<hbm>> -> memref<1x4x80xi32, #tpu.memory_space<hbm>>
      %dma_start3A_104 = arith.constant 0 : i32
      %dma_start3A_105 = arith.constant 0 : i32
      %dma_start3A_106 = arith.constant 0 : i32
      %dma_start3A_107 = tpu.memref_slice %arg9[%dma_start3A_95, %dma_start3A_104, %dma_start3A_105, %dma_start3A_106] : memref<2x1x4x80xi32, #tpu.memory_space<vmem>> -> memref<1x1x4x80xi32, #tpu.memory_space<vmem>>
      %dma_start3A_108 = tpu.memref_squeeze %dma_start3A_107 : memref<1x1x4x80xi32, #tpu.memory_space<vmem>> -> memref<1x4x80xi32, #tpu.memory_space<vmem>>
      %dma_start3A_109 = arith.constant 0 : i32
      %dma_start3A_110 = arith.constant 0 : i32
      %dma_start3A_111 = tpu.memref_slice %arg3[%add3A_80, %dma_start3A_109, %dma_start3A_110] : memref<150x4x80xi32, #tpu.memory_space<hbm>> -> memref<1x4x80xi32, #tpu.memory_space<hbm>>
      tpu.enqueue_dma source(%dma_start3A_111 : memref<1x4x80xi32, #tpu.memory_space<hbm>>) target(%dma_start3A_108 : memref<1x4x80xi32, #tpu.memory_space<vmem>>) target_semaphore(%arg14 : memref<!tpu.dma_semaphore, #tpu.memory_space<semaphore_mem>>)
    } else {
    }
    %add3A_31 = arith.constant 32 : i32
    %add3A_32 = arith.addi %add3A, %add3A_31 : i32
    %lt3A_33 = arith.constant 150 : i32
    %lt3A_34 = arith.cmpi slt, %add3A_32, %lt3A_33 : i32
    %convert_element_type3A_35 = arith.extui %lt3A_34 : i1 to i32
    %cond3A_36 = arith.constant 0 : i32
    %cond3A_37 = arith.cmpi ne, %convert_element_type3A_35, %cond3A_36 : i32
    scf.if %cond3A_37 {
      %add3A_79 = arith.constant 32 : i32
      %add3A_80 = arith.addi %add3A, %add3A_79 : i32
      %mul3A_81 = arith.constant 320 : i32
      %mul3A_82 = arith.muli %add3A_80, %mul3A_81 : i32
      %dma_wait3A = arith.constant 1 : i32
      %dma_wait3A_83 = arith.constant 0 : i32
      %dma_wait3A_84 = arith.constant 0 : i32
      %dma_wait3A_85 = tpu.memref_slice %arg8[%dma_wait3A, %dma_wait3A_83, %dma_wait3A_84] : memref<2x320x128xf32, #tpu.memory_space<vmem>> -> memref<1x320x128xf32, #tpu.memory_space<vmem>>
      %dma_wait3A_86 = tpu.memref_squeeze %dma_wait3A_85 : memref<1x320x128xf32, #tpu.memory_space<vmem>> -> memref<320x128xf32, #tpu.memory_space<vmem>>
      %dma_wait3A_87 = arith.constant 0 : i32
      %dma_wait3A_88 = tpu.memref_slice %arg2[%mul3A_82, %dma_wait3A_87] : memref<100000x128xf32, #tpu.memory_space<hbm>> -> memref<320x128xf32, #tpu.memory_space<hbm>>
      %dma_wait3A_89 = arith.constant 0 : i32
      %dma_wait3A_90 = arith.constant 0 : i32
      %dma_wait3A_91 = tpu.memref_slice %arg8[%dma_wait3A, %dma_wait3A_89, %dma_wait3A_90] : memref<2x320x128xf32, #tpu.memory_space<vmem>> -> memref<1x320x128xf32, #tpu.memory_space<vmem>>
      %dma_wait3A_92 = tpu.memref_squeeze %dma_wait3A_91 : memref<1x320x128xf32, #tpu.memory_space<vmem>> -> memref<320x128xf32, #tpu.memory_space<vmem>>
      %dma_wait3A_93 = arith.constant 0 : i32
      %dma_wait3A_94 = tpu.memref_slice %arg2[%mul3A_82, %dma_wait3A_93] : memref<100000x128xf32, #tpu.memory_space<hbm>> -> memref<320x128xf32, #tpu.memory_space<hbm>>
      tpu.wait_dma2 semaphore(%arg13 : memref<!tpu.dma_semaphore, #tpu.memory_space<semaphore_mem>>) src(%dma_wait3A_94 : memref<320x128xf32, #tpu.memory_space<hbm>>) dst(%dma_wait3A_92 : memref<320x128xf32, #tpu.memory_space<vmem>>)
      %dma_wait3A_95 = arith.constant 1 : i32
      %dma_wait3A_96 = arith.constant 0 : i32
      %dma_wait3A_97 = arith.constant 0 : i32
      %dma_wait3A_98 = arith.constant 0 : i32
      %dma_wait3A_99 = tpu.memref_slice %arg9[%dma_wait3A_95, %dma_wait3A_96, %dma_wait3A_97, %dma_wait3A_98] : memref<2x1x4x80xi32, #tpu.memory_space<vmem>> -> memref<1x1x4x80xi32, #tpu.memory_space<vmem>>
      %dma_wait3A_100 = tpu.memref_squeeze %dma_wait3A_99 : memref<1x1x4x80xi32, #tpu.memory_space<vmem>> -> memref<1x4x80xi32, #tpu.memory_space<vmem>>
      %dma_wait3A_101 = arith.constant 0 : i32
      %dma_wait3A_102 = arith.constant 0 : i32
      %dma_wait3A_103 = tpu.memref_slice %arg3[%add3A_80, %dma_wait3A_101, %dma_wait3A_102] : memref<150x4x80xi32, #tpu.memory_space<hbm>> -> memref<1x4x80xi32, #tpu.memory_space<hbm>>
      %dma_wait3A_104 = arith.constant 0 : i32
      %dma_wait3A_105 = arith.constant 0 : i32
      %dma_wait3A_106 = arith.constant 0 : i32
      %dma_wait3A_107 = tpu.memref_slice %arg9[%dma_wait3A_95, %dma_wait3A_104, %dma_wait3A_105, %dma_wait3A_106] : memref<2x1x4x80xi32, #tpu.memory_space<vmem>> -> memref<1x1x4x80xi32, #tpu.memory_space<vmem>>
      %dma_wait3A_108 = tpu.memref_squeeze %dma_wait3A_107 : memref<1x1x4x80xi32, #tpu.memory_space<vmem>> -> memref<1x4x80xi32, #tpu.memory_space<vmem>>
      %dma_wait3A_109 = arith.constant 0 : i32
      %dma_wait3A_110 = arith.constant 0 : i32
      %dma_wait3A_111 = tpu.memref_slice %arg3[%add3A_80, %dma_wait3A_109, %dma_wait3A_110] : memref<150x4x80xi32, #tpu.memory_space<hbm>> -> memref<1x4x80xi32, #tpu.memory_space<hbm>>
      tpu.wait_dma2 semaphore(%arg15 : memref<!tpu.dma_semaphore, #tpu.memory_space<semaphore_mem>>) src(%dma_wait3A_111 : memref<1x4x80xi32, #tpu.memory_space<hbm>>) dst(%dma_wait3A_108 : memref<1x4x80xi32, #tpu.memory_space<vmem>>)
      %dma_start3A = arith.constant 1 : i32
      %dma_start3A_112 = arith.constant 1 : i32
      %dma_start3A_113 = arith.constant 0 : i32
      %dma_start3A_114 = arith.constant 0 : i32
      %dma_start3A_115 = arith.constant 0 : i32
      %dma_start3A_116 = arith.constant 0 : i32
      %dma_start3A_117 = tpu.memref_slice %arg8[%dma_start3A, %dma_start3A_115, %dma_start3A_116] : memref<2x320x128xf32, #tpu.memory_space<vmem>> -> memref<1x80x128xf32, #tpu.memory_space<vmem>>
      %dma_start3A_118 = tpu.memref_squeeze %dma_start3A_117 : memref<1x80x128xf32, #tpu.memory_space<vmem>> -> memref<80x128xf32, #tpu.memory_space<vmem>>
      %dma_start3A_119 = arith.constant 0 : i32
      %dma_start3A_120 = tpu.memref_slice %arg9[%dma_start3A_112, %dma_start3A_113, %dma_start3A_114, %dma_start3A_119] : memref<2x1x4x80xi32, #tpu.memory_space<vmem>> -> memref<1x1x1x80xi32, #tpu.memory_space<vmem>>
      %dma_start3A_121 = tpu.memref_squeeze %dma_start3A_120 : memref<1x1x1x80xi32, #tpu.memory_space<vmem>> -> memref<80xi32, #tpu.memory_space<vmem>>
      %dma_start3A_122 = arith.constant 0 : i32
      %dma_start3A_123 = arith.constant 0 : i32
      %dma_start3A_124 = tpu.memref_slice %arg11[%dma_start3A_122, %dma_start3A_123] : memref<256x128xf32, #tpu.memory_space<vmem_shared>> -> memref<256x128xf32, #tpu.memory_space<vmem_shared>>
      tpu.enqueue_indirect_dma source(%dma_start3A_118 : memref<80x128xf32, #tpu.memory_space<vmem>>) target(%dma_start3A_124 : memref<256x128xf32, #tpu.memory_space<vmem_shared>>) offsets(%dma_start3A_121 : memref<80xi32, #tpu.memory_space<vmem>>) semaphore(%arg13 : memref<!tpu.dma_semaphore, #tpu.memory_space<semaphore_mem>>) {add = true}
      %dma_start3A_125 = arith.constant 1 : i32
      %dma_start3A_126 = arith.constant 1 : i32
      %dma_start3A_127 = arith.constant 0 : i32
      %dma_start3A_128 = arith.constant 1 : i32
      %dma_start3A_129 = arith.constant 80 : i32
      %dma_start3A_130 = arith.constant 0 : i32
      %dma_start3A_131 = tpu.memref_slice %arg8[%dma_start3A_125, %dma_start3A_129, %dma_start3A_130] : memref<2x320x128xf32, #tpu.memory_space<vmem>> -> memref<1x80x128xf32, #tpu.memory_space<vmem>>
      %dma_start3A_132 = tpu.memref_squeeze %dma_start3A_131 : memref<1x80x128xf32, #tpu.memory_space<vmem>> -> memref<80x128xf32, #tpu.memory_space<vmem>>
      %dma_start3A_133 = arith.constant 0 : i32
      %dma_start3A_134 = tpu.memref_slice %arg9[%dma_start3A_126, %dma_start3A_127, %dma_start3A_128, %dma_start3A_133] : memref<2x1x4x80xi32, #tpu.memory_space<vmem>> -> memref<1x1x1x80xi32, #tpu.memory_space<vmem>>
      %dma_start3A_135 = tpu.memref_squeeze %dma_start3A_134 : memref<1x1x1x80xi32, #tpu.memory_space<vmem>> -> memref<80xi32, #tpu.memory_space<vmem>>
      %dma_start3A_136 = arith.constant 0 : i32
      %dma_start3A_137 = arith.constant 0 : i32
      %dma_start3A_138 = tpu.memref_slice %arg11[%dma_start3A_136, %dma_start3A_137] : memref<256x128xf32, #tpu.memory_space<vmem_shared>> -> memref<256x128xf32, #tpu.memory_space<vmem_shared>>
      tpu.enqueue_indirect_dma source(%dma_start3A_132 : memref<80x128xf32, #tpu.memory_space<vmem>>) target(%dma_start3A_138 : memref<256x128xf32, #tpu.memory_space<vmem_shared>>) offsets(%dma_start3A_135 : memref<80xi32, #tpu.memory_space<vmem>>) semaphore(%arg13 : memref<!tpu.dma_semaphore, #tpu.memory_space<semaphore_mem>>) {add = true}
      %dma_start3A_139 = arith.constant 1 : i32
      %dma_start3A_140 = arith.constant 1 : i32
      %dma_start3A_141 = arith.constant 0 : i32
      %dma_start3A_142 = arith.constant 2 : i32
      %dma_start3A_143 = arith.constant 160 : i32
      %dma_start3A_144 = arith.constant 0 : i32
      %dma_start3A_145 = tpu.memref_slice %arg8[%dma_start3A_139, %dma_start3A_143, %dma_start3A_144] : memref<2x320x128xf32, #tpu.memory_space<vmem>> -> memref<1x80x128xf32, #tpu.memory_space<vmem>>
      %dma_start3A_146 = tpu.memref_squeeze %dma_start3A_145 : memref<1x80x128xf32, #tpu.memory_space<vmem>> -> memref<80x128xf32, #tpu.memory_space<vmem>>
      %dma_start3A_147 = arith.constant 0 : i32
      %dma_start3A_148 = tpu.memref_slice %arg9[%dma_start3A_140, %dma_start3A_141, %dma_start3A_142, %dma_start3A_147] : memref<2x1x4x80xi32, #tpu.memory_space<vmem>> -> memref<1x1x1x80xi32, #tpu.memory_space<vmem>>
      %dma_start3A_149 = tpu.memref_squeeze %dma_start3A_148 : memref<1x1x1x80xi32, #tpu.memory_space<vmem>> -> memref<80xi32, #tpu.memory_space<vmem>>
      %dma_start3A_150 = arith.constant 0 : i32
      %dma_start3A_151 = arith.constant 0 : i32
      %dma_start3A_152 = tpu.memref_slice %arg11[%dma_start3A_150, %dma_start3A_151] : memref<256x128xf32, #tpu.memory_space<vmem_shared>> -> memref<256x128xf32, #tpu.memory_space<vmem_shared>>
      tpu.enqueue_indirect_dma source(%dma_start3A_146 : memref<80x128xf32, #tpu.memory_space<vmem>>) target(%dma_start3A_152 : memref<256x128xf32, #tpu.memory_space<vmem_shared>>) offsets(%dma_start3A_149 : memref<80xi32, #tpu.memory_space<vmem>>) semaphore(%arg13 : memref<!tpu.dma_semaphore, #tpu.memory_space<semaphore_mem>>) {add = true}
      %dma_start3A_153 = arith.constant 1 : i32
      %dma_start3A_154 = arith.constant 1 : i32
      %dma_start3A_155 = arith.constant 0 : i32
      %dma_start3A_156 = arith.constant 3 : i32
      %dma_start3A_157 = arith.constant 240 : i32
      %dma_start3A_158 = arith.constant 0 : i32
      %dma_start3A_159 = tpu.memref_slice %arg8[%dma_start3A_153, %dma_start3A_157, %dma_start3A_158] : memref<2x320x128xf32, #tpu.memory_space<vmem>> -> memref<1x80x128xf32, #tpu.memory_space<vmem>>
      %dma_start3A_160 = tpu.memref_squeeze %dma_start3A_159 : memref<1x80x128xf32, #tpu.memory_space<vmem>> -> memref<80x128xf32, #tpu.memory_space<vmem>>
      %dma_start3A_161 = arith.constant 0 : i32
      %dma_start3A_162 = tpu.memref_slice %arg9[%dma_start3A_154, %dma_start3A_155, %dma_start3A_156, %dma_start3A_161] : memref<2x1x4x80xi32, #tpu.memory_space<vmem>> -> memref<1x1x1x80xi32, #tpu.memory_space<vmem>>
      %dma_start3A_163 = tpu.memref_squeeze %dma_start3A_162 : memref<1x1x1x80xi32, #tpu.memory_space<vmem>> -> memref<80xi32, #tpu.memory_space<vmem>>
      %dma_start3A_164 = arith.constant 0 : i32
      %dma_start3A_165 = arith.constant 0 : i32
      %dma_start3A_166 = tpu.memref_slice %arg11[%dma_start3A_164, %dma_start3A_165] : memref<256x128xf32, #tpu.memory_space<vmem_shared>> -> memref<256x128xf32, #tpu.memory_space<vmem_shared>>
      tpu.enqueue_indirect_dma source(%dma_start3A_160 : memref<80x128xf32, #tpu.memory_space<vmem>>) target(%dma_start3A_166 : memref<256x128xf32, #tpu.memory_space<vmem_shared>>) offsets(%dma_start3A_163 : memref<80xi32, #tpu.memory_space<vmem>>) semaphore(%arg13 : memref<!tpu.dma_semaphore, #tpu.memory_space<semaphore_mem>>) {add = true}
      %get3A = arith.constant 1 : i32
      %get3A_167 = arith.constant 0 : i32
      %get3A_168 = arith.constant 0 : i32
      %get3A_169 = arith.index_cast %get3A : i32 to index
      %get3A_170 = arith.index_cast %get3A_167 : i32 to index
      %get3A_171 = arith.index_cast %get3A_168 : i32 to index
      %get3A_172 = arith.constant 0 : index
      %get3A_173 = tpu.vector_load %arg9[%get3A_169, %get3A_170, %get3A_171, %get3A_172] {strides = array<i32>} : memref<2x1x4x80xi32, #tpu.memory_space<vmem>>, vector<16xi32>,
      tpu.vector_store_idx %arg10[%get3A_173, %iota3A], %broadcast_in_dim3A_3 {add = true} : memref<256x16xf32, #tpu.memory_space<vmem>>[vector<16xi32>, vector<16xi32>], vector<16xf32>,
      %get3A_174 = arith.constant 1 : i32
      %get3A_175 = arith.constant 0 : i32
      %get3A_176 = arith.constant 0 : i32
      %get3A_177 = arith.index_cast %get3A_174 : i32 to index
      %get3A_178 = arith.index_cast %get3A_175 : i32 to index
      %get3A_179 = arith.index_cast %get3A_176 : i32 to index
      %get3A_180 = arith.constant 16 : index
      %get3A_181 = tpu.vector_load %arg9[%get3A_177, %get3A_178, %get3A_179, %get3A_180] {strides = array<i32>} : memref<2x1x4x80xi32, #tpu.memory_space<vmem>>, vector<16xi32>,
      tpu.vector_store_idx %arg10[%get3A_181, %iota3A], %broadcast_in_dim3A_3 {add = true} : memref<256x16xf32, #tpu.memory_space<vmem>>[vector<16xi32>, vector<16xi32>], vector<16xf32>,
      %get3A_182 = arith.constant 1 : i32
      %get3A_183 = arith.constant 0 : i32
      %get3A_184 = arith.constant 0 : i32
      %get3A_185 = arith.index_cast %get3A_182 : i32 to index
      %get3A_186 = arith.index_cast %get3A_183 : i32 to index
      %get3A_187 = arith.index_cast %get3A_184 : i32 to index
      %get3A_188 = arith.constant 32 : index
      %get3A_189 = tpu.vector_load %arg9[%get3A_185, %get3A_186, %get3A_187, %get3A_188] {strides = array<i32>} : memref<2x1x4x80xi32, #tpu.memory_space<vmem>>, vector<16xi32>,
      tpu.vector_store_idx %arg10[%get3A_189, %iota3A], %broadcast_in_dim3A_3 {add = true} : memref<256x16xf32, #tpu.memory_space<vmem>>[vector<16xi32>, vector<16xi32>], vector<16xf32>,
      %get3A_190 = arith.constant 1 : i32
      %get3A_191 = arith.constant 0 : i32
      %get3A_192 = arith.constant 0 : i32
      %get3A_193 = arith.index_cast %get3A_190 : i32 to index
      %get3A_194 = arith.index_cast %get3A_191 : i32 to index
      %get3A_195 = arith.index_cast %get3A_192 : i32 to index
      %get3A_196 = arith.constant 48 : index
      %get3A_197 = tpu.vector_load %arg9[%get3A_193, %get3A_194, %get3A_195, %get3A_196] {strides = array<i32>} : memref<2x1x4x80xi32, #tpu.memory_space<vmem>>, vector<16xi32>,
      tpu.vector_store_idx %arg10[%get3A_197, %iota3A], %broadcast_in_dim3A_3 {add = true} : memref<256x16xf32, #tpu.memory_space<vmem>>[vector<16xi32>, vector<16xi32>], vector<16xf32>,
      %get3A_198 = arith.constant 1 : i32
      %get3A_199 = arith.constant 0 : i32
      %get3A_200 = arith.constant 0 : i32
      %get3A_201 = arith.index_cast %get3A_198 : i32 to index
      %get3A_202 = arith.index_cast %get3A_199 : i32 to index
      %get3A_203 = arith.index_cast %get3A_200 : i32 to index
      %get3A_204 = arith.constant 64 : index
      %get3A_205 = tpu.vector_load %arg9[%get3A_201, %get3A_202, %get3A_203, %get3A_204] {strides = array<i32>} : memref<2x1x4x80xi32, #tpu.memory_space<vmem>>, vector<16xi32>,
      tpu.vector_store_idx %arg10[%get3A_205, %iota3A], %broadcast_in_dim3A_3 {add = true} : memref<256x16xf32, #tpu.memory_space<vmem>>[vector<16xi32>, vector<16xi32>], vector<16xf32>,
      %get3A_206 = arith.constant 1 : i32
      %get3A_207 = arith.constant 0 : i32
      %get3A_208 = arith.constant 1 : i32
      %get3A_209 = arith.index_cast %get3A_206 : i32 to index
      %get3A_210 = arith.index_cast %get3A_207 : i32 to index
      %get3A_211 = arith.index_cast %get3A_208 : i32 to index
      %get3A_212 = arith.constant 0 : index
      %get3A_213 = tpu.vector_load %arg9[%get3A_209, %get3A_210, %get3A_211, %get3A_212] {strides = array<i32>} : memref<2x1x4x80xi32, #tpu.memory_space<vmem>>, vector<16xi32>,
      tpu.vector_store_idx %arg10[%get3A_213, %iota3A], %broadcast_in_dim3A_3 {add = true} : memref<256x16xf32, #tpu.memory_space<vmem>>[vector<16xi32>, vector<16xi32>], vector<16xf32>,
      %get3A_214 = arith.constant 1 : i32
      %get3A_215 = arith.constant 0 : i32
      %get3A_216 = arith.constant 1 : i32
      %get3A_217 = arith.index_cast %get3A_214 : i32 to index
      %get3A_218 = arith.index_cast %get3A_215 : i32 to index
      %get3A_219 = arith.index_cast %get3A_216 : i32 to index
      %get3A_220 = arith.constant 16 : index
      %get3A_221 = tpu.vector_load %arg9[%get3A_217, %get3A_218, %get3A_219, %get3A_220] {strides = array<i32>} : memref<2x1x4x80xi32, #tpu.memory_space<vmem>>, vector<16xi32>,
      tpu.vector_store_idx %arg10[%get3A_221, %iota3A], %broadcast_in_dim3A_3 {add = true} : memref<256x16xf32, #tpu.memory_space<vmem>>[vector<16xi32>, vector<16xi32>], vector<16xf32>,
      %get3A_222 = arith.constant 1 : i32
      %get3A_223 = arith.constant 0 : i32
      %get3A_224 = arith.constant 1 : i32
      %get3A_225 = arith.index_cast %get3A_222 : i32 to index
      %get3A_226 = arith.index_cast %get3A_223 : i32 to index
      %get3A_227 = arith.index_cast %get3A_224 : i32 to index
      %get3A_228 = arith.constant 32 : index
      %get3A_229 = tpu.vector_load %arg9[%get3A_225, %get3A_226, %get3A_227, %get3A_228] {strides = array<i32>} : memref<2x1x4x80xi32, #tpu.memory_space<vmem>>, vector<16xi32>,
      tpu.vector_store_idx %arg10[%get3A_229, %iota3A], %broadcast_in_dim3A_3 {add = true} : memref<256x16xf32, #tpu.memory_space<vmem>>[vector<16xi32>, vector<16xi32>], vector<16xf32>,
      %get3A_230 = arith.constant 1 : i32
      %get3A_231 = arith.constant 0 : i32
      %get3A_232 = arith.constant 1 : i32
      %get3A_233 = arith.index_cast %get3A_230 : i32 to index
      %get3A_234 = arith.index_cast %get3A_231 : i32 to index
      %get3A_235 = arith.index_cast %get3A_232 : i32 to index
      %get3A_236 = arith.constant 48 : index
      %get3A_237 = tpu.vector_load %arg9[%get3A_233, %get3A_234, %get3A_235, %get3A_236] {strides = array<i32>} : memref<2x1x4x80xi32, #tpu.memory_space<vmem>>, vector<16xi32>,
      tpu.vector_store_idx %arg10[%get3A_237, %iota3A], %broadcast_in_dim3A_3 {add = true} : memref<256x16xf32, #tpu.memory_space<vmem>>[vector<16xi32>, vector<16xi32>], vector<16xf32>,
      %get3A_238 = arith.constant 1 : i32
      %get3A_239 = arith.constant 0 : i32
      %get3A_240 = arith.constant 1 : i32
      %get3A_241 = arith.index_cast %get3A_238 : i32 to index
      %get3A_242 = arith.index_cast %get3A_239 : i32 to index
      %get3A_243 = arith.index_cast %get3A_240 : i32 to index
      %get3A_244 = arith.constant 64 : index
      %get3A_245 = tpu.vector_load %arg9[%get3A_241, %get3A_242, %get3A_243, %get3A_244] {strides = array<i32>} : memref<2x1x4x80xi32, #tpu.memory_space<vmem>>, vector<16xi32>,
      tpu.vector_store_idx %arg10[%get3A_245, %iota3A], %broadcast_in_dim3A_3 {add = true} : memref<256x16xf32, #tpu.memory_space<vmem>>[vector<16xi32>, vector<16xi32>], vector<16xf32>,
      %get3A_246 = arith.constant 1 : i32
      %get3A_247 = arith.constant 0 : i32
      %get3A_248 = arith.constant 2 : i32
      %get3A_249 = arith.index_cast %get3A_246 : i32 to index
      %get3A_250 = arith.index_cast %get3A_247 : i32 to index
      %get3A_251 = arith.index_cast %get3A_248 : i32 to index
      %get3A_252 = arith.constant 0 : index
      %get3A_253 = tpu.vector_load %arg9[%get3A_249, %get3A_250, %get3A_251, %get3A_252] {strides = array<i32>} : memref<2x1x4x80xi32, #tpu.memory_space<vmem>>, vector<16xi32>,
      tpu.vector_store_idx %arg10[%get3A_253, %iota3A], %broadcast_in_dim3A_3 {add = true} : memref<256x16xf32, #tpu.memory_space<vmem>>[vector<16xi32>, vector<16xi32>], vector<16xf32>,
      %get3A_254 = arith.constant 1 : i32
      %get3A_255 = arith.constant 0 : i32
      %get3A_256 = arith.constant 2 : i32
      %get3A_257 = arith.index_cast %get3A_254 : i32 to index
      %get3A_258 = arith.index_cast %get3A_255 : i32 to index
      %get3A_259 = arith.index_cast %get3A_256 : i32 to index
      %get3A_260 = arith.constant 16 : index
      %get3A_261 = tpu.vector_load %arg9[%get3A_257, %get3A_258, %get3A_259, %get3A_260] {strides = array<i32>} : memref<2x1x4x80xi32, #tpu.memory_space<vmem>>, vector<16xi32>,
      tpu.vector_store_idx %arg10[%get3A_261, %iota3A], %broadcast_in_dim3A_3 {add = true} : memref<256x16xf32, #tpu.memory_space<vmem>>[vector<16xi32>, vector<16xi32>], vector<16xf32>,
      %get3A_262 = arith.constant 1 : i32
      %get3A_263 = arith.constant 0 : i32
      %get3A_264 = arith.constant 2 : i32
      %get3A_265 = arith.index_cast %get3A_262 : i32 to index
      %get3A_266 = arith.index_cast %get3A_263 : i32 to index
      %get3A_267 = arith.index_cast %get3A_264 : i32 to index
      %get3A_268 = arith.constant 32 : index
      %get3A_269 = tpu.vector_load %arg9[%get3A_265, %get3A_266, %get3A_267, %get3A_268] {strides = array<i32>} : memref<2x1x4x80xi32, #tpu.memory_space<vmem>>, vector<16xi32>,
      tpu.vector_store_idx %arg10[%get3A_269, %iota3A], %broadcast_in_dim3A_3 {add = true} : memref<256x16xf32, #tpu.memory_space<vmem>>[vector<16xi32>, vector<16xi32>], vector<16xf32>,
      %get3A_270 = arith.constant 1 : i32
      %get3A_271 = arith.constant 0 : i32
      %get3A_272 = arith.constant 2 : i32
      %get3A_273 = arith.index_cast %get3A_270 : i32 to index
      %get3A_274 = arith.index_cast %get3A_271 : i32 to index
      %get3A_275 = arith.index_cast %get3A_272 : i32 to index
      %get3A_276 = arith.constant 48 : index
      %get3A_277 = tpu.vector_load %arg9[%get3A_273, %get3A_274, %get3A_275, %get3A_276] {strides = array<i32>} : memref<2x1x4x80xi32, #tpu.memory_space<vmem>>, vector<16xi32>,
      tpu.vector_store_idx %arg10[%get3A_277, %iota3A], %broadcast_in_dim3A_3 {add = true} : memref<256x16xf32, #tpu.memory_space<vmem>>[vector<16xi32>, vector<16xi32>], vector<16xf32>,
      %get3A_278 = arith.constant 1 : i32
      %get3A_279 = arith.constant 0 : i32
      %get3A_280 = arith.constant 2 : i32
      %get3A_281 = arith.index_cast %get3A_278 : i32 to index
      %get3A_282 = arith.index_cast %get3A_279 : i32 to index
      %get3A_283 = arith.index_cast %get3A_280 : i32 to index
      %get3A_284 = arith.constant 64 : index
      %get3A_285 = tpu.vector_load %arg9[%get3A_281, %get3A_282, %get3A_283, %get3A_284] {strides = array<i32>} : memref<2x1x4x80xi32, #tpu.memory_space<vmem>>, vector<16xi32>,
      tpu.vector_store_idx %arg10[%get3A_285, %iota3A], %broadcast_in_dim3A_3 {add = true} : memref<256x16xf32, #tpu.memory_space<vmem>>[vector<16xi32>, vector<16xi32>], vector<16xf32>,
      %get3A_286 = arith.constant 1 : i32
      %get3A_287 = arith.constant 0 : i32
      %get3A_288 = arith.constant 3 : i32
      %get3A_289 = arith.index_cast %get3A_286 : i32 to index
      %get3A_290 = arith.index_cast %get3A_287 : i32 to index
      %get3A_291 = arith.index_cast %get3A_288 : i32 to index
      %get3A_292 = arith.constant 0 : index
      %get3A_293 = tpu.vector_load %arg9[%get3A_289, %get3A_290, %get3A_291, %get3A_292] {strides = array<i32>} : memref<2x1x4x80xi32, #tpu.memory_space<vmem>>, vector<16xi32>,
      tpu.vector_store_idx %arg10[%get3A_293, %iota3A], %broadcast_in_dim3A_3 {add = true} : memref<256x16xf32, #tpu.memory_space<vmem>>[vector<16xi32>, vector<16xi32>], vector<16xf32>,
      %get3A_294 = arith.constant 1 : i32
      %get3A_295 = arith.constant 0 : i32
      %get3A_296 = arith.constant 3 : i32
      %get3A_297 = arith.index_cast %get3A_294 : i32 to index
      %get3A_298 = arith.index_cast %get3A_295 : i32 to index
      %get3A_299 = arith.index_cast %get3A_296 : i32 to index
      %get3A_300 = arith.constant 16 : index
      %get3A_301 = tpu.vector_load %arg9[%get3A_297, %get3A_298, %get3A_299, %get3A_300] {strides = array<i32>} : memref<2x1x4x80xi32, #tpu.memory_space<vmem>>, vector<16xi32>,
      tpu.vector_store_idx %arg10[%get3A_301, %iota3A], %broadcast_in_dim3A_3 {add = true} : memref<256x16xf32, #tpu.memory_space<vmem>>[vector<16xi32>, vector<16xi32>], vector<16xf32>,
      %get3A_302 = arith.constant 1 : i32
      %get3A_303 = arith.constant 0 : i32
      %get3A_304 = arith.constant 3 : i32
      %get3A_305 = arith.index_cast %get3A_302 : i32 to index
      %get3A_306 = arith.index_cast %get3A_303 : i32 to index
      %get3A_307 = arith.index_cast %get3A_304 : i32 to index
      %get3A_308 = arith.constant 32 : index
      %get3A_309 = tpu.vector_load %arg9[%get3A_305, %get3A_306, %get3A_307, %get3A_308] {strides = array<i32>} : memref<2x1x4x80xi32, #tpu.memory_space<vmem>>, vector<16xi32>,
      tpu.vector_store_idx %arg10[%get3A_309, %iota3A], %broadcast_in_dim3A_3 {add = true} : memref<256x16xf32, #tpu.memory_space<vmem>>[vector<16xi32>, vector<16xi32>], vector<16xf32>,
      %get3A_310 = arith.constant 1 : i32
      %get3A_311 = arith.constant 0 : i32
      %get3A_312 = arith.constant 3 : i32
      %get3A_313 = arith.index_cast %get3A_310 : i32 to index
      %get3A_314 = arith.index_cast %get3A_311 : i32 to index
      %get3A_315 = arith.index_cast %get3A_312 : i32 to index
      %get3A_316 = arith.constant 48 : index
      %get3A_317 = tpu.vector_load %arg9[%get3A_313, %get3A_314, %get3A_315, %get3A_316] {strides = array<i32>} : memref<2x1x4x80xi32, #tpu.memory_space<vmem>>, vector<16xi32>,
      tpu.vector_store_idx %arg10[%get3A_317, %iota3A], %broadcast_in_dim3A_3 {add = true} : memref<256x16xf32, #tpu.memory_space<vmem>>[vector<16xi32>, vector<16xi32>], vector<16xf32>,
      %get3A_318 = arith.constant 1 : i32
      %get3A_319 = arith.constant 0 : i32
      %get3A_320 = arith.constant 3 : i32
      %get3A_321 = arith.index_cast %get3A_318 : i32 to index
      %get3A_322 = arith.index_cast %get3A_319 : i32 to index
      %get3A_323 = arith.index_cast %get3A_320 : i32 to index
      %get3A_324 = arith.constant 64 : index
      %get3A_325 = tpu.vector_load %arg9[%get3A_321, %get3A_322, %get3A_323, %get3A_324] {strides = array<i32>} : memref<2x1x4x80xi32, #tpu.memory_space<vmem>>, vector<16xi32>,
      tpu.vector_store_idx %arg10[%get3A_325, %iota3A], %broadcast_in_dim3A_3 {add = true} : memref<256x16xf32, #tpu.memory_space<vmem>>[vector<16xi32>, vector<16xi32>], vector<16xf32>,
      %dma_wait3A_326 = arith.constant 1 : i32
      %dma_wait3A_327 = arith.constant 1 : i32
      %dma_wait3A_328 = arith.constant 0 : i32
      %dma_wait3A_329 = arith.constant 0 : i32
      %dma_wait3A_330 = arith.constant 0 : i32
      %dma_wait3A_331 = arith.constant 0 : i32
      %dma_wait3A_332 = tpu.memref_slice %arg8[%dma_wait3A_326, %dma_wait3A_330, %dma_wait3A_331] : memref<2x320x128xf32, #tpu.memory_space<vmem>> -> memref<1x80x128xf32, #tpu.memory_space<vmem>>
      %dma_wait3A_333 = tpu.memref_squeeze %dma_wait3A_332 : memref<1x80x128xf32, #tpu.memory_space<vmem>> -> memref<80x128xf32, #tpu.memory_space<vmem>>
      %dma_wait3A_334 = arith.constant 0 : i32
      %dma_wait3A_335 = tpu.memref_slice %arg9[%dma_wait3A_327, %dma_wait3A_328, %dma_wait3A_329, %dma_wait3A_334] : memref<2x1x4x80xi32, #tpu.memory_space<vmem>> -> memref<1x1x1x80xi32, #tpu.memory_space<vmem>>
      %dma_wait3A_336 = tpu.memref_squeeze %dma_wait3A_335 : memref<1x1x1x80xi32, #tpu.memory_space<vmem>> -> memref<80xi32, #tpu.memory_space<vmem>>
      %dma_wait3A_337 = arith.constant 0 : i32
      %dma_wait3A_338 = arith.constant 0 : i32
      %dma_wait3A_339 = tpu.memref_slice %arg11[%dma_wait3A_337, %dma_wait3A_338] : memref<256x128xf32, #tpu.memory_space<vmem_shared>> -> memref<256x128xf32, #tpu.memory_space<vmem_shared>>
      tpu.wait_indirect_dma semaphore(%arg13 : memref<!tpu.dma_semaphore, #tpu.memory_space<semaphore_mem>>) src(%dma_wait3A_333 : memref<80x128xf32, #tpu.memory_space<vmem>>) dst(%dma_wait3A_339 : memref<256x128xf32, #tpu.memory_space<vmem_shared>>)
      %dma_wait3A_340 = arith.constant 1 : i32
      %dma_wait3A_341 = arith.constant 1 : i32
      %dma_wait3A_342 = arith.constant 0 : i32
      %dma_wait3A_343 = arith.constant 1 : i32
      %dma_wait3A_344 = arith.constant 80 : i32
      %dma_wait3A_345 = arith.constant 0 : i32
      %dma_wait3A_346 = tpu.memref_slice %arg8[%dma_wait3A_340, %dma_wait3A_344, %dma_wait3A_345] : memref<2x320x128xf32, #tpu.memory_space<vmem>> -> memref<1x80x128xf32, #tpu.memory_space<vmem>>
      %dma_wait3A_347 = tpu.memref_squeeze %dma_wait3A_346 : memref<1x80x128xf32, #tpu.memory_space<vmem>> -> memref<80x128xf32, #tpu.memory_space<vmem>>
      %dma_wait3A_348 = arith.constant 0 : i32
      %dma_wait3A_349 = tpu.memref_slice %arg9[%dma_wait3A_341, %dma_wait3A_342, %dma_wait3A_343, %dma_wait3A_348] : memref<2x1x4x80xi32, #tpu.memory_space<vmem>> -> memref<1x1x1x80xi32, #tpu.memory_space<vmem>>
      %dma_wait3A_350 = tpu.memref_squeeze %dma_wait3A_349 : memref<1x1x1x80xi32, #tpu.memory_space<vmem>> -> memref<80xi32, #tpu.memory_space<vmem>>
      %dma_wait3A_351 = arith.constant 0 : i32
      %dma_wait3A_352 = arith.constant 0 : i32
      %dma_wait3A_353 = tpu.memref_slice %arg11[%dma_wait3A_351, %dma_wait3A_352] : memref<256x128xf32, #tpu.memory_space<vmem_shared>> -> memref<256x128xf32, #tpu.memory_space<vmem_shared>>
      tpu.wait_indirect_dma semaphore(%arg13 : memref<!tpu.dma_semaphore, #tpu.memory_space<semaphore_mem>>) src(%dma_wait3A_347 : memref<80x128xf32, #tpu.memory_space<vmem>>) dst(%dma_wait3A_353 : memref<256x128xf32, #tpu.memory_space<vmem_shared>>)
      %dma_wait3A_354 = arith.constant 1 : i32
      %dma_wait3A_355 = arith.constant 1 : i32
      %dma_wait3A_356 = arith.constant 0 : i32
      %dma_wait3A_357 = arith.constant 2 : i32
      %dma_wait3A_358 = arith.constant 160 : i32
      %dma_wait3A_359 = arith.constant 0 : i32
      %dma_wait3A_360 = tpu.memref_slice %arg8[%dma_wait3A_354, %dma_wait3A_358, %dma_wait3A_359] : memref<2x320x128xf32, #tpu.memory_space<vmem>> -> memref<1x80x128xf32, #tpu.memory_space<vmem>>
      %dma_wait3A_361 = tpu.memref_squeeze %dma_wait3A_360 : memref<1x80x128xf32, #tpu.memory_space<vmem>> -> memref<80x128xf32, #tpu.memory_space<vmem>>
      %dma_wait3A_362 = arith.constant 0 : i32
      %dma_wait3A_363 = tpu.memref_slice %arg9[%dma_wait3A_355, %dma_wait3A_356, %dma_wait3A_357, %dma_wait3A_362] : memref<2x1x4x80xi32, #tpu.memory_space<vmem>> -> memref<1x1x1x80xi32, #tpu.memory_space<vmem>>
      %dma_wait3A_364 = tpu.memref_squeeze %dma_wait3A_363 : memref<1x1x1x80xi32, #tpu.memory_space<vmem>> -> memref<80xi32, #tpu.memory_space<vmem>>
      %dma_wait3A_365 = arith.constant 0 : i32
      %dma_wait3A_366 = arith.constant 0 : i32
      %dma_wait3A_367 = tpu.memref_slice %arg11[%dma_wait3A_365, %dma_wait3A_366] : memref<256x128xf32, #tpu.memory_space<vmem_shared>> -> memref<256x128xf32, #tpu.memory_space<vmem_shared>>
      tpu.wait_indirect_dma semaphore(%arg13 : memref<!tpu.dma_semaphore, #tpu.memory_space<semaphore_mem>>) src(%dma_wait3A_361 : memref<80x128xf32, #tpu.memory_space<vmem>>) dst(%dma_wait3A_367 : memref<256x128xf32, #tpu.memory_space<vmem_shared>>)
      %dma_wait3A_368 = arith.constant 1 : i32
      %dma_wait3A_369 = arith.constant 1 : i32
      %dma_wait3A_370 = arith.constant 0 : i32
      %dma_wait3A_371 = arith.constant 3 : i32
      %dma_wait3A_372 = arith.constant 240 : i32
      %dma_wait3A_373 = arith.constant 0 : i32
      %dma_wait3A_374 = tpu.memref_slice %arg8[%dma_wait3A_368, %dma_wait3A_372, %dma_wait3A_373] : memref<2x320x128xf32, #tpu.memory_space<vmem>> -> memref<1x80x128xf32, #tpu.memory_space<vmem>>
      %dma_wait3A_375 = tpu.memref_squeeze %dma_wait3A_374 : memref<1x80x128xf32, #tpu.memory_space<vmem>> -> memref<80x128xf32, #tpu.memory_space<vmem>>
      %dma_wait3A_376 = arith.constant 0 : i32
      %dma_wait3A_377 = tpu.memref_slice %arg9[%dma_wait3A_369, %dma_wait3A_370, %dma_wait3A_371, %dma_wait3A_376] : memref<2x1x4x80xi32, #tpu.memory_space<vmem>> -> memref<1x1x1x80xi32, #tpu.memory_space<vmem>>
      %dma_wait3A_378 = tpu.memref_squeeze %dma_wait3A_377 : memref<1x1x1x80xi32, #tpu.memory_space<vmem>> -> memref<80xi32, #tpu.memory_space<vmem>>
      %dma_wait3A_379 = arith.constant 0 : i32
      %dma_wait3A_380 = arith.constant 0 : i32
      %dma_wait3A_381 = tpu.memref_slice %arg11[%dma_wait3A_379, %dma_wait3A_380] : memref<256x128xf32, #tpu.memory_space<vmem_shared>> -> memref<256x128xf32, #tpu.memory_space<vmem_shared>>
      tpu.wait_indirect_dma semaphore(%arg13 : memref<!tpu.dma_semaphore, #tpu.memory_space<semaphore_mem>>) src(%dma_wait3A_375 : memref<80x128xf32, #tpu.memory_space<vmem>>) dst(%dma_wait3A_381 : memref<256x128xf32, #tpu.memory_space<vmem_shared>>)
    } else {
    }
    %add3A_38 = arith.constant 96 : i32
    %add3A_39 = arith.addi %add3A, %add3A_38 : i32
    %lt3A_40 = arith.constant 150 : i32
    %lt3A_41 = arith.cmpi slt, %add3A_39, %lt3A_40 : i32
    %convert_element_type3A_42 = arith.extui %lt3A_41 : i1 to i32
    %cond3A_43 = arith.constant 0 : i32
    %cond3A_44 = arith.cmpi ne, %convert_element_type3A_42, %cond3A_43 : i32
    scf.if %cond3A_44 {
      %add3A_79 = arith.constant 96 : i32
      %add3A_80 = arith.addi %add3A, %add3A_79 : i32
      %mul3A_81 = arith.constant 320 : i32
      %mul3A_82 = arith.muli %add3A_80, %mul3A_81 : i32
      %dma_start3A = arith.constant 1 : i32
      %dma_start3A_83 = arith.constant 0 : i32
      %dma_start3A_84 = arith.constant 0 : i32
      %dma_start3A_85 = tpu.memref_slice %arg8[%dma_start3A, %dma_start3A_83, %dma_start3A_84] : memref<2x320x128xf32, #tpu.memory_space<vmem>> -> memref<1x320x128xf32, #tpu.memory_space<vmem>>
      %dma_start3A_86 = tpu.memref_squeeze %dma_start3A_85 : memref<1x320x128xf32, #tpu.memory_space<vmem>> -> memref<320x128xf32, #tpu.memory_space<vmem>>
      %dma_start3A_87 = arith.constant 0 : i32
      %dma_start3A_88 = tpu.memref_slice %arg2[%mul3A_82, %dma_start3A_87] : memref<100000x128xf32, #tpu.memory_space<hbm>> -> memref<320x128xf32, #tpu.memory_space<hbm>>
      %dma_start3A_89 = arith.constant 0 : i32
      %dma_start3A_90 = arith.constant 0 : i32
      %dma_start3A_91 = tpu.memref_slice %arg8[%dma_start3A, %dma_start3A_89, %dma_start3A_90] : memref<2x320x128xf32, #tpu.memory_space<vmem>> -> memref<1x320x128xf32, #tpu.memory_space<vmem>>
      %dma_start3A_92 = tpu.memref_squeeze %dma_start3A_91 : memref<1x320x128xf32, #tpu.memory_space<vmem>> -> memref<320x128xf32, #tpu.memory_space<vmem>>
      %dma_start3A_93 = arith.constant 0 : i32
      %dma_start3A_94 = tpu.memref_slice %arg2[%mul3A_82, %dma_start3A_93] : memref<100000x128xf32, #tpu.memory_space<hbm>> -> memref<320x128xf32, #tpu.memory_space<hbm>>
      tpu.enqueue_dma source(%dma_start3A_94 : memref<320x128xf32, #tpu.memory_space<hbm>>) target(%dma_start3A_92 : memref<320x128xf32, #tpu.memory_space<vmem>>) target_semaphore(%arg13 : memref<!tpu.dma_semaphore, #tpu.memory_space<semaphore_mem>>)
      %dma_start3A_95 = arith.constant 1 : i32
      %dma_start3A_96 = arith.constant 0 : i32
      %dma_start3A_97 = arith.constant 0 : i32
      %dma_start3A_98 = arith.constant 0 : i32
      %dma_start3A_99 = tpu.memref_slice %arg9[%dma_start3A_95, %dma_start3A_96, %dma_start3A_97, %dma_start3A_98] : memref<2x1x4x80xi32, #tpu.memory_space<vmem>> -> memref<1x1x4x80xi32, #tpu.memory_space<vmem>>
      %dma_start3A_100 = tpu.memref_squeeze %dma_start3A_99 : memref<1x1x4x80xi32, #tpu.memory_space<vmem>> -> memref<1x4x80xi32, #tpu.memory_space<vmem>>
      %dma_start3A_101 = arith.constant 0 : i32
      %dma_start3A_102 = arith.constant 0 : i32
      %dma_start3A_103 = tpu.memref_slice %arg3[%add3A_80, %dma_start3A_101, %dma_start3A_102] : memref<150x4x80xi32, #tpu.memory_space<hbm>> -> memref<1x4x80xi32, #tpu.memory_space<hbm>>
      %dma_start3A_104 = arith.constant 0 : i32
      %dma_start3A_105 = arith.constant 0 : i32
      %dma_start3A_106 = arith.constant 0 : i32
      %dma_start3A_107 = tpu.memref_slice %arg9[%dma_start3A_95, %dma_start3A_104, %dma_start3A_105, %dma_start3A_106] : memref<2x1x4x80xi32, #tpu.memory_space<vmem>> -> memref<1x1x4x80xi32, #tpu.memory_space<vmem>>
      %dma_start3A_108 = tpu.memref_squeeze %dma_start3A_107 : memref<1x1x4x80xi32, #tpu.memory_space<vmem>> -> memref<1x4x80xi32, #tpu.memory_space<vmem>>
      %dma_start3A_109 = arith.constant 0 : i32
      %dma_start3A_110 = arith.constant 0 : i32
      %dma_start3A_111 = tpu.memref_slice %arg3[%add3A_80, %dma_start3A_109, %dma_start3A_110] : memref<150x4x80xi32, #tpu.memory_space<hbm>> -> memref<1x4x80xi32, #tpu.memory_space<hbm>>
      tpu.enqueue_dma source(%dma_start3A_111 : memref<1x4x80xi32, #tpu.memory_space<hbm>>) target(%dma_start3A_108 : memref<1x4x80xi32, #tpu.memory_space<vmem>>) target_semaphore(%arg15 : memref<!tpu.dma_semaphore, #tpu.memory_space<semaphore_mem>>)
    } else {
    }
    %add3A_45 = arith.constant 64 : i32
    %add3A_46 = arith.addi %add3A, %add3A_45 : i32
    %lt3A_47 = arith.constant 150 : i32
    %lt3A_48 = arith.cmpi slt, %add3A_46, %lt3A_47 : i32
    %convert_element_type3A_49 = arith.extui %lt3A_48 : i1 to i32
    %cond3A_50 = arith.constant 0 : i32
    %cond3A_51 = arith.cmpi ne, %convert_element_type3A_49, %cond3A_50 : i32
    scf.if %cond3A_51 {
      %add3A_79 = arith.constant 64 : i32
      %add3A_80 = arith.addi %add3A, %add3A_79 : i32
      %mul3A_81 = arith.constant 320 : i32
      %mul3A_82 = arith.muli %add3A_80, %mul3A_81 : i32
      %dma_wait3A = arith.constant 0 : i32
      %dma_wait3A_83 = arith.constant 0 : i32
      %dma_wait3A_84 = arith.constant 0 : i32
      %dma_wait3A_85 = tpu.memref_slice %arg8[%dma_wait3A, %dma_wait3A_83, %dma_wait3A_84] : memref<2x320x128xf32, #tpu.memory_space<vmem>> -> memref<1x320x128xf32, #tpu.memory_space<vmem>>
      %dma_wait3A_86 = tpu.memref_squeeze %dma_wait3A_85 : memref<1x320x128xf32, #tpu.memory_space<vmem>> -> memref<320x128xf32, #tpu.memory_space<vmem>>
      %dma_wait3A_87 = arith.constant 0 : i32
      %dma_wait3A_88 = tpu.memref_slice %arg2[%mul3A_82, %dma_wait3A_87] : memref<100000x128xf32, #tpu.memory_space<hbm>> -> memref<320x128xf32, #tpu.memory_space<hbm>>
      %dma_wait3A_89 = arith.constant 0 : i32
      %dma_wait3A_90 = arith.constant 0 : i32
      %dma_wait3A_91 = tpu.memref_slice %arg8[%dma_wait3A, %dma_wait3A_89, %dma_wait3A_90] : memref<2x320x128xf32, #tpu.memory_space<vmem>> -> memref<1x320x128xf32, #tpu.memory_space<vmem>>
      %dma_wait3A_92 = tpu.memref_squeeze %dma_wait3A_91 : memref<1x320x128xf32, #tpu.memory_space<vmem>> -> memref<320x128xf32, #tpu.memory_space<vmem>>
      %dma_wait3A_93 = arith.constant 0 : i32
      %dma_wait3A_94 = tpu.memref_slice %arg2[%mul3A_82, %dma_wait3A_93] : memref<100000x128xf32, #tpu.memory_space<hbm>> -> memref<320x128xf32, #tpu.memory_space<hbm>>
      tpu.wait_dma2 semaphore(%arg12 : memref<!tpu.dma_semaphore, #tpu.memory_space<semaphore_mem>>) src(%dma_wait3A_94 : memref<320x128xf32, #tpu.memory_space<hbm>>) dst(%dma_wait3A_92 : memref<320x128xf32, #tpu.memory_space<vmem>>)
      %dma_wait3A_95 = arith.constant 0 : i32
      %dma_wait3A_96 = arith.constant 0 : i32
      %dma_wait3A_97 = arith.constant 0 : i32
      %dma_wait3A_98 = arith.constant 0 : i32
      %dma_wait3A_99 = tpu.memref_slice %arg9[%dma_wait3A_95, %dma_wait3A_96, %dma_wait3A_97, %dma_wait3A_98] : memref<2x1x4x80xi32, #tpu.memory_space<vmem>> -> memref<1x1x4x80xi32, #tpu.memory_space<vmem>>
      %dma_wait3A_100 = tpu.memref_squeeze %dma_wait3A_99 : memref<1x1x4x80xi32, #tpu.memory_space<vmem>> -> memref<1x4x80xi32, #tpu.memory_space<vmem>>
      %dma_wait3A_101 = arith.constant 0 : i32
      %dma_wait3A_102 = arith.constant 0 : i32
      %dma_wait3A_103 = tpu.memref_slice %arg3[%add3A_80, %dma_wait3A_101, %dma_wait3A_102] : memref<150x4x80xi32, #tpu.memory_space<hbm>> -> memref<1x4x80xi32, #tpu.memory_space<hbm>>
      %dma_wait3A_104 = arith.constant 0 : i32
      %dma_wait3A_105 = arith.constant 0 : i32
      %dma_wait3A_106 = arith.constant 0 : i32
      %dma_wait3A_107 = tpu.memref_slice %arg9[%dma_wait3A_95, %dma_wait3A_104, %dma_wait3A_105, %dma_wait3A_106] : memref<2x1x4x80xi32, #tpu.memory_space<vmem>> -> memref<1x1x4x80xi32, #tpu.memory_space<vmem>>
      %dma_wait3A_108 = tpu.memref_squeeze %dma_wait3A_107 : memref<1x1x4x80xi32, #tpu.memory_space<vmem>> -> memref<1x4x80xi32, #tpu.memory_space<vmem>>
      %dma_wait3A_109 = arith.constant 0 : i32
      %dma_wait3A_110 = arith.constant 0 : i32
      %dma_wait3A_111 = tpu.memref_slice %arg3[%add3A_80, %dma_wait3A_109, %dma_wait3A_110] : memref<150x4x80xi32, #tpu.memory_space<hbm>> -> memref<1x4x80xi32, #tpu.memory_space<hbm>>
      tpu.wait_dma2 semaphore(%arg14 : memref<!tpu.dma_semaphore, #tpu.memory_space<semaphore_mem>>) src(%dma_wait3A_111 : memref<1x4x80xi32, #tpu.memory_space<hbm>>) dst(%dma_wait3A_108 : memref<1x4x80xi32, #tpu.memory_space<vmem>>)
      %dma_start3A = arith.constant 0 : i32
      %dma_start3A_112 = arith.constant 0 : i32
      %dma_start3A_113 = arith.constant 0 : i32
      %dma_start3A_114 = arith.constant 0 : i32
      %dma_start3A_115 = arith.constant 0 : i32
      %dma_start3A_116 = arith.constant 0 : i32
      %dma_start3A_117 = tpu.memref_slice %arg8[%dma_start3A, %dma_start3A_115, %dma_start3A_116] : memref<2x320x128xf32, #tpu.memory_space<vmem>> -> memref<1x80x128xf32, #tpu.memory_space<vmem>>
      %dma_start3A_118 = tpu.memref_squeeze %dma_start3A_117 : memref<1x80x128xf32, #tpu.memory_space<vmem>> -> memref<80x128xf32, #tpu.memory_space<vmem>>
      %dma_start3A_119 = arith.constant 0 : i32
      %dma_start3A_120 = tpu.memref_slice %arg9[%dma_start3A_112, %dma_start3A_113, %dma_start3A_114, %dma_start3A_119] : memref<2x1x4x80xi32, #tpu.memory_space<vmem>> -> memref<1x1x1x80xi32, #tpu.memory_space<vmem>>
      %dma_start3A_121 = tpu.memref_squeeze %dma_start3A_120 : memref<1x1x1x80xi32, #tpu.memory_space<vmem>> -> memref<80xi32, #tpu.memory_space<vmem>>
      %dma_start3A_122 = arith.constant 0 : i32
      %dma_start3A_123 = arith.constant 0 : i32
      %dma_start3A_124 = tpu.memref_slice %arg11[%dma_start3A_122, %dma_start3A_123] : memref<256x128xf32, #tpu.memory_space<vmem_shared>> -> memref<256x128xf32, #tpu.memory_space<vmem_shared>>
      tpu.enqueue_indirect_dma source(%dma_start3A_118 : memref<80x128xf32, #tpu.memory_space<vmem>>) target(%dma_start3A_124 : memref<256x128xf32, #tpu.memory_space<vmem_shared>>) offsets(%dma_start3A_121 : memref<80xi32, #tpu.memory_space<vmem>>) semaphore(%arg12 : memref<!tpu.dma_semaphore, #tpu.memory_space<semaphore_mem>>) {add = true}
      %dma_start3A_125 = arith.constant 0 : i32
      %dma_start3A_126 = arith.constant 0 : i32
      %dma_start3A_127 = arith.constant 0 : i32
      %dma_start3A_128 = arith.constant 1 : i32
      %dma_start3A_129 = arith.constant 80 : i32
      %dma_start3A_130 = arith.constant 0 : i32
      %dma_start3A_131 = tpu.memref_slice %arg8[%dma_start3A_125, %dma_start3A_129, %dma_start3A_130] : memref<2x320x128xf32, #tpu.memory_space<vmem>> -> memref<1x80x128xf32, #tpu.memory_space<vmem>>
      %dma_start3A_132 = tpu.memref_squeeze %dma_start3A_131 : memref<1x80x128xf32, #tpu.memory_space<vmem>> -> memref<80x128xf32, #tpu.memory_space<vmem>>
      %dma_start3A_133 = arith.constant 0 : i32
      %dma_start3A_134 = tpu.memref_slice %arg9[%dma_start3A_126, %dma_start3A_127, %dma_start3A_128, %dma_start3A_133] : memref<2x1x4x80xi32, #tpu.memory_space<vmem>> -> memref<1x1x1x80xi32, #tpu.memory_space<vmem>>
      %dma_start3A_135 = tpu.memref_squeeze %dma_start3A_134 : memref<1x1x1x80xi32, #tpu.memory_space<vmem>> -> memref<80xi32, #tpu.memory_space<vmem>>
      %dma_start3A_136 = arith.constant 0 : i32
      %dma_start3A_137 = arith.constant 0 : i32
      %dma_start3A_138 = tpu.memref_slice %arg11[%dma_start3A_136, %dma_start3A_137] : memref<256x128xf32, #tpu.memory_space<vmem_shared>> -> memref<256x128xf32, #tpu.memory_space<vmem_shared>>
      tpu.enqueue_indirect_dma source(%dma_start3A_132 : memref<80x128xf32, #tpu.memory_space<vmem>>) target(%dma_start3A_138 : memref<256x128xf32, #tpu.memory_space<vmem_shared>>) offsets(%dma_start3A_135 : memref<80xi32, #tpu.memory_space<vmem>>) semaphore(%arg12 : memref<!tpu.dma_semaphore, #tpu.memory_space<semaphore_mem>>) {add = true}
      %dma_start3A_139 = arith.constant 0 : i32
      %dma_start3A_140 = arith.constant 0 : i32
      %dma_start3A_141 = arith.constant 0 : i32
      %dma_start3A_142 = arith.constant 2 : i32
      %dma_start3A_143 = arith.constant 160 : i32
      %dma_start3A_144 = arith.constant 0 : i32
      %dma_start3A_145 = tpu.memref_slice %arg8[%dma_start3A_139, %dma_start3A_143, %dma_start3A_144] : memref<2x320x128xf32, #tpu.memory_space<vmem>> -> memref<1x80x128xf32, #tpu.memory_space<vmem>>
      %dma_start3A_146 = tpu.memref_squeeze %dma_start3A_145 : memref<1x80x128xf32, #tpu.memory_space<vmem>> -> memref<80x128xf32, #tpu.memory_space<vmem>>
      %dma_start3A_147 = arith.constant 0 : i32
      %dma_start3A_148 = tpu.memref_slice %arg9[%dma_start3A_140, %dma_start3A_141, %dma_start3A_142, %dma_start3A_147] : memref<2x1x4x80xi32, #tpu.memory_space<vmem>> -> memref<1x1x1x80xi32, #tpu.memory_space<vmem>>
      %dma_start3A_149 = tpu.memref_squeeze %dma_start3A_148 : memref<1x1x1x80xi32, #tpu.memory_space<vmem>> -> memref<80xi32, #tpu.memory_space<vmem>>
      %dma_start3A_150 = arith.constant 0 : i32
      %dma_start3A_151 = arith.constant 0 : i32
      %dma_start3A_152 = tpu.memref_slice %arg11[%dma_start3A_150, %dma_start3A_151] : memref<256x128xf32, #tpu.memory_space<vmem_shared>> -> memref<256x128xf32, #tpu.memory_space<vmem_shared>>
      tpu.enqueue_indirect_dma source(%dma_start3A_146 : memref<80x128xf32, #tpu.memory_space<vmem>>) target(%dma_start3A_152 : memref<256x128xf32, #tpu.memory_space<vmem_shared>>) offsets(%dma_start3A_149 : memref<80xi32, #tpu.memory_space<vmem>>) semaphore(%arg12 : memref<!tpu.dma_semaphore, #tpu.memory_space<semaphore_mem>>) {add = true}
      %dma_start3A_153 = arith.constant 0 : i32
      %dma_start3A_154 = arith.constant 0 : i32
      %dma_start3A_155 = arith.constant 0 : i32
      %dma_start3A_156 = arith.constant 3 : i32
      %dma_start3A_157 = arith.constant 240 : i32
      %dma_start3A_158 = arith.constant 0 : i32
      %dma_start3A_159 = tpu.memref_slice %arg8[%dma_start3A_153, %dma_start3A_157, %dma_start3A_158] : memref<2x320x128xf32, #tpu.memory_space<vmem>> -> memref<1x80x128xf32, #tpu.memory_space<vmem>>
      %dma_start3A_160 = tpu.memref_squeeze %dma_start3A_159 : memref<1x80x128xf32, #tpu.memory_space<vmem>> -> memref<80x128xf32, #tpu.memory_space<vmem>>
      %dma_start3A_161 = arith.constant 0 : i32
      %dma_start3A_162 = tpu.memref_slice %arg9[%dma_start3A_154, %dma_start3A_155, %dma_start3A_156, %dma_start3A_161] : memref<2x1x4x80xi32, #tpu.memory_space<vmem>> -> memref<1x1x1x80xi32, #tpu.memory_space<vmem>>
      %dma_start3A_163 = tpu.memref_squeeze %dma_start3A_162 : memref<1x1x1x80xi32, #tpu.memory_space<vmem>> -> memref<80xi32, #tpu.memory_space<vmem>>
      %dma_start3A_164 = arith.constant 0 : i32
      %dma_start3A_165 = arith.constant 0 : i32
      %dma_start3A_166 = tpu.memref_slice %arg11[%dma_start3A_164, %dma_start3A_165] : memref<256x128xf32, #tpu.memory_space<vmem_shared>> -> memref<256x128xf32, #tpu.memory_space<vmem_shared>>
      tpu.enqueue_indirect_dma source(%dma_start3A_160 : memref<80x128xf32, #tpu.memory_space<vmem>>) target(%dma_start3A_166 : memref<256x128xf32, #tpu.memory_space<vmem_shared>>) offsets(%dma_start3A_163 : memref<80xi32, #tpu.memory_space<vmem>>) semaphore(%arg12 : memref<!tpu.dma_semaphore, #tpu.memory_space<semaphore_mem>>) {add = true}
      %get3A = arith.constant 0 : i32
      %get3A_167 = arith.constant 0 : i32
      %get3A_168 = arith.constant 0 : i32
      %get3A_169 = arith.index_cast %get3A : i32 to index
      %get3A_170 = arith.index_cast %get3A_167 : i32 to index
      %get3A_171 = arith.index_cast %get3A_168 : i32 to index
      %get3A_172 = arith.constant 0 : index
      %get3A_173 = tpu.vector_load %arg9[%get3A_169, %get3A_170, %get3A_171, %get3A_172] {strides = array<i32>} : memref<2x1x4x80xi32, #tpu.memory_space<vmem>>, vector<16xi32>,
      tpu.vector_store_idx %arg10[%get3A_173, %iota3A], %broadcast_in_dim3A_3 {add = true} : memref<256x16xf32, #tpu.memory_space<vmem>>[vector<16xi32>, vector<16xi32>], vector<16xf32>,
      %get3A_174 = arith.constant 0 : i32
      %get3A_175 = arith.constant 0 : i32
      %get3A_176 = arith.constant 0 : i32
      %get3A_177 = arith.index_cast %get3A_174 : i32 to index
      %get3A_178 = arith.index_cast %get3A_175 : i32 to index
      %get3A_179 = arith.index_cast %get3A_176 : i32 to index
      %get3A_180 = arith.constant 16 : index
      %get3A_181 = tpu.vector_load %arg9[%get3A_177, %get3A_178, %get3A_179, %get3A_180] {strides = array<i32>} : memref<2x1x4x80xi32, #tpu.memory_space<vmem>>, vector<16xi32>,
      tpu.vector_store_idx %arg10[%get3A_181, %iota3A], %broadcast_in_dim3A_3 {add = true} : memref<256x16xf32, #tpu.memory_space<vmem>>[vector<16xi32>, vector<16xi32>], vector<16xf32>,
      %get3A_182 = arith.constant 0 : i32
      %get3A_183 = arith.constant 0 : i32
      %get3A_184 = arith.constant 0 : i32
      %get3A_185 = arith.index_cast %get3A_182 : i32 to index
      %get3A_186 = arith.index_cast %get3A_183 : i32 to index
      %get3A_187 = arith.index_cast %get3A_184 : i32 to index
      %get3A_188 = arith.constant 32 : index
      %get3A_189 = tpu.vector_load %arg9[%get3A_185, %get3A_186, %get3A_187, %get3A_188] {strides = array<i32>} : memref<2x1x4x80xi32, #tpu.memory_space<vmem>>, vector<16xi32>,
      tpu.vector_store_idx %arg10[%get3A_189, %iota3A], %broadcast_in_dim3A_3 {add = true} : memref<256x16xf32, #tpu.memory_space<vmem>>[vector<16xi32>, vector<16xi32>], vector<16xf32>,
      %get3A_190 = arith.constant 0 : i32
      %get3A_191 = arith.constant 0 : i32
      %get3A_192 = arith.constant 0 : i32
      %get3A_193 = arith.index_cast %get3A_190 : i32 to index
      %get3A_194 = arith.index_cast %get3A_191 : i32 to index
      %get3A_195 = arith.index_cast %get3A_192 : i32 to index
      %get3A_196 = arith.constant 48 : index
      %get3A_197 = tpu.vector_load %arg9[%get3A_193, %get3A_194, %get3A_195, %get3A_196] {strides = array<i32>} : memref<2x1x4x80xi32, #tpu.memory_space<vmem>>, vector<16xi32>,
      tpu.vector_store_idx %arg10[%get3A_197, %iota3A], %broadcast_in_dim3A_3 {add = true} : memref<256x16xf32, #tpu.memory_space<vmem>>[vector<16xi32>, vector<16xi32>], vector<16xf32>,
      %get3A_198 = arith.constant 0 : i32
      %get3A_199 = arith.constant 0 : i32
      %get3A_200 = arith.constant 0 : i32
      %get3A_201 = arith.index_cast %get3A_198 : i32 to index
      %get3A_202 = arith.index_cast %get3A_199 : i32 to index
      %get3A_203 = arith.index_cast %get3A_200 : i32 to index
      %get3A_204 = arith.constant 64 : index
      %get3A_205 = tpu.vector_load %arg9[%get3A_201, %get3A_202, %get3A_203, %get3A_204] {strides = array<i32>} : memref<2x1x4x80xi32, #tpu.memory_space<vmem>>, vector<16xi32>,
      tpu.vector_store_idx %arg10[%get3A_205, %iota3A], %broadcast_in_dim3A_3 {add = true} : memref<256x16xf32, #tpu.memory_space<vmem>>[vector<16xi32>, vector<16xi32>], vector<16xf32>,
      %get3A_206 = arith.constant 0 : i32
      %get3A_207 = arith.constant 0 : i32
      %get3A_208 = arith.constant 1 : i32
      %get3A_209 = arith.index_cast %get3A_206 : i32 to index
      %get3A_210 = arith.index_cast %get3A_207 : i32 to index
      %get3A_211 = arith.index_cast %get3A_208 : i32 to index
      %get3A_212 = arith.constant 0 : index
      %get3A_213 = tpu.vector_load %arg9[%get3A_209, %get3A_210, %get3A_211, %get3A_212] {strides = array<i32>} : memref<2x1x4x80xi32, #tpu.memory_space<vmem>>, vector<16xi32>,
      tpu.vector_store_idx %arg10[%get3A_213, %iota3A], %broadcast_in_dim3A_3 {add = true} : memref<256x16xf32, #tpu.memory_space<vmem>>[vector<16xi32>, vector<16xi32>], vector<16xf32>,
      %get3A_214 = arith.constant 0 : i32
      %get3A_215 = arith.constant 0 : i32
      %get3A_216 = arith.constant 1 : i32
      %get3A_217 = arith.index_cast %get3A_214 : i32 to index
      %get3A_218 = arith.index_cast %get3A_215 : i32 to index
      %get3A_219 = arith.index_cast %get3A_216 : i32 to index
      %get3A_220 = arith.constant 16 : index
      %get3A_221 = tpu.vector_load %arg9[%get3A_217, %get3A_218, %get3A_219, %get3A_220] {strides = array<i32>} : memref<2x1x4x80xi32, #tpu.memory_space<vmem>>, vector<16xi32>,
      tpu.vector_store_idx %arg10[%get3A_221, %iota3A], %broadcast_in_dim3A_3 {add = true} : memref<256x16xf32, #tpu.memory_space<vmem>>[vector<16xi32>, vector<16xi32>], vector<16xf32>,
      %get3A_222 = arith.constant 0 : i32
      %get3A_223 = arith.constant 0 : i32
      %get3A_224 = arith.constant 1 : i32
      %get3A_225 = arith.index_cast %get3A_222 : i32 to index
      %get3A_226 = arith.index_cast %get3A_223 : i32 to index
      %get3A_227 = arith.index_cast %get3A_224 : i32 to index
      %get3A_228 = arith.constant 32 : index
      %get3A_229 = tpu.vector_load %arg9[%get3A_225, %get3A_226, %get3A_227, %get3A_228] {strides = array<i32>} : memref<2x1x4x80xi32, #tpu.memory_space<vmem>>, vector<16xi32>,
      tpu.vector_store_idx %arg10[%get3A_229, %iota3A], %broadcast_in_dim3A_3 {add = true} : memref<256x16xf32, #tpu.memory_space<vmem>>[vector<16xi32>, vector<16xi32>], vector<16xf32>,
      %get3A_230 = arith.constant 0 : i32
      %get3A_231 = arith.constant 0 : i32
      %get3A_232 = arith.constant 1 : i32
      %get3A_233 = arith.index_cast %get3A_230 : i32 to index
      %get3A_234 = arith.index_cast %get3A_231 : i32 to index
      %get3A_235 = arith.index_cast %get3A_232 : i32 to index
      %get3A_236 = arith.constant 48 : index
      %get3A_237 = tpu.vector_load %arg9[%get3A_233, %get3A_234, %get3A_235, %get3A_236] {strides = array<i32>} : memref<2x1x4x80xi32, #tpu.memory_space<vmem>>, vector<16xi32>,
      tpu.vector_store_idx %arg10[%get3A_237, %iota3A], %broadcast_in_dim3A_3 {add = true} : memref<256x16xf32, #tpu.memory_space<vmem>>[vector<16xi32>, vector<16xi32>], vector<16xf32>,
      %get3A_238 = arith.constant 0 : i32
      %get3A_239 = arith.constant 0 : i32
      %get3A_240 = arith.constant 1 : i32
      %get3A_241 = arith.index_cast %get3A_238 : i32 to index
      %get3A_242 = arith.index_cast %get3A_239 : i32 to index
      %get3A_243 = arith.index_cast %get3A_240 : i32 to index
      %get3A_244 = arith.constant 64 : index
      %get3A_245 = tpu.vector_load %arg9[%get3A_241, %get3A_242, %get3A_243, %get3A_244] {strides = array<i32>} : memref<2x1x4x80xi32, #tpu.memory_space<vmem>>, vector<16xi32>,
      tpu.vector_store_idx %arg10[%get3A_245, %iota3A], %broadcast_in_dim3A_3 {add = true} : memref<256x16xf32, #tpu.memory_space<vmem>>[vector<16xi32>, vector<16xi32>], vector<16xf32>,
      %get3A_246 = arith.constant 0 : i32
      %get3A_247 = arith.constant 0 : i32
      %get3A_248 = arith.constant 2 : i32
      %get3A_249 = arith.index_cast %get3A_246 : i32 to index
      %get3A_250 = arith.index_cast %get3A_247 : i32 to index
      %get3A_251 = arith.index_cast %get3A_248 : i32 to index
      %get3A_252 = arith.constant 0 : index
      %get3A_253 = tpu.vector_load %arg9[%get3A_249, %get3A_250, %get3A_251, %get3A_252] {strides = array<i32>} : memref<2x1x4x80xi32, #tpu.memory_space<vmem>>, vector<16xi32>,
      tpu.vector_store_idx %arg10[%get3A_253, %iota3A], %broadcast_in_dim3A_3 {add = true} : memref<256x16xf32, #tpu.memory_space<vmem>>[vector<16xi32>, vector<16xi32>], vector<16xf32>,
      %get3A_254 = arith.constant 0 : i32
      %get3A_255 = arith.constant 0 : i32
      %get3A_256 = arith.constant 2 : i32
      %get3A_257 = arith.index_cast %get3A_254 : i32 to index
      %get3A_258 = arith.index_cast %get3A_255 : i32 to index
      %get3A_259 = arith.index_cast %get3A_256 : i32 to index
      %get3A_260 = arith.constant 16 : index
      %get3A_261 = tpu.vector_load %arg9[%get3A_257, %get3A_258, %get3A_259, %get3A_260] {strides = array<i32>} : memref<2x1x4x80xi32, #tpu.memory_space<vmem>>, vector<16xi32>,
      tpu.vector_store_idx %arg10[%get3A_261, %iota3A], %broadcast_in_dim3A_3 {add = true} : memref<256x16xf32, #tpu.memory_space<vmem>>[vector<16xi32>, vector<16xi32>], vector<16xf32>,
      %get3A_262 = arith.constant 0 : i32
      %get3A_263 = arith.constant 0 : i32
      %get3A_264 = arith.constant 2 : i32
      %get3A_265 = arith.index_cast %get3A_262 : i32 to index
      %get3A_266 = arith.index_cast %get3A_263 : i32 to index
      %get3A_267 = arith.index_cast %get3A_264 : i32 to index
      %get3A_268 = arith.constant 32 : index
      %get3A_269 = tpu.vector_load %arg9[%get3A_265, %get3A_266, %get3A_267, %get3A_268] {strides = array<i32>} : memref<2x1x4x80xi32, #tpu.memory_space<vmem>>, vector<16xi32>,
      tpu.vector_store_idx %arg10[%get3A_269, %iota3A], %broadcast_in_dim3A_3 {add = true} : memref<256x16xf32, #tpu.memory_space<vmem>>[vector<16xi32>, vector<16xi32>], vector<16xf32>,
      %get3A_270 = arith.constant 0 : i32
      %get3A_271 = arith.constant 0 : i32
      %get3A_272 = arith.constant 2 : i32
      %get3A_273 = arith.index_cast %get3A_270 : i32 to index
      %get3A_274 = arith.index_cast %get3A_271 : i32 to index
      %get3A_275 = arith.index_cast %get3A_272 : i32 to index
      %get3A_276 = arith.constant 48 : index
      %get3A_277 = tpu.vector_load %arg9[%get3A_273, %get3A_274, %get3A_275, %get3A_276] {strides = array<i32>} : memref<2x1x4x80xi32, #tpu.memory_space<vmem>>, vector<16xi32>,
      tpu.vector_store_idx %arg10[%get3A_277, %iota3A], %broadcast_in_dim3A_3 {add = true} : memref<256x16xf32, #tpu.memory_space<vmem>>[vector<16xi32>, vector<16xi32>], vector<16xf32>,
      %get3A_278 = arith.constant 0 : i32
      %get3A_279 = arith.constant 0 : i32
      %get3A_280 = arith.constant 2 : i32
      %get3A_281 = arith.index_cast %get3A_278 : i32 to index
      %get3A_282 = arith.index_cast %get3A_279 : i32 to index
      %get3A_283 = arith.index_cast %get3A_280 : i32 to index
      %get3A_284 = arith.constant 64 : index
      %get3A_285 = tpu.vector_load %arg9[%get3A_281, %get3A_282, %get3A_283, %get3A_284] {strides = array<i32>} : memref<2x1x4x80xi32, #tpu.memory_space<vmem>>, vector<16xi32>,
      tpu.vector_store_idx %arg10[%get3A_285, %iota3A], %broadcast_in_dim3A_3 {add = true} : memref<256x16xf32, #tpu.memory_space<vmem>>[vector<16xi32>, vector<16xi32>], vector<16xf32>,
      %get3A_286 = arith.constant 0 : i32
      %get3A_287 = arith.constant 0 : i32
      %get3A_288 = arith.constant 3 : i32
      %get3A_289 = arith.index_cast %get3A_286 : i32 to index
      %get3A_290 = arith.index_cast %get3A_287 : i32 to index
      %get3A_291 = arith.index_cast %get3A_288 : i32 to index
      %get3A_292 = arith.constant 0 : index
      %get3A_293 = tpu.vector_load %arg9[%get3A_289, %get3A_290, %get3A_291, %get3A_292] {strides = array<i32>} : memref<2x1x4x80xi32, #tpu.memory_space<vmem>>, vector<16xi32>,
      tpu.vector_store_idx %arg10[%get3A_293, %iota3A], %broadcast_in_dim3A_3 {add = true} : memref<256x16xf32, #tpu.memory_space<vmem>>[vector<16xi32>, vector<16xi32>], vector<16xf32>,
      %get3A_294 = arith.constant 0 : i32
      %get3A_295 = arith.constant 0 : i32
      %get3A_296 = arith.constant 3 : i32
      %get3A_297 = arith.index_cast %get3A_294 : i32 to index
      %get3A_298 = arith.index_cast %get3A_295 : i32 to index
      %get3A_299 = arith.index_cast %get3A_296 : i32 to index
      %get3A_300 = arith.constant 16 : index
      %get3A_301 = tpu.vector_load %arg9[%get3A_297, %get3A_298, %get3A_299, %get3A_300] {strides = array<i32>} : memref<2x1x4x80xi32, #tpu.memory_space<vmem>>, vector<16xi32>,
      tpu.vector_store_idx %arg10[%get3A_301, %iota3A], %broadcast_in_dim3A_3 {add = true} : memref<256x16xf32, #tpu.memory_space<vmem>>[vector<16xi32>, vector<16xi32>], vector<16xf32>,
      %get3A_302 = arith.constant 0 : i32
      %get3A_303 = arith.constant 0 : i32
      %get3A_304 = arith.constant 3 : i32
      %get3A_305 = arith.index_cast %get3A_302 : i32 to index
      %get3A_306 = arith.index_cast %get3A_303 : i32 to index
      %get3A_307 = arith.index_cast %get3A_304 : i32 to index
      %get3A_308 = arith.constant 32 : index
      %get3A_309 = tpu.vector_load %arg9[%get3A_305, %get3A_306, %get3A_307, %get3A_308] {strides = array<i32>} : memref<2x1x4x80xi32, #tpu.memory_space<vmem>>, vector<16xi32>,
      tpu.vector_store_idx %arg10[%get3A_309, %iota3A], %broadcast_in_dim3A_3 {add = true} : memref<256x16xf32, #tpu.memory_space<vmem>>[vector<16xi32>, vector<16xi32>], vector<16xf32>,
      %get3A_310 = arith.constant 0 : i32
      %get3A_311 = arith.constant 0 : i32
      %get3A_312 = arith.constant 3 : i32
      %get3A_313 = arith.index_cast %get3A_310 : i32 to index
      %get3A_314 = arith.index_cast %get3A_311 : i32 to index
      %get3A_315 = arith.index_cast %get3A_312 : i32 to index
      %get3A_316 = arith.constant 48 : index
      %get3A_317 = tpu.vector_load %arg9[%get3A_313, %get3A_314, %get3A_315, %get3A_316] {strides = array<i32>} : memref<2x1x4x80xi32, #tpu.memory_space<vmem>>, vector<16xi32>,
      tpu.vector_store_idx %arg10[%get3A_317, %iota3A], %broadcast_in_dim3A_3 {add = true} : memref<256x16xf32, #tpu.memory_space<vmem>>[vector<16xi32>, vector<16xi32>], vector<16xf32>,
      %get3A_318 = arith.constant 0 : i32
      %get3A_319 = arith.constant 0 : i32
      %get3A_320 = arith.constant 3 : i32
      %get3A_321 = arith.index_cast %get3A_318 : i32 to index
      %get3A_322 = arith.index_cast %get3A_319 : i32 to index
      %get3A_323 = arith.index_cast %get3A_320 : i32 to index
      %get3A_324 = arith.constant 64 : index
      %get3A_325 = tpu.vector_load %arg9[%get3A_321, %get3A_322, %get3A_323, %get3A_324] {strides = array<i32>} : memref<2x1x4x80xi32, #tpu.memory_space<vmem>>, vector<16xi32>,
      tpu.vector_store_idx %arg10[%get3A_325, %iota3A], %broadcast_in_dim3A_3 {add = true} : memref<256x16xf32, #tpu.memory_space<vmem>>[vector<16xi32>, vector<16xi32>], vector<16xf32>,
      %dma_wait3A_326 = arith.constant 0 : i32
      %dma_wait3A_327 = arith.constant 0 : i32
      %dma_wait3A_328 = arith.constant 0 : i32
      %dma_wait3A_329 = arith.constant 0 : i32
      %dma_wait3A_330 = arith.constant 0 : i32
      %dma_wait3A_331 = arith.constant 0 : i32
      %dma_wait3A_332 = tpu.memref_slice %arg8[%dma_wait3A_326, %dma_wait3A_330, %dma_wait3A_331] : memref<2x320x128xf32, #tpu.memory_space<vmem>> -> memref<1x80x128xf32, #tpu.memory_space<vmem>>
      %dma_wait3A_333 = tpu.memref_squeeze %dma_wait3A_332 : memref<1x80x128xf32, #tpu.memory_space<vmem>> -> memref<80x128xf32, #tpu.memory_space<vmem>>
      %dma_wait3A_334 = arith.constant 0 : i32
      %dma_wait3A_335 = tpu.memref_slice %arg9[%dma_wait3A_327, %dma_wait3A_328, %dma_wait3A_329, %dma_wait3A_334] : memref<2x1x4x80xi32, #tpu.memory_space<vmem>> -> memref<1x1x1x80xi32, #tpu.memory_space<vmem>>
      %dma_wait3A_336 = tpu.memref_squeeze %dma_wait3A_335 : memref<1x1x1x80xi32, #tpu.memory_space<vmem>> -> memref<80xi32, #tpu.memory_space<vmem>>
      %dma_wait3A_337 = arith.constant 0 : i32
      %dma_wait3A_338 = arith.constant 0 : i32
      %dma_wait3A_339 = tpu.memref_slice %arg11[%dma_wait3A_337, %dma_wait3A_338] : memref<256x128xf32, #tpu.memory_space<vmem_shared>> -> memref<256x128xf32, #tpu.memory_space<vmem_shared>>
      tpu.wait_indirect_dma semaphore(%arg12 : memref<!tpu.dma_semaphore, #tpu.memory_space<semaphore_mem>>) src(%dma_wait3A_333 : memref<80x128xf32, #tpu.memory_space<vmem>>) dst(%dma_wait3A_339 : memref<256x128xf32, #tpu.memory_space<vmem_shared>>)
      %dma_wait3A_340 = arith.constant 0 : i32
      %dma_wait3A_341 = arith.constant 0 : i32
      %dma_wait3A_342 = arith.constant 0 : i32
      %dma_wait3A_343 = arith.constant 1 : i32
      %dma_wait3A_344 = arith.constant 80 : i32
      %dma_wait3A_345 = arith.constant 0 : i32
      %dma_wait3A_346 = tpu.memref_slice %arg8[%dma_wait3A_340, %dma_wait3A_344, %dma_wait3A_345] : memref<2x320x128xf32, #tpu.memory_space<vmem>> -> memref<1x80x128xf32, #tpu.memory_space<vmem>>
      %dma_wait3A_347 = tpu.memref_squeeze %dma_wait3A_346 : memref<1x80x128xf32, #tpu.memory_space<vmem>> -> memref<80x128xf32, #tpu.memory_space<vmem>>
      %dma_wait3A_348 = arith.constant 0 : i32
      %dma_wait3A_349 = tpu.memref_slice %arg9[%dma_wait3A_341, %dma_wait3A_342, %dma_wait3A_343, %dma_wait3A_348] : memref<2x1x4x80xi32, #tpu.memory_space<vmem>> -> memref<1x1x1x80xi32, #tpu.memory_space<vmem>>
      %dma_wait3A_350 = tpu.memref_squeeze %dma_wait3A_349 : memref<1x1x1x80xi32, #tpu.memory_space<vmem>> -> memref<80xi32, #tpu.memory_space<vmem>>
      %dma_wait3A_351 = arith.constant 0 : i32
      %dma_wait3A_352 = arith.constant 0 : i32
      %dma_wait3A_353 = tpu.memref_slice %arg11[%dma_wait3A_351, %dma_wait3A_352] : memref<256x128xf32, #tpu.memory_space<vmem_shared>> -> memref<256x128xf32, #tpu.memory_space<vmem_shared>>
      tpu.wait_indirect_dma semaphore(%arg12 : memref<!tpu.dma_semaphore, #tpu.memory_space<semaphore_mem>>) src(%dma_wait3A_347 : memref<80x128xf32, #tpu.memory_space<vmem>>) dst(%dma_wait3A_353 : memref<256x128xf32, #tpu.memory_space<vmem_shared>>)
      %dma_wait3A_354 = arith.constant 0 : i32
      %dma_wait3A_355 = arith.constant 0 : i32
      %dma_wait3A_356 = arith.constant 0 : i32
      %dma_wait3A_357 = arith.constant 2 : i32
      %dma_wait3A_358 = arith.constant 160 : i32
      %dma_wait3A_359 = arith.constant 0 : i32
      %dma_wait3A_360 = tpu.memref_slice %arg8[%dma_wait3A_354, %dma_wait3A_358, %dma_wait3A_359] : memref<2x320x128xf32, #tpu.memory_space<vmem>> -> memref<1x80x128xf32, #tpu.memory_space<vmem>>
      %dma_wait3A_361 = tpu.memref_squeeze %dma_wait3A_360 : memref<1x80x128xf32, #tpu.memory_space<vmem>> -> memref<80x128xf32, #tpu.memory_space<vmem>>
      %dma_wait3A_362 = arith.constant 0 : i32
      %dma_wait3A_363 = tpu.memref_slice %arg9[%dma_wait3A_355, %dma_wait3A_356, %dma_wait3A_357, %dma_wait3A_362] : memref<2x1x4x80xi32, #tpu.memory_space<vmem>> -> memref<1x1x1x80xi32, #tpu.memory_space<vmem>>
      %dma_wait3A_364 = tpu.memref_squeeze %dma_wait3A_363 : memref<1x1x1x80xi32, #tpu.memory_space<vmem>> -> memref<80xi32, #tpu.memory_space<vmem>>
      %dma_wait3A_365 = arith.constant 0 : i32
      %dma_wait3A_366 = arith.constant 0 : i32
      %dma_wait3A_367 = tpu.memref_slice %arg11[%dma_wait3A_365, %dma_wait3A_366] : memref<256x128xf32, #tpu.memory_space<vmem_shared>> -> memref<256x128xf32, #tpu.memory_space<vmem_shared>>
      tpu.wait_indirect_dma semaphore(%arg12 : memref<!tpu.dma_semaphore, #tpu.memory_space<semaphore_mem>>) src(%dma_wait3A_361 : memref<80x128xf32, #tpu.memory_space<vmem>>) dst(%dma_wait3A_367 : memref<256x128xf32, #tpu.memory_space<vmem_shared>>)
      %dma_wait3A_368 = arith.constant 0 : i32
      %dma_wait3A_369 = arith.constant 0 : i32
      %dma_wait3A_370 = arith.constant 0 : i32
      %dma_wait3A_371 = arith.constant 3 : i32
      %dma_wait3A_372 = arith.constant 240 : i32
      %dma_wait3A_373 = arith.constant 0 : i32
      %dma_wait3A_374 = tpu.memref_slice %arg8[%dma_wait3A_368, %dma_wait3A_372, %dma_wait3A_373] : memref<2x320x128xf32, #tpu.memory_space<vmem>> -> memref<1x80x128xf32, #tpu.memory_space<vmem>>
      %dma_wait3A_375 = tpu.memref_squeeze %dma_wait3A_374 : memref<1x80x128xf32, #tpu.memory_space<vmem>> -> memref<80x128xf32, #tpu.memory_space<vmem>>
      %dma_wait3A_376 = arith.constant 0 : i32
      %dma_wait3A_377 = tpu.memref_slice %arg9[%dma_wait3A_369, %dma_wait3A_370, %dma_wait3A_371, %dma_wait3A_376] : memref<2x1x4x80xi32, #tpu.memory_space<vmem>> -> memref<1x1x1x80xi32, #tpu.memory_space<vmem>>
      %dma_wait3A_378 = tpu.memref_squeeze %dma_wait3A_377 : memref<1x1x1x80xi32, #tpu.memory_space<vmem>> -> memref<80xi32, #tpu.memory_space<vmem>>
      %dma_wait3A_379 = arith.constant 0 : i32
      %dma_wait3A_380 = arith.constant 0 : i32
      %dma_wait3A_381 = tpu.memref_slice %arg11[%dma_wait3A_379, %dma_wait3A_380] : memref<256x128xf32, #tpu.memory_space<vmem_shared>> -> memref<256x128xf32, #tpu.memory_space<vmem_shared>>
      tpu.wait_indirect_dma semaphore(%arg12 : memref<!tpu.dma_semaphore, #tpu.memory_space<semaphore_mem>>) src(%dma_wait3A_375 : memref<80x128xf32, #tpu.memory_space<vmem>>) dst(%dma_wait3A_381 : memref<256x128xf32, #tpu.memory_space<vmem_shared>>)
    } else {
    }
    %add3A_52 = arith.constant 128 : i32
    %add3A_53 = arith.addi %add3A, %add3A_52 : i32
    %lt3A_54 = arith.constant 150 : i32
    %lt3A_55 = arith.cmpi slt, %add3A_53, %lt3A_54 : i32
    %convert_element_type3A_56 = arith.extui %lt3A_55 : i1 to i32
    %cond3A_57 = arith.constant 0 : i32
    %cond3A_58 = arith.cmpi ne, %convert_element_type3A_56, %cond3A_57 : i32
    scf.if %cond3A_58 {
      %add3A_79 = arith.constant 128 : i32
      %add3A_80 = arith.addi %add3A, %add3A_79 : i32
      %mul3A_81 = arith.constant 320 : i32
      %mul3A_82 = arith.muli %add3A_80, %mul3A_81 : i32
      %dma_start3A = arith.constant 0 : i32
      %dma_start3A_83 = arith.constant 0 : i32
      %dma_start3A_84 = arith.constant 0 : i32
      %dma_start3A_85 = tpu.memref_slice %arg8[%dma_start3A, %dma_start3A_83, %dma_start3A_84] : memref<2x320x128xf32, #tpu.memory_space<vmem>> -> memref<1x320x128xf32, #tpu.memory_space<vmem>>
      %dma_start3A_86 = tpu.memref_squeeze %dma_start3A_85 : memref<1x320x128xf32, #tpu.memory_space<vmem>> -> memref<320x128xf32, #tpu.memory_space<vmem>>
      %dma_start3A_87 = arith.constant 0 : i32
      %dma_start3A_88 = tpu.memref_slice %arg2[%mul3A_82, %dma_start3A_87] : memref<100000x128xf32, #tpu.memory_space<hbm>> -> memref<320x128xf32, #tpu.memory_space<hbm>>
      %dma_start3A_89 = arith.constant 0 : i32
      %dma_start3A_90 = arith.constant 0 : i32
      %dma_start3A_91 = tpu.memref_slice %arg8[%dma_start3A, %dma_start3A_89, %dma_start3A_90] : memref<2x320x128xf32, #tpu.memory_space<vmem>> -> memref<1x320x128xf32, #tpu.memory_space<vmem>>
      %dma_start3A_92 = tpu.memref_squeeze %dma_start3A_91 : memref<1x320x128xf32, #tpu.memory_space<vmem>> -> memref<320x128xf32, #tpu.memory_space<vmem>>
      %dma_start3A_93 = arith.constant 0 : i32
      %dma_start3A_94 = tpu.memref_slice %arg2[%mul3A_82, %dma_start3A_93] : memref<100000x128xf32, #tpu.memory_space<hbm>> -> memref<320x128xf32, #tpu.memory_space<hbm>>
      tpu.enqueue_dma source(%dma_start3A_94 : memref<320x128xf32, #tpu.memory_space<hbm>>) target(%dma_start3A_92 : memref<320x128xf32, #tpu.memory_space<vmem>>) target_semaphore(%arg12 : memref<!tpu.dma_semaphore, #tpu.memory_space<semaphore_mem>>)
      %dma_start3A_95 = arith.constant 0 : i32
      %dma_start3A_96 = arith.constant 0 : i32
      %dma_start3A_97 = arith.constant 0 : i32
      %dma_start3A_98 = arith.constant 0 : i32
      %dma_start3A_99 = tpu.memref_slice %arg9[%dma_start3A_95, %dma_start3A_96, %dma_start3A_97, %dma_start3A_98] : memref<2x1x4x80xi32, #tpu.memory_space<vmem>> -> memref<1x1x4x80xi32, #tpu.memory_space<vmem>>
      %dma_start3A_100 = tpu.memref_squeeze %dma_start3A_99 : memref<1x1x4x80xi32, #tpu.memory_space<vmem>> -> memref<1x4x80xi32, #tpu.memory_space<vmem>>
      %dma_start3A_101 = arith.constant 0 : i32
      %dma_start3A_102 = arith.constant 0 : i32
      %dma_start3A_103 = tpu.memref_slice %arg3[%add3A_80, %dma_start3A_101, %dma_start3A_102] : memref<150x4x80xi32, #tpu.memory_space<hbm>> -> memref<1x4x80xi32, #tpu.memory_space<hbm>>
      %dma_start3A_104 = arith.constant 0 : i32
      %dma_start3A_105 = arith.constant 0 : i32
      %dma_start3A_106 = arith.constant 0 : i32
      %dma_start3A_107 = tpu.memref_slice %arg9[%dma_start3A_95, %dma_start3A_104, %dma_start3A_105, %dma_start3A_106] : memref<2x1x4x80xi32, #tpu.memory_space<vmem>> -> memref<1x1x4x80xi32, #tpu.memory_space<vmem>>
      %dma_start3A_108 = tpu.memref_squeeze %dma_start3A_107 : memref<1x1x4x80xi32, #tpu.memory_space<vmem>> -> memref<1x4x80xi32, #tpu.memory_space<vmem>>
      %dma_start3A_109 = arith.constant 0 : i32
      %dma_start3A_110 = arith.constant 0 : i32
      %dma_start3A_111 = tpu.memref_slice %arg3[%add3A_80, %dma_start3A_109, %dma_start3A_110] : memref<150x4x80xi32, #tpu.memory_space<hbm>> -> memref<1x4x80xi32, #tpu.memory_space<hbm>>
      tpu.enqueue_dma source(%dma_start3A_111 : memref<1x4x80xi32, #tpu.memory_space<hbm>>) target(%dma_start3A_108 : memref<1x4x80xi32, #tpu.memory_space<vmem>>) target_semaphore(%arg14 : memref<!tpu.dma_semaphore, #tpu.memory_space<semaphore_mem>>)
    } else {
    }
    %add3A_59 = arith.constant 96 : i32
    %add3A_60 = arith.addi %add3A, %add3A_59 : i32
    %lt3A_61 = arith.constant 150 : i32
    %lt3A_62 = arith.cmpi slt, %add3A_60, %lt3A_61 : i32
    %convert_element_type3A_63 = arith.extui %lt3A_62 : i1 to i32
    %cond3A_64 = arith.constant 0 : i32
    %cond3A_65 = arith.cmpi ne, %convert_element_type3A_63, %cond3A_64 : i32
    scf.if %cond3A_65 {
      %add3A_79 = arith.constant 96 : i32
      %add3A_80 = arith.addi %add3A, %add3A_79 : i32
      %mul3A_81 = arith.constant 320 : i32
      %mul3A_82 = arith.muli %add3A_80, %mul3A_81 : i32
      %dma_wait3A = arith.constant 1 : i32
      %dma_wait3A_83 = arith.constant 0 : i32
      %dma_wait3A_84 = arith.constant 0 : i32
      %dma_wait3A_85 = tpu.memref_slice %arg8[%dma_wait3A, %dma_wait3A_83, %dma_wait3A_84] : memref<2x320x128xf32, #tpu.memory_space<vmem>> -> memref<1x320x128xf32, #tpu.memory_space<vmem>>
      %dma_wait3A_86 = tpu.memref_squeeze %dma_wait3A_85 : memref<1x320x128xf32, #tpu.memory_space<vmem>> -> memref<320x128xf32, #tpu.memory_space<vmem>>
      %dma_wait3A_87 = arith.constant 0 : i32
      %dma_wait3A_88 = tpu.memref_slice %arg2[%mul3A_82, %dma_wait3A_87] : memref<100000x128xf32, #tpu.memory_space<hbm>> -> memref<320x128xf32, #tpu.memory_space<hbm>>
      %dma_wait3A_89 = arith.constant 0 : i32
      %dma_wait3A_90 = arith.constant 0 : i32
      %dma_wait3A_91 = tpu.memref_slice %arg8[%dma_wait3A, %dma_wait3A_89, %dma_wait3A_90] : memref<2x320x128xf32, #tpu.memory_space<vmem>> -> memref<1x320x128xf32, #tpu.memory_space<vmem>>
      %dma_wait3A_92 = tpu.memref_squeeze %dma_wait3A_91 : memref<1x320x128xf32, #tpu.memory_space<vmem>> -> memref<320x128xf32, #tpu.memory_space<vmem>>
      %dma_wait3A_93 = arith.constant 0 : i32
      %dma_wait3A_94 = tpu.memref_slice %arg2[%mul3A_82, %dma_wait3A_93] : memref<100000x128xf32, #tpu.memory_space<hbm>> -> memref<320x128xf32, #tpu.memory_space<hbm>>
      tpu.wait_dma2 semaphore(%arg13 : memref<!tpu.dma_semaphore, #tpu.memory_space<semaphore_mem>>) src(%dma_wait3A_94 : memref<320x128xf32, #tpu.memory_space<hbm>>) dst(%dma_wait3A_92 : memref<320x128xf32, #tpu.memory_space<vmem>>)
      %dma_wait3A_95 = arith.constant 1 : i32
      %dma_wait3A_96 = arith.constant 0 : i32
      %dma_wait3A_97 = arith.constant 0 : i32
      %dma_wait3A_98 = arith.constant 0 : i32
      %dma_wait3A_99 = tpu.memref_slice %arg9[%dma_wait3A_95, %dma_wait3A_96, %dma_wait3A_97, %dma_wait3A_98] : memref<2x1x4x80xi32, #tpu.memory_space<vmem>> -> memref<1x1x4x80xi32, #tpu.memory_space<vmem>>
      %dma_wait3A_100 = tpu.memref_squeeze %dma_wait3A_99 : memref<1x1x4x80xi32, #tpu.memory_space<vmem>> -> memref<1x4x80xi32, #tpu.memory_space<vmem>>
      %dma_wait3A_101 = arith.constant 0 : i32
      %dma_wait3A_102 = arith.constant 0 : i32
      %dma_wait3A_103 = tpu.memref_slice %arg3[%add3A_80, %dma_wait3A_101, %dma_wait3A_102] : memref<150x4x80xi32, #tpu.memory_space<hbm>> -> memref<1x4x80xi32, #tpu.memory_space<hbm>>
      %dma_wait3A_104 = arith.constant 0 : i32
      %dma_wait3A_105 = arith.constant 0 : i32
      %dma_wait3A_106 = arith.constant 0 : i32
      %dma_wait3A_107 = tpu.memref_slice %arg9[%dma_wait3A_95, %dma_wait3A_104, %dma_wait3A_105, %dma_wait3A_106] : memref<2x1x4x80xi32, #tpu.memory_space<vmem>> -> memref<1x1x4x80xi32, #tpu.memory_space<vmem>>
      %dma_wait3A_108 = tpu.memref_squeeze %dma_wait3A_107 : memref<1x1x4x80xi32, #tpu.memory_space<vmem>> -> memref<1x4x80xi32, #tpu.memory_space<vmem>>
      %dma_wait3A_109 = arith.constant 0 : i32
      %dma_wait3A_110 = arith.constant 0 : i32
      %dma_wait3A_111 = tpu.memref_slice %arg3[%add3A_80, %dma_wait3A_109, %dma_wait3A_110] : memref<150x4x80xi32, #tpu.memory_space<hbm>> -> memref<1x4x80xi32, #tpu.memory_space<hbm>>
      tpu.wait_dma2 semaphore(%arg15 : memref<!tpu.dma_semaphore, #tpu.memory_space<semaphore_mem>>) src(%dma_wait3A_111 : memref<1x4x80xi32, #tpu.memory_space<hbm>>) dst(%dma_wait3A_108 : memref<1x4x80xi32, #tpu.memory_space<vmem>>)
      %dma_start3A = arith.constant 1 : i32
      %dma_start3A_112 = arith.constant 1 : i32
      %dma_start3A_113 = arith.constant 0 : i32
      %dma_start3A_114 = arith.constant 0 : i32
      %dma_start3A_115 = arith.constant 0 : i32
      %dma_start3A_116 = arith.constant 0 : i32
      %dma_start3A_117 = tpu.memref_slice %arg8[%dma_start3A, %dma_start3A_115, %dma_start3A_116] : memref<2x320x128xf32, #tpu.memory_space<vmem>> -> memref<1x80x128xf32, #tpu.memory_space<vmem>>
      %dma_start3A_118 = tpu.memref_squeeze %dma_start3A_117 : memref<1x80x128xf32, #tpu.memory_space<vmem>> -> memref<80x128xf32, #tpu.memory_space<vmem>>
      %dma_start3A_119 = arith.constant 0 : i32
      %dma_start3A_120 = tpu.memref_slice %arg9[%dma_start3A_112, %dma_start3A_113, %dma_start3A_114, %dma_start3A_119] : memref<2x1x4x80xi32, #tpu.memory_space<vmem>> -> memref<1x1x1x80xi32, #tpu.memory_space<vmem>>
      %dma_start3A_121 = tpu.memref_squeeze %dma_start3A_120 : memref<1x1x1x80xi32, #tpu.memory_space<vmem>> -> memref<80xi32, #tpu.memory_space<vmem>>
      %dma_start3A_122 = arith.constant 0 : i32
      %dma_start3A_123 = arith.constant 0 : i32
      %dma_start3A_124 = tpu.memref_slice %arg11[%dma_start3A_122, %dma_start3A_123] : memref<256x128xf32, #tpu.memory_space<vmem_shared>> -> memref<256x128xf32, #tpu.memory_space<vmem_shared>>
      tpu.enqueue_indirect_dma source(%dma_start3A_118 : memref<80x128xf32, #tpu.memory_space<vmem>>) target(%dma_start3A_124 : memref<256x128xf32, #tpu.memory_space<vmem_shared>>) offsets(%dma_start3A_121 : memref<80xi32, #tpu.memory_space<vmem>>) semaphore(%arg13 : memref<!tpu.dma_semaphore, #tpu.memory_space<semaphore_mem>>) {add = true}
      %dma_start3A_125 = arith.constant 1 : i32
      %dma_start3A_126 = arith.constant 1 : i32
      %dma_start3A_127 = arith.constant 0 : i32
      %dma_start3A_128 = arith.constant 1 : i32
      %dma_start3A_129 = arith.constant 80 : i32
      %dma_start3A_130 = arith.constant 0 : i32
      %dma_start3A_131 = tpu.memref_slice %arg8[%dma_start3A_125, %dma_start3A_129, %dma_start3A_130] : memref<2x320x128xf32, #tpu.memory_space<vmem>> -> memref<1x80x128xf32, #tpu.memory_space<vmem>>
      %dma_start3A_132 = tpu.memref_squeeze %dma_start3A_131 : memref<1x80x128xf32, #tpu.memory_space<vmem>> -> memref<80x128xf32, #tpu.memory_space<vmem>>
      %dma_start3A_133 = arith.constant 0 : i32
      %dma_start3A_134 = tpu.memref_slice %arg9[%dma_start3A_126, %dma_start3A_127, %dma_start3A_128, %dma_start3A_133] : memref<2x1x4x80xi32, #tpu.memory_space<vmem>> -> memref<1x1x1x80xi32, #tpu.memory_space<vmem>>
      %dma_start3A_135 = tpu.memref_squeeze %dma_start3A_134 : memref<1x1x1x80xi32, #tpu.memory_space<vmem>> -> memref<80xi32, #tpu.memory_space<vmem>>
      %dma_start3A_136 = arith.constant 0 : i32
      %dma_start3A_137 = arith.constant 0 : i32
      %dma_start3A_138 = tpu.memref_slice %arg11[%dma_start3A_136, %dma_start3A_137] : memref<256x128xf32, #tpu.memory_space<vmem_shared>> -> memref<256x128xf32, #tpu.memory_space<vmem_shared>>
      tpu.enqueue_indirect_dma source(%dma_start3A_132 : memref<80x128xf32, #tpu.memory_space<vmem>>) target(%dma_start3A_138 : memref<256x128xf32, #tpu.memory_space<vmem_shared>>) offsets(%dma_start3A_135 : memref<80xi32, #tpu.memory_space<vmem>>) semaphore(%arg13 : memref<!tpu.dma_semaphore, #tpu.memory_space<semaphore_mem>>) {add = true}
      %dma_start3A_139 = arith.constant 1 : i32
      %dma_start3A_140 = arith.constant 1 : i32
      %dma_start3A_141 = arith.constant 0 : i32
      %dma_start3A_142 = arith.constant 2 : i32
      %dma_start3A_143 = arith.constant 160 : i32
      %dma_start3A_144 = arith.constant 0 : i32
      %dma_start3A_145 = tpu.memref_slice %arg8[%dma_start3A_139, %dma_start3A_143, %dma_start3A_144] : memref<2x320x128xf32, #tpu.memory_space<vmem>> -> memref<1x80x128xf32, #tpu.memory_space<vmem>>
      %dma_start3A_146 = tpu.memref_squeeze %dma_start3A_145 : memref<1x80x128xf32, #tpu.memory_space<vmem>> -> memref<80x128xf32, #tpu.memory_space<vmem>>
      %dma_start3A_147 = arith.constant 0 : i32
      %dma_start3A_148 = tpu.memref_slice %arg9[%dma_start3A_140, %dma_start3A_141, %dma_start3A_142, %dma_start3A_147] : memref<2x1x4x80xi32, #tpu.memory_space<vmem>> -> memref<1x1x1x80xi32, #tpu.memory_space<vmem>>
      %dma_start3A_149 = tpu.memref_squeeze %dma_start3A_148 : memref<1x1x1x80xi32, #tpu.memory_space<vmem>> -> memref<80xi32, #tpu.memory_space<vmem>>
      %dma_start3A_150 = arith.constant 0 : i32
      %dma_start3A_151 = arith.constant 0 : i32
      %dma_start3A_152 = tpu.memref_slice %arg11[%dma_start3A_150, %dma_start3A_151] : memref<256x128xf32, #tpu.memory_space<vmem_shared>> -> memref<256x128xf32, #tpu.memory_space<vmem_shared>>
      tpu.enqueue_indirect_dma source(%dma_start3A_146 : memref<80x128xf32, #tpu.memory_space<vmem>>) target(%dma_start3A_152 : memref<256x128xf32, #tpu.memory_space<vmem_shared>>) offsets(%dma_start3A_149 : memref<80xi32, #tpu.memory_space<vmem>>) semaphore(%arg13 : memref<!tpu.dma_semaphore, #tpu.memory_space<semaphore_mem>>) {add = true}
      %dma_start3A_153 = arith.constant 1 : i32
      %dma_start3A_154 = arith.constant 1 : i32
      %dma_start3A_155 = arith.constant 0 : i32
      %dma_start3A_156 = arith.constant 3 : i32
      %dma_start3A_157 = arith.constant 240 : i32
      %dma_start3A_158 = arith.constant 0 : i32
      %dma_start3A_159 = tpu.memref_slice %arg8[%dma_start3A_153, %dma_start3A_157, %dma_start3A_158] : memref<2x320x128xf32, #tpu.memory_space<vmem>> -> memref<1x80x128xf32, #tpu.memory_space<vmem>>
      %dma_start3A_160 = tpu.memref_squeeze %dma_start3A_159 : memref<1x80x128xf32, #tpu.memory_space<vmem>> -> memref<80x128xf32, #tpu.memory_space<vmem>>
      %dma_start3A_161 = arith.constant 0 : i32
      %dma_start3A_162 = tpu.memref_slice %arg9[%dma_start3A_154, %dma_start3A_155, %dma_start3A_156, %dma_start3A_161] : memref<2x1x4x80xi32, #tpu.memory_space<vmem>> -> memref<1x1x1x80xi32, #tpu.memory_space<vmem>>
      %dma_start3A_163 = tpu.memref_squeeze %dma_start3A_162 : memref<1x1x1x80xi32, #tpu.memory_space<vmem>> -> memref<80xi32, #tpu.memory_space<vmem>>
      %dma_start3A_164 = arith.constant 0 : i32
      %dma_start3A_165 = arith.constant 0 : i32
      %dma_start3A_166 = tpu.memref_slice %arg11[%dma_start3A_164, %dma_start3A_165] : memref<256x128xf32, #tpu.memory_space<vmem_shared>> -> memref<256x128xf32, #tpu.memory_space<vmem_shared>>
      tpu.enqueue_indirect_dma source(%dma_start3A_160 : memref<80x128xf32, #tpu.memory_space<vmem>>) target(%dma_start3A_166 : memref<256x128xf32, #tpu.memory_space<vmem_shared>>) offsets(%dma_start3A_163 : memref<80xi32, #tpu.memory_space<vmem>>) semaphore(%arg13 : memref<!tpu.dma_semaphore, #tpu.memory_space<semaphore_mem>>) {add = true}
      %get3A = arith.constant 1 : i32
      %get3A_167 = arith.constant 0 : i32
      %get3A_168 = arith.constant 0 : i32
      %get3A_169 = arith.index_cast %get3A : i32 to index
      %get3A_170 = arith.index_cast %get3A_167 : i32 to index
      %get3A_171 = arith.index_cast %get3A_168 : i32 to index
      %get3A_172 = arith.constant 0 : index
      %get3A_173 = tpu.vector_load %arg9[%get3A_169, %get3A_170, %get3A_171, %get3A_172] {strides = array<i32>} : memref<2x1x4x80xi32, #tpu.memory_space<vmem>>, vector<16xi32>,
      tpu.vector_store_idx %arg10[%get3A_173, %iota3A], %broadcast_in_dim3A_3 {add = true} : memref<256x16xf32, #tpu.memory_space<vmem>>[vector<16xi32>, vector<16xi32>], vector<16xf32>,
      %get3A_174 = arith.constant 1 : i32
      %get3A_175 = arith.constant 0 : i32
      %get3A_176 = arith.constant 0 : i32
      %get3A_177 = arith.index_cast %get3A_174 : i32 to index
      %get3A_178 = arith.index_cast %get3A_175 : i32 to index
      %get3A_179 = arith.index_cast %get3A_176 : i32 to index
      %get3A_180 = arith.constant 16 : index
      %get3A_181 = tpu.vector_load %arg9[%get3A_177, %get3A_178, %get3A_179, %get3A_180] {strides = array<i32>} : memref<2x1x4x80xi32, #tpu.memory_space<vmem>>, vector<16xi32>,
      tpu.vector_store_idx %arg10[%get3A_181, %iota3A], %broadcast_in_dim3A_3 {add = true} : memref<256x16xf32, #tpu.memory_space<vmem>>[vector<16xi32>, vector<16xi32>], vector<16xf32>,
      %get3A_182 = arith.constant 1 : i32
      %get3A_183 = arith.constant 0 : i32
      %get3A_184 = arith.constant 0 : i32
      %get3A_185 = arith.index_cast %get3A_182 : i32 to index
      %get3A_186 = arith.index_cast %get3A_183 : i32 to index
      %get3A_187 = arith.index_cast %get3A_184 : i32 to index
      %get3A_188 = arith.constant 32 : index
      %get3A_189 = tpu.vector_load %arg9[%get3A_185, %get3A_186, %get3A_187, %get3A_188] {strides = array<i32>} : memref<2x1x4x80xi32, #tpu.memory_space<vmem>>, vector<16xi32>,
      tpu.vector_store_idx %arg10[%get3A_189, %iota3A], %broadcast_in_dim3A_3 {add = true} : memref<256x16xf32, #tpu.memory_space<vmem>>[vector<16xi32>, vector<16xi32>], vector<16xf32>,
      %get3A_190 = arith.constant 1 : i32
      %get3A_191 = arith.constant 0 : i32
      %get3A_192 = arith.constant 0 : i32
      %get3A_193 = arith.index_cast %get3A_190 : i32 to index
      %get3A_194 = arith.index_cast %get3A_191 : i32 to index
      %get3A_195 = arith.index_cast %get3A_192 : i32 to index
      %get3A_196 = arith.constant 48 : index
      %get3A_197 = tpu.vector_load %arg9[%get3A_193, %get3A_194, %get3A_195, %get3A_196] {strides = array<i32>} : memref<2x1x4x80xi32, #tpu.memory_space<vmem>>, vector<16xi32>,
      tpu.vector_store_idx %arg10[%get3A_197, %iota3A], %broadcast_in_dim3A_3 {add = true} : memref<256x16xf32, #tpu.memory_space<vmem>>[vector<16xi32>, vector<16xi32>], vector<16xf32>,
      %get3A_198 = arith.constant 1 : i32
      %get3A_199 = arith.constant 0 : i32
      %get3A_200 = arith.constant 0 : i32
      %get3A_201 = arith.index_cast %get3A_198 : i32 to index
      %get3A_202 = arith.index_cast %get3A_199 : i32 to index
      %get3A_203 = arith.index_cast %get3A_200 : i32 to index
      %get3A_204 = arith.constant 64 : index
      %get3A_205 = tpu.vector_load %arg9[%get3A_201, %get3A_202, %get3A_203, %get3A_204] {strides = array<i32>} : memref<2x1x4x80xi32, #tpu.memory_space<vmem>>, vector<16xi32>,
      tpu.vector_store_idx %arg10[%get3A_205, %iota3A], %broadcast_in_dim3A_3 {add = true} : memref<256x16xf32, #tpu.memory_space<vmem>>[vector<16xi32>, vector<16xi32>], vector<16xf32>,
      %get3A_206 = arith.constant 1 : i32
      %get3A_207 = arith.constant 0 : i32
      %get3A_208 = arith.constant 1 : i32
      %get3A_209 = arith.index_cast %get3A_206 : i32 to index
      %get3A_210 = arith.index_cast %get3A_207 : i32 to index
      %get3A_211 = arith.index_cast %get3A_208 : i32 to index
      %get3A_212 = arith.constant 0 : index
      %get3A_213 = tpu.vector_load %arg9[%get3A_209, %get3A_210, %get3A_211, %get3A_212] {strides = array<i32>} : memref<2x1x4x80xi32, #tpu.memory_space<vmem>>, vector<16xi32>,
      tpu.vector_store_idx %arg10[%get3A_213, %iota3A], %broadcast_in_dim3A_3 {add = true} : memref<256x16xf32, #tpu.memory_space<vmem>>[vector<16xi32>, vector<16xi32>], vector<16xf32>,
      %get3A_214 = arith.constant 1 : i32
      %get3A_215 = arith.constant 0 : i32
      %get3A_216 = arith.constant 1 : i32
      %get3A_217 = arith.index_cast %get3A_214 : i32 to index
      %get3A_218 = arith.index_cast %get3A_215 : i32 to index
      %get3A_219 = arith.index_cast %get3A_216 : i32 to index
      %get3A_220 = arith.constant 16 : index
      %get3A_221 = tpu.vector_load %arg9[%get3A_217, %get3A_218, %get3A_219, %get3A_220] {strides = array<i32>} : memref<2x1x4x80xi32, #tpu.memory_space<vmem>>, vector<16xi32>,
      tpu.vector_store_idx %arg10[%get3A_221, %iota3A], %broadcast_in_dim3A_3 {add = true} : memref<256x16xf32, #tpu.memory_space<vmem>>[vector<16xi32>, vector<16xi32>], vector<16xf32>,
      %get3A_222 = arith.constant 1 : i32
      %get3A_223 = arith.constant 0 : i32
      %get3A_224 = arith.constant 1 : i32
      %get3A_225 = arith.index_cast %get3A_222 : i32 to index
      %get3A_226 = arith.index_cast %get3A_223 : i32 to index
      %get3A_227 = arith.index_cast %get3A_224 : i32 to index
      %get3A_228 = arith.constant 32 : index
      %get3A_229 = tpu.vector_load %arg9[%get3A_225, %get3A_226, %get3A_227, %get3A_228] {strides = array<i32>} : memref<2x1x4x80xi32, #tpu.memory_space<vmem>>, vector<16xi32>,
      tpu.vector_store_idx %arg10[%get3A_229, %iota3A], %broadcast_in_dim3A_3 {add = true} : memref<256x16xf32, #tpu.memory_space<vmem>>[vector<16xi32>, vector<16xi32>], vector<16xf32>,
      %get3A_230 = arith.constant 1 : i32
      %get3A_231 = arith.constant 0 : i32
      %get3A_232 = arith.constant 1 : i32
      %get3A_233 = arith.index_cast %get3A_230 : i32 to index
      %get3A_234 = arith.index_cast %get3A_231 : i32 to index
      %get3A_235 = arith.index_cast %get3A_232 : i32 to index
      %get3A_236 = arith.constant 48 : index
      %get3A_237 = tpu.vector_load %arg9[%get3A_233, %get3A_234, %get3A_235, %get3A_236] {strides = array<i32>} : memref<2x1x4x80xi32, #tpu.memory_space<vmem>>, vector<16xi32>,
      tpu.vector_store_idx %arg10[%get3A_237, %iota3A], %broadcast_in_dim3A_3 {add = true} : memref<256x16xf32, #tpu.memory_space<vmem>>[vector<16xi32>, vector<16xi32>], vector<16xf32>,
      %get3A_238 = arith.constant 1 : i32
      %get3A_239 = arith.constant 0 : i32
      %get3A_240 = arith.constant 1 : i32
      %get3A_241 = arith.index_cast %get3A_238 : i32 to index
      %get3A_242 = arith.index_cast %get3A_239 : i32 to index
      %get3A_243 = arith.index_cast %get3A_240 : i32 to index
      %get3A_244 = arith.constant 64 : index
      %get3A_245 = tpu.vector_load %arg9[%get3A_241, %get3A_242, %get3A_243, %get3A_244] {strides = array<i32>} : memref<2x1x4x80xi32, #tpu.memory_space<vmem>>, vector<16xi32>,
      tpu.vector_store_idx %arg10[%get3A_245, %iota3A], %broadcast_in_dim3A_3 {add = true} : memref<256x16xf32, #tpu.memory_space<vmem>>[vector<16xi32>, vector<16xi32>], vector<16xf32>,
      %get3A_246 = arith.constant 1 : i32
      %get3A_247 = arith.constant 0 : i32
      %get3A_248 = arith.constant 2 : i32
      %get3A_249 = arith.index_cast %get3A_246 : i32 to index
      %get3A_250 = arith.index_cast %get3A_247 : i32 to index
      %get3A_251 = arith.index_cast %get3A_248 : i32 to index
      %get3A_252 = arith.constant 0 : index
      %get3A_253 = tpu.vector_load %arg9[%get3A_249, %get3A_250, %get3A_251, %get3A_252] {strides = array<i32>} : memref<2x1x4x80xi32, #tpu.memory_space<vmem>>, vector<16xi32>,
      tpu.vector_store_idx %arg10[%get3A_253, %iota3A], %broadcast_in_dim3A_3 {add = true} : memref<256x16xf32, #tpu.memory_space<vmem>>[vector<16xi32>, vector<16xi32>], vector<16xf32>,
      %get3A_254 = arith.constant 1 : i32
      %get3A_255 = arith.constant 0 : i32
      %get3A_256 = arith.constant 2 : i32
      %get3A_257 = arith.index_cast %get3A_254 : i32 to index
      %get3A_258 = arith.index_cast %get3A_255 : i32 to index
      %get3A_259 = arith.index_cast %get3A_256 : i32 to index
      %get3A_260 = arith.constant 16 : index
      %get3A_261 = tpu.vector_load %arg9[%get3A_257, %get3A_258, %get3A_259, %get3A_260] {strides = array<i32>} : memref<2x1x4x80xi32, #tpu.memory_space<vmem>>, vector<16xi32>,
      tpu.vector_store_idx %arg10[%get3A_261, %iota3A], %broadcast_in_dim3A_3 {add = true} : memref<256x16xf32, #tpu.memory_space<vmem>>[vector<16xi32>, vector<16xi32>], vector<16xf32>,
      %get3A_262 = arith.constant 1 : i32
      %get3A_263 = arith.constant 0 : i32
      %get3A_264 = arith.constant 2 : i32
      %get3A_265 = arith.index_cast %get3A_262 : i32 to index
      %get3A_266 = arith.index_cast %get3A_263 : i32 to index
      %get3A_267 = arith.index_cast %get3A_264 : i32 to index
      %get3A_268 = arith.constant 32 : index
      %get3A_269 = tpu.vector_load %arg9[%get3A_265, %get3A_266, %get3A_267, %get3A_268] {strides = array<i32>} : memref<2x1x4x80xi32, #tpu.memory_space<vmem>>, vector<16xi32>,
      tpu.vector_store_idx %arg10[%get3A_269, %iota3A], %broadcast_in_dim3A_3 {add = true} : memref<256x16xf32, #tpu.memory_space<vmem>>[vector<16xi32>, vector<16xi32>], vector<16xf32>,
      %get3A_270 = arith.constant 1 : i32
      %get3A_271 = arith.constant 0 : i32
      %get3A_272 = arith.constant 2 : i32
      %get3A_273 = arith.index_cast %get3A_270 : i32 to index
      %get3A_274 = arith.index_cast %get3A_271 : i32 to index
      %get3A_275 = arith.index_cast %get3A_272 : i32 to index
      %get3A_276 = arith.constant 48 : index
      %get3A_277 = tpu.vector_load %arg9[%get3A_273, %get3A_274, %get3A_275, %get3A_276] {strides = array<i32>} : memref<2x1x4x80xi32, #tpu.memory_space<vmem>>, vector<16xi32>,
      tpu.vector_store_idx %arg10[%get3A_277, %iota3A], %broadcast_in_dim3A_3 {add = true} : memref<256x16xf32, #tpu.memory_space<vmem>>[vector<16xi32>, vector<16xi32>], vector<16xf32>,
      %get3A_278 = arith.constant 1 : i32
      %get3A_279 = arith.constant 0 : i32
      %get3A_280 = arith.constant 2 : i32
      %get3A_281 = arith.index_cast %get3A_278 : i32 to index
      %get3A_282 = arith.index_cast %get3A_279 : i32 to index
      %get3A_283 = arith.index_cast %get3A_280 : i32 to index
      %get3A_284 = arith.constant 64 : index
      %get3A_285 = tpu.vector_load %arg9[%get3A_281, %get3A_282, %get3A_283, %get3A_284] {strides = array<i32>} : memref<2x1x4x80xi32, #tpu.memory_space<vmem>>, vector<16xi32>,
      tpu.vector_store_idx %arg10[%get3A_285, %iota3A], %broadcast_in_dim3A_3 {add = true} : memref<256x16xf32, #tpu.memory_space<vmem>>[vector<16xi32>, vector<16xi32>], vector<16xf32>,
      %get3A_286 = arith.constant 1 : i32
      %get3A_287 = arith.constant 0 : i32
      %get3A_288 = arith.constant 3 : i32
      %get3A_289 = arith.index_cast %get3A_286 : i32 to index
      %get3A_290 = arith.index_cast %get3A_287 : i32 to index
      %get3A_291 = arith.index_cast %get3A_288 : i32 to index
      %get3A_292 = arith.constant 0 : index
      %get3A_293 = tpu.vector_load %arg9[%get3A_289, %get3A_290, %get3A_291, %get3A_292] {strides = array<i32>} : memref<2x1x4x80xi32, #tpu.memory_space<vmem>>, vector<16xi32>,
      tpu.vector_store_idx %arg10[%get3A_293, %iota3A], %broadcast_in_dim3A_3 {add = true} : memref<256x16xf32, #tpu.memory_space<vmem>>[vector<16xi32>, vector<16xi32>], vector<16xf32>,
      %get3A_294 = arith.constant 1 : i32
      %get3A_295 = arith.constant 0 : i32
      %get3A_296 = arith.constant 3 : i32
      %get3A_297 = arith.index_cast %get3A_294 : i32 to index
      %get3A_298 = arith.index_cast %get3A_295 : i32 to index
      %get3A_299 = arith.index_cast %get3A_296 : i32 to index
      %get3A_300 = arith.constant 16 : index
      %get3A_301 = tpu.vector_load %arg9[%get3A_297, %get3A_298, %get3A_299, %get3A_300] {strides = array<i32>} : memref<2x1x4x80xi32, #tpu.memory_space<vmem>>, vector<16xi32>,
      tpu.vector_store_idx %arg10[%get3A_301, %iota3A], %broadcast_in_dim3A_3 {add = true} : memref<256x16xf32, #tpu.memory_space<vmem>>[vector<16xi32>, vector<16xi32>], vector<16xf32>,
      %get3A_302 = arith.constant 1 : i32
      %get3A_303 = arith.constant 0 : i32
      %get3A_304 = arith.constant 3 : i32
      %get3A_305 = arith.index_cast %get3A_302 : i32 to index
      %get3A_306 = arith.index_cast %get3A_303 : i32 to index
      %get3A_307 = arith.index_cast %get3A_304 : i32 to index
      %get3A_308 = arith.constant 32 : index
      %get3A_309 = tpu.vector_load %arg9[%get3A_305, %get3A_306, %get3A_307, %get3A_308] {strides = array<i32>} : memref<2x1x4x80xi32, #tpu.memory_space<vmem>>, vector<16xi32>,
      tpu.vector_store_idx %arg10[%get3A_309, %iota3A], %broadcast_in_dim3A_3 {add = true} : memref<256x16xf32, #tpu.memory_space<vmem>>[vector<16xi32>, vector<16xi32>], vector<16xf32>,
      %get3A_310 = arith.constant 1 : i32
      %get3A_311 = arith.constant 0 : i32
      %get3A_312 = arith.constant 3 : i32
      %get3A_313 = arith.index_cast %get3A_310 : i32 to index
      %get3A_314 = arith.index_cast %get3A_311 : i32 to index
      %get3A_315 = arith.index_cast %get3A_312 : i32 to index
      %get3A_316 = arith.constant 48 : index
      %get3A_317 = tpu.vector_load %arg9[%get3A_313, %get3A_314, %get3A_315, %get3A_316] {strides = array<i32>} : memref<2x1x4x80xi32, #tpu.memory_space<vmem>>, vector<16xi32>,
      tpu.vector_store_idx %arg10[%get3A_317, %iota3A], %broadcast_in_dim3A_3 {add = true} : memref<256x16xf32, #tpu.memory_space<vmem>>[vector<16xi32>, vector<16xi32>], vector<16xf32>,
      %get3A_318 = arith.constant 1 : i32
      %get3A_319 = arith.constant 0 : i32
      %get3A_320 = arith.constant 3 : i32
      %get3A_321 = arith.index_cast %get3A_318 : i32 to index
      %get3A_322 = arith.index_cast %get3A_319 : i32 to index
      %get3A_323 = arith.index_cast %get3A_320 : i32 to index
      %get3A_324 = arith.constant 64 : index
      %get3A_325 = tpu.vector_load %arg9[%get3A_321, %get3A_322, %get3A_323, %get3A_324] {strides = array<i32>} : memref<2x1x4x80xi32, #tpu.memory_space<vmem>>, vector<16xi32>,
      tpu.vector_store_idx %arg10[%get3A_325, %iota3A], %broadcast_in_dim3A_3 {add = true} : memref<256x16xf32, #tpu.memory_space<vmem>>[vector<16xi32>, vector<16xi32>], vector<16xf32>,
      %dma_wait3A_326 = arith.constant 1 : i32
      %dma_wait3A_327 = arith.constant 1 : i32
      %dma_wait3A_328 = arith.constant 0 : i32
      %dma_wait3A_329 = arith.constant 0 : i32
      %dma_wait3A_330 = arith.constant 0 : i32
      %dma_wait3A_331 = arith.constant 0 : i32
      %dma_wait3A_332 = tpu.memref_slice %arg8[%dma_wait3A_326, %dma_wait3A_330, %dma_wait3A_331] : memref<2x320x128xf32, #tpu.memory_space<vmem>> -> memref<1x80x128xf32, #tpu.memory_space<vmem>>
      %dma_wait3A_333 = tpu.memref_squeeze %dma_wait3A_332 : memref<1x80x128xf32, #tpu.memory_space<vmem>> -> memref<80x128xf32, #tpu.memory_space<vmem>>
      %dma_wait3A_334 = arith.constant 0 : i32
      %dma_wait3A_335 = tpu.memref_slice %arg9[%dma_wait3A_327, %dma_wait3A_328, %dma_wait3A_329, %dma_wait3A_334] : memref<2x1x4x80xi32, #tpu.memory_space<vmem>> -> memref<1x1x1x80xi32, #tpu.memory_space<vmem>>
      %dma_wait3A_336 = tpu.memref_squeeze %dma_wait3A_335 : memref<1x1x1x80xi32, #tpu.memory_space<vmem>> -> memref<80xi32, #tpu.memory_space<vmem>>
      %dma_wait3A_337 = arith.constant 0 : i32
      %dma_wait3A_338 = arith.constant 0 : i32
      %dma_wait3A_339 = tpu.memref_slice %arg11[%dma_wait3A_337, %dma_wait3A_338] : memref<256x128xf32, #tpu.memory_space<vmem_shared>> -> memref<256x128xf32, #tpu.memory_space<vmem_shared>>
      tpu.wait_indirect_dma semaphore(%arg13 : memref<!tpu.dma_semaphore, #tpu.memory_space<semaphore_mem>>) src(%dma_wait3A_333 : memref<80x128xf32, #tpu.memory_space<vmem>>) dst(%dma_wait3A_339 : memref<256x128xf32, #tpu.memory_space<vmem_shared>>)
      %dma_wait3A_340 = arith.constant 1 : i32
      %dma_wait3A_341 = arith.constant 1 : i32
      %dma_wait3A_342 = arith.constant 0 : i32
      %dma_wait3A_343 = arith.constant 1 : i32
      %dma_wait3A_344 = arith.constant 80 : i32
      %dma_wait3A_345 = arith.constant 0 : i32
      %dma_wait3A_346 = tpu.memref_slice %arg8[%dma_wait3A_340, %dma_wait3A_344, %dma_wait3A_345] : memref<2x320x128xf32, #tpu.memory_space<vmem>> -> memref<1x80x128xf32, #tpu.memory_space<vmem>>
      %dma_wait3A_347 = tpu.memref_squeeze %dma_wait3A_346 : memref<1x80x128xf32, #tpu.memory_space<vmem>> -> memref<80x128xf32, #tpu.memory_space<vmem>>
      %dma_wait3A_348 = arith.constant 0 : i32
      %dma_wait3A_349 = tpu.memref_slice %arg9[%dma_wait3A_341, %dma_wait3A_342, %dma_wait3A_343, %dma_wait3A_348] : memref<2x1x4x80xi32, #tpu.memory_space<vmem>> -> memref<1x1x1x80xi32, #tpu.memory_space<vmem>>
      %dma_wait3A_350 = tpu.memref_squeeze %dma_wait3A_349 : memref<1x1x1x80xi32, #tpu.memory_space<vmem>> -> memref<80xi32, #tpu.memory_space<vmem>>
      %dma_wait3A_351 = arith.constant 0 : i32
      %dma_wait3A_352 = arith.constant 0 : i32
      %dma_wait3A_353 = tpu.memref_slice %arg11[%dma_wait3A_351, %dma_wait3A_352] : memref<256x128xf32, #tpu.memory_space<vmem_shared>> -> memref<256x128xf32, #tpu.memory_space<vmem_shared>>
      tpu.wait_indirect_dma semaphore(%arg13 : memref<!tpu.dma_semaphore, #tpu.memory_space<semaphore_mem>>) src(%dma_wait3A_347 : memref<80x128xf32, #tpu.memory_space<vmem>>) dst(%dma_wait3A_353 : memref<256x128xf32, #tpu.memory_space<vmem_shared>>)
      %dma_wait3A_354 = arith.constant 1 : i32
      %dma_wait3A_355 = arith.constant 1 : i32
      %dma_wait3A_356 = arith.constant 0 : i32
      %dma_wait3A_357 = arith.constant 2 : i32
      %dma_wait3A_358 = arith.constant 160 : i32
      %dma_wait3A_359 = arith.constant 0 : i32
      %dma_wait3A_360 = tpu.memref_slice %arg8[%dma_wait3A_354, %dma_wait3A_358, %dma_wait3A_359] : memref<2x320x128xf32, #tpu.memory_space<vmem>> -> memref<1x80x128xf32, #tpu.memory_space<vmem>>
      %dma_wait3A_361 = tpu.memref_squeeze %dma_wait3A_360 : memref<1x80x128xf32, #tpu.memory_space<vmem>> -> memref<80x128xf32, #tpu.memory_space<vmem>>
      %dma_wait3A_362 = arith.constant 0 : i32
      %dma_wait3A_363 = tpu.memref_slice %arg9[%dma_wait3A_355, %dma_wait3A_356, %dma_wait3A_357, %dma_wait3A_362] : memref<2x1x4x80xi32, #tpu.memory_space<vmem>> -> memref<1x1x1x80xi32, #tpu.memory_space<vmem>>
      %dma_wait3A_364 = tpu.memref_squeeze %dma_wait3A_363 : memref<1x1x1x80xi32, #tpu.memory_space<vmem>> -> memref<80xi32, #tpu.memory_space<vmem>>
      %dma_wait3A_365 = arith.constant 0 : i32
      %dma_wait3A_366 = arith.constant 0 : i32
      %dma_wait3A_367 = tpu.memref_slice %arg11[%dma_wait3A_365, %dma_wait3A_366] : memref<256x128xf32, #tpu.memory_space<vmem_shared>> -> memref<256x128xf32, #tpu.memory_space<vmem_shared>>
      tpu.wait_indirect_dma semaphore(%arg13 : memref<!tpu.dma_semaphore, #tpu.memory_space<semaphore_mem>>) src(%dma_wait3A_361 : memref<80x128xf32, #tpu.memory_space<vmem>>) dst(%dma_wait3A_367 : memref<256x128xf32, #tpu.memory_space<vmem_shared>>)
      %dma_wait3A_368 = arith.constant 1 : i32
      %dma_wait3A_369 = arith.constant 1 : i32
      %dma_wait3A_370 = arith.constant 0 : i32
      %dma_wait3A_371 = arith.constant 3 : i32
      %dma_wait3A_372 = arith.constant 240 : i32
      %dma_wait3A_373 = arith.constant 0 : i32
      %dma_wait3A_374 = tpu.memref_slice %arg8[%dma_wait3A_368, %dma_wait3A_372, %dma_wait3A_373] : memref<2x320x128xf32, #tpu.memory_space<vmem>> -> memref<1x80x128xf32, #tpu.memory_space<vmem>>
      %dma_wait3A_375 = tpu.memref_squeeze %dma_wait3A_374 : memref<1x80x128xf32, #tpu.memory_space<vmem>> -> memref<80x128xf32, #tpu.memory_space<vmem>>
      %dma_wait3A_376 = arith.constant 0 : i32
      %dma_wait3A_377 = tpu.memref_slice %arg9[%dma_wait3A_369, %dma_wait3A_370, %dma_wait3A_371, %dma_wait3A_376] : memref<2x1x4x80xi32, #tpu.memory_space<vmem>> -> memref<1x1x1x80xi32, #tpu.memory_space<vmem>>
      %dma_wait3A_378 = tpu.memref_squeeze %dma_wait3A_377 : memref<1x1x1x80xi32, #tpu.memory_space<vmem>> -> memref<80xi32, #tpu.memory_space<vmem>>
      %dma_wait3A_379 = arith.constant 0 : i32
      %dma_wait3A_380 = arith.constant 0 : i32
      %dma_wait3A_381 = tpu.memref_slice %arg11[%dma_wait3A_379, %dma_wait3A_380] : memref<256x128xf32, #tpu.memory_space<vmem_shared>> -> memref<256x128xf32, #tpu.memory_space<vmem_shared>>
      tpu.wait_indirect_dma semaphore(%arg13 : memref<!tpu.dma_semaphore, #tpu.memory_space<semaphore_mem>>) src(%dma_wait3A_375 : memref<80x128xf32, #tpu.memory_space<vmem>>) dst(%dma_wait3A_381 : memref<256x128xf32, #tpu.memory_space<vmem_shared>>)
    } else {
    }
    %add3A_66 = arith.constant 128 : i32
    %add3A_67 = arith.addi %add3A, %add3A_66 : i32
    %lt3A_68 = arith.constant 150 : i32
    %lt3A_69 = arith.cmpi slt, %add3A_67, %lt3A_68 : i32
    %convert_element_type3A_70 = arith.extui %lt3A_69 : i1 to i32
    %cond3A_71 = arith.constant 0 : i32
    %cond3A_72 = arith.cmpi ne, %convert_element_type3A_70, %cond3A_71 : i32
    scf.if %cond3A_72 {
      %add3A_79 = arith.constant 128 : i32
      %add3A_80 = arith.addi %add3A, %add3A_79 : i32
      %mul3A_81 = arith.constant 320 : i32
      %mul3A_82 = arith.muli %add3A_80, %mul3A_81 : i32
      %dma_wait3A = arith.constant 0 : i32
      %dma_wait3A_83 = arith.constant 0 : i32
      %dma_wait3A_84 = arith.constant 0 : i32
      %dma_wait3A_85 = tpu.memref_slice %arg8[%dma_wait3A, %dma_wait3A_83, %dma_wait3A_84] : memref<2x320x128xf32, #tpu.memory_space<vmem>> -> memref<1x320x128xf32, #tpu.memory_space<vmem>>
      %dma_wait3A_86 = tpu.memref_squeeze %dma_wait3A_85 : memref<1x320x128xf32, #tpu.memory_space<vmem>> -> memref<320x128xf32, #tpu.memory_space<vmem>>
      %dma_wait3A_87 = arith.constant 0 : i32
      %dma_wait3A_88 = tpu.memref_slice %arg2[%mul3A_82, %dma_wait3A_87] : memref<100000x128xf32, #tpu.memory_space<hbm>> -> memref<320x128xf32, #tpu.memory_space<hbm>>
      %dma_wait3A_89 = arith.constant 0 : i32
      %dma_wait3A_90 = arith.constant 0 : i32
      %dma_wait3A_91 = tpu.memref_slice %arg8[%dma_wait3A, %dma_wait3A_89, %dma_wait3A_90] : memref<2x320x128xf32, #tpu.memory_space<vmem>> -> memref<1x320x128xf32, #tpu.memory_space<vmem>>
      %dma_wait3A_92 = tpu.memref_squeeze %dma_wait3A_91 : memref<1x320x128xf32, #tpu.memory_space<vmem>> -> memref<320x128xf32, #tpu.memory_space<vmem>>
      %dma_wait3A_93 = arith.constant 0 : i32
      %dma_wait3A_94 = tpu.memref_slice %arg2[%mul3A_82, %dma_wait3A_93] : memref<100000x128xf32, #tpu.memory_space<hbm>> -> memref<320x128xf32, #tpu.memory_space<hbm>>
      tpu.wait_dma2 semaphore(%arg12 : memref<!tpu.dma_semaphore, #tpu.memory_space<semaphore_mem>>) src(%dma_wait3A_94 : memref<320x128xf32, #tpu.memory_space<hbm>>) dst(%dma_wait3A_92 : memref<320x128xf32, #tpu.memory_space<vmem>>)
      %dma_wait3A_95 = arith.constant 0 : i32
      %dma_wait3A_96 = arith.constant 0 : i32
      %dma_wait3A_97 = arith.constant 0 : i32
      %dma_wait3A_98 = arith.constant 0 : i32
      %dma_wait3A_99 = tpu.memref_slice %arg9[%dma_wait3A_95, %dma_wait3A_96, %dma_wait3A_97, %dma_wait3A_98] : memref<2x1x4x80xi32, #tpu.memory_space<vmem>> -> memref<1x1x4x80xi32, #tpu.memory_space<vmem>>
      %dma_wait3A_100 = tpu.memref_squeeze %dma_wait3A_99 : memref<1x1x4x80xi32, #tpu.memory_space<vmem>> -> memref<1x4x80xi32, #tpu.memory_space<vmem>>
      %dma_wait3A_101 = arith.constant 0 : i32
      %dma_wait3A_102 = arith.constant 0 : i32
      %dma_wait3A_103 = tpu.memref_slice %arg3[%add3A_80, %dma_wait3A_101, %dma_wait3A_102] : memref<150x4x80xi32, #tpu.memory_space<hbm>> -> memref<1x4x80xi32, #tpu.memory_space<hbm>>
      %dma_wait3A_104 = arith.constant 0 : i32
      %dma_wait3A_105 = arith.constant 0 : i32
      %dma_wait3A_106 = arith.constant 0 : i32
      %dma_wait3A_107 = tpu.memref_slice %arg9[%dma_wait3A_95, %dma_wait3A_104, %dma_wait3A_105, %dma_wait3A_106] : memref<2x1x4x80xi32, #tpu.memory_space<vmem>> -> memref<1x1x4x80xi32, #tpu.memory_space<vmem>>
      %dma_wait3A_108 = tpu.memref_squeeze %dma_wait3A_107 : memref<1x1x4x80xi32, #tpu.memory_space<vmem>> -> memref<1x4x80xi32, #tpu.memory_space<vmem>>
      %dma_wait3A_109 = arith.constant 0 : i32
      %dma_wait3A_110 = arith.constant 0 : i32
      %dma_wait3A_111 = tpu.memref_slice %arg3[%add3A_80, %dma_wait3A_109, %dma_wait3A_110] : memref<150x4x80xi32, #tpu.memory_space<hbm>> -> memref<1x4x80xi32, #tpu.memory_space<hbm>>
      tpu.wait_dma2 semaphore(%arg14 : memref<!tpu.dma_semaphore, #tpu.memory_space<semaphore_mem>>) src(%dma_wait3A_111 : memref<1x4x80xi32, #tpu.memory_space<hbm>>) dst(%dma_wait3A_108 : memref<1x4x80xi32, #tpu.memory_space<vmem>>)
      %dma_start3A = arith.constant 0 : i32
      %dma_start3A_112 = arith.constant 0 : i32
      %dma_start3A_113 = arith.constant 0 : i32
      %dma_start3A_114 = arith.constant 0 : i32
      %dma_start3A_115 = arith.constant 0 : i32
      %dma_start3A_116 = arith.constant 0 : i32
      %dma_start3A_117 = tpu.memref_slice %arg8[%dma_start3A, %dma_start3A_115, %dma_start3A_116] : memref<2x320x128xf32, #tpu.memory_space<vmem>> -> memref<1x80x128xf32, #tpu.memory_space<vmem>>
      %dma_start3A_118 = tpu.memref_squeeze %dma_start3A_117 : memref<1x80x128xf32, #tpu.memory_space<vmem>> -> memref<80x128xf32, #tpu.memory_space<vmem>>
      %dma_start3A_119 = arith.constant 0 : i32
      %dma_start3A_120 = tpu.memref_slice %arg9[%dma_start3A_112, %dma_start3A_113, %dma_start3A_114, %dma_start3A_119] : memref<2x1x4x80xi32, #tpu.memory_space<vmem>> -> memref<1x1x1x80xi32, #tpu.memory_space<vmem>>
      %dma_start3A_121 = tpu.memref_squeeze %dma_start3A_120 : memref<1x1x1x80xi32, #tpu.memory_space<vmem>> -> memref<80xi32, #tpu.memory_space<vmem>>
      %dma_start3A_122 = arith.constant 0 : i32
      %dma_start3A_123 = arith.constant 0 : i32
      %dma_start3A_124 = tpu.memref_slice %arg11[%dma_start3A_122, %dma_start3A_123] : memref<256x128xf32, #tpu.memory_space<vmem_shared>> -> memref<256x128xf32, #tpu.memory_space<vmem_shared>>
      tpu.enqueue_indirect_dma source(%dma_start3A_118 : memref<80x128xf32, #tpu.memory_space<vmem>>) target(%dma_start3A_124 : memref<256x128xf32, #tpu.memory_space<vmem_shared>>) offsets(%dma_start3A_121 : memref<80xi32, #tpu.memory_space<vmem>>) semaphore(%arg12 : memref<!tpu.dma_semaphore, #tpu.memory_space<semaphore_mem>>) {add = true}
      %dma_start3A_125 = arith.constant 0 : i32
      %dma_start3A_126 = arith.constant 0 : i32
      %dma_start3A_127 = arith.constant 0 : i32
      %dma_start3A_128 = arith.constant 1 : i32
      %dma_start3A_129 = arith.constant 80 : i32
      %dma_start3A_130 = arith.constant 0 : i32
      %dma_start3A_131 = tpu.memref_slice %arg8[%dma_start3A_125, %dma_start3A_129, %dma_start3A_130] : memref<2x320x128xf32, #tpu.memory_space<vmem>> -> memref<1x80x128xf32, #tpu.memory_space<vmem>>
      %dma_start3A_132 = tpu.memref_squeeze %dma_start3A_131 : memref<1x80x128xf32, #tpu.memory_space<vmem>> -> memref<80x128xf32, #tpu.memory_space<vmem>>
      %dma_start3A_133 = arith.constant 0 : i32
      %dma_start3A_134 = tpu.memref_slice %arg9[%dma_start3A_126, %dma_start3A_127, %dma_start3A_128, %dma_start3A_133] : memref<2x1x4x80xi32, #tpu.memory_space<vmem>> -> memref<1x1x1x80xi32, #tpu.memory_space<vmem>>
      %dma_start3A_135 = tpu.memref_squeeze %dma_start3A_134 : memref<1x1x1x80xi32, #tpu.memory_space<vmem>> -> memref<80xi32, #tpu.memory_space<vmem>>
      %dma_start3A_136 = arith.constant 0 : i32
      %dma_start3A_137 = arith.constant 0 : i32
      %dma_start3A_138 = tpu.memref_slice %arg11[%dma_start3A_136, %dma_start3A_137] : memref<256x128xf32, #tpu.memory_space<vmem_shared>> -> memref<256x128xf32, #tpu.memory_space<vmem_shared>>
      tpu.enqueue_indirect_dma source(%dma_start3A_132 : memref<80x128xf32, #tpu.memory_space<vmem>>) target(%dma_start3A_138 : memref<256x128xf32, #tpu.memory_space<vmem_shared>>) offsets(%dma_start3A_135 : memref<80xi32, #tpu.memory_space<vmem>>) semaphore(%arg12 : memref<!tpu.dma_semaphore, #tpu.memory_space<semaphore_mem>>) {add = true}
      %dma_start3A_139 = arith.constant 0 : i32
      %dma_start3A_140 = arith.constant 0 : i32
      %dma_start3A_141 = arith.constant 0 : i32
      %dma_start3A_142 = arith.constant 2 : i32
      %dma_start3A_143 = arith.constant 160 : i32
      %dma_start3A_144 = arith.constant 0 : i32
      %dma_start3A_145 = tpu.memref_slice %arg8[%dma_start3A_139, %dma_start3A_143, %dma_start3A_144] : memref<2x320x128xf32, #tpu.memory_space<vmem>> -> memref<1x80x128xf32, #tpu.memory_space<vmem>>
      %dma_start3A_146 = tpu.memref_squeeze %dma_start3A_145 : memref<1x80x128xf32, #tpu.memory_space<vmem>> -> memref<80x128xf32, #tpu.memory_space<vmem>>
      %dma_start3A_147 = arith.constant 0 : i32
      %dma_start3A_148 = tpu.memref_slice %arg9[%dma_start3A_140, %dma_start3A_141, %dma_start3A_142, %dma_start3A_147] : memref<2x1x4x80xi32, #tpu.memory_space<vmem>> -> memref<1x1x1x80xi32, #tpu.memory_space<vmem>>
      %dma_start3A_149 = tpu.memref_squeeze %dma_start3A_148 : memref<1x1x1x80xi32, #tpu.memory_space<vmem>> -> memref<80xi32, #tpu.memory_space<vmem>>
      %dma_start3A_150 = arith.constant 0 : i32
      %dma_start3A_151 = arith.constant 0 : i32
      %dma_start3A_152 = tpu.memref_slice %arg11[%dma_start3A_150, %dma_start3A_151] : memref<256x128xf32, #tpu.memory_space<vmem_shared>> -> memref<256x128xf32, #tpu.memory_space<vmem_shared>>
      tpu.enqueue_indirect_dma source(%dma_start3A_146 : memref<80x128xf32, #tpu.memory_space<vmem>>) target(%dma_start3A_152 : memref<256x128xf32, #tpu.memory_space<vmem_shared>>) offsets(%dma_start3A_149 : memref<80xi32, #tpu.memory_space<vmem>>) semaphore(%arg12 : memref<!tpu.dma_semaphore, #tpu.memory_space<semaphore_mem>>) {add = true}
      %dma_start3A_153 = arith.constant 0 : i32
      %dma_start3A_154 = arith.constant 0 : i32
      %dma_start3A_155 = arith.constant 0 : i32
      %dma_start3A_156 = arith.constant 3 : i32
      %dma_start3A_157 = arith.constant 240 : i32
      %dma_start3A_158 = arith.constant 0 : i32
      %dma_start3A_159 = tpu.memref_slice %arg8[%dma_start3A_153, %dma_start3A_157, %dma_start3A_158] : memref<2x320x128xf32, #tpu.memory_space<vmem>> -> memref<1x80x128xf32, #tpu.memory_space<vmem>>
      %dma_start3A_160 = tpu.memref_squeeze %dma_start3A_159 : memref<1x80x128xf32, #tpu.memory_space<vmem>> -> memref<80x128xf32, #tpu.memory_space<vmem>>
      %dma_start3A_161 = arith.constant 0 : i32
      %dma_start3A_162 = tpu.memref_slice %arg9[%dma_start3A_154, %dma_start3A_155, %dma_start3A_156, %dma_start3A_161] : memref<2x1x4x80xi32, #tpu.memory_space<vmem>> -> memref<1x1x1x80xi32, #tpu.memory_space<vmem>>
      %dma_start3A_163 = tpu.memref_squeeze %dma_start3A_162 : memref<1x1x1x80xi32, #tpu.memory_space<vmem>> -> memref<80xi32, #tpu.memory_space<vmem>>
      %dma_start3A_164 = arith.constant 0 : i32
      %dma_start3A_165 = arith.constant 0 : i32
      %dma_start3A_166 = tpu.memref_slice %arg11[%dma_start3A_164, %dma_start3A_165] : memref<256x128xf32, #tpu.memory_space<vmem_shared>> -> memref<256x128xf32, #tpu.memory_space<vmem_shared>>
      tpu.enqueue_indirect_dma source(%dma_start3A_160 : memref<80x128xf32, #tpu.memory_space<vmem>>) target(%dma_start3A_166 : memref<256x128xf32, #tpu.memory_space<vmem_shared>>) offsets(%dma_start3A_163 : memref<80xi32, #tpu.memory_space<vmem>>) semaphore(%arg12 : memref<!tpu.dma_semaphore, #tpu.memory_space<semaphore_mem>>) {add = true}
      %get3A = arith.constant 0 : i32
      %get3A_167 = arith.constant 0 : i32
      %get3A_168 = arith.constant 0 : i32
      %get3A_169 = arith.index_cast %get3A : i32 to index
      %get3A_170 = arith.index_cast %get3A_167 : i32 to index
      %get3A_171 = arith.index_cast %get3A_168 : i32 to index
      %get3A_172 = arith.constant 0 : index
      %get3A_173 = tpu.vector_load %arg9[%get3A_169, %get3A_170, %get3A_171, %get3A_172] {strides = array<i32>} : memref<2x1x4x80xi32, #tpu.memory_space<vmem>>, vector<16xi32>,
      tpu.vector_store_idx %arg10[%get3A_173, %iota3A], %broadcast_in_dim3A_3 {add = true} : memref<256x16xf32, #tpu.memory_space<vmem>>[vector<16xi32>, vector<16xi32>], vector<16xf32>,
      %get3A_174 = arith.constant 0 : i32
      %get3A_175 = arith.constant 0 : i32
      %get3A_176 = arith.constant 0 : i32
      %get3A_177 = arith.index_cast %get3A_174 : i32 to index
      %get3A_178 = arith.index_cast %get3A_175 : i32 to index
      %get3A_179 = arith.index_cast %get3A_176 : i32 to index
      %get3A_180 = arith.constant 16 : index
      %get3A_181 = tpu.vector_load %arg9[%get3A_177, %get3A_178, %get3A_179, %get3A_180] {strides = array<i32>} : memref<2x1x4x80xi32, #tpu.memory_space<vmem>>, vector<16xi32>,
      tpu.vector_store_idx %arg10[%get3A_181, %iota3A], %broadcast_in_dim3A_3 {add = true} : memref<256x16xf32, #tpu.memory_space<vmem>>[vector<16xi32>, vector<16xi32>], vector<16xf32>,
      %get3A_182 = arith.constant 0 : i32
      %get3A_183 = arith.constant 0 : i32
      %get3A_184 = arith.constant 0 : i32
      %get3A_185 = arith.index_cast %get3A_182 : i32 to index
      %get3A_186 = arith.index_cast %get3A_183 : i32 to index
      %get3A_187 = arith.index_cast %get3A_184 : i32 to index
      %get3A_188 = arith.constant 32 : index
      %get3A_189 = tpu.vector_load %arg9[%get3A_185, %get3A_186, %get3A_187, %get3A_188] {strides = array<i32>} : memref<2x1x4x80xi32, #tpu.memory_space<vmem>>, vector<16xi32>,
      tpu.vector_store_idx %arg10[%get3A_189, %iota3A], %broadcast_in_dim3A_3 {add = true} : memref<256x16xf32, #tpu.memory_space<vmem>>[vector<16xi32>, vector<16xi32>], vector<16xf32>,
      %get3A_190 = arith.constant 0 : i32
      %get3A_191 = arith.constant 0 : i32
      %get3A_192 = arith.constant 0 : i32
      %get3A_193 = arith.index_cast %get3A_190 : i32 to index
      %get3A_194 = arith.index_cast %get3A_191 : i32 to index
      %get3A_195 = arith.index_cast %get3A_192 : i32 to index
      %get3A_196 = arith.constant 48 : index
      %get3A_197 = tpu.vector_load %arg9[%get3A_193, %get3A_194, %get3A_195, %get3A_196] {strides = array<i32>} : memref<2x1x4x80xi32, #tpu.memory_space<vmem>>, vector<16xi32>,
      tpu.vector_store_idx %arg10[%get3A_197, %iota3A], %broadcast_in_dim3A_3 {add = true} : memref<256x16xf32, #tpu.memory_space<vmem>>[vector<16xi32>, vector<16xi32>], vector<16xf32>,
      %get3A_198 = arith.constant 0 : i32
      %get3A_199 = arith.constant 0 : i32
      %get3A_200 = arith.constant 0 : i32
      %get3A_201 = arith.index_cast %get3A_198 : i32 to index
      %get3A_202 = arith.index_cast %get3A_199 : i32 to index
      %get3A_203 = arith.index_cast %get3A_200 : i32 to index
      %get3A_204 = arith.constant 64 : index
      %get3A_205 = tpu.vector_load %arg9[%get3A_201, %get3A_202, %get3A_203, %get3A_204] {strides = array<i32>} : memref<2x1x4x80xi32, #tpu.memory_space<vmem>>, vector<16xi32>,
      tpu.vector_store_idx %arg10[%get3A_205, %iota3A], %broadcast_in_dim3A_3 {add = true} : memref<256x16xf32, #tpu.memory_space<vmem>>[vector<16xi32>, vector<16xi32>], vector<16xf32>,
      %get3A_206 = arith.constant 0 : i32
      %get3A_207 = arith.constant 0 : i32
      %get3A_208 = arith.constant 1 : i32
      %get3A_209 = arith.index_cast %get3A_206 : i32 to index
      %get3A_210 = arith.index_cast %get3A_207 : i32 to index
      %get3A_211 = arith.index_cast %get3A_208 : i32 to index
      %get3A_212 = arith.constant 0 : index
      %get3A_213 = tpu.vector_load %arg9[%get3A_209, %get3A_210, %get3A_211, %get3A_212] {strides = array<i32>} : memref<2x1x4x80xi32, #tpu.memory_space<vmem>>, vector<16xi32>,
      tpu.vector_store_idx %arg10[%get3A_213, %iota3A], %broadcast_in_dim3A_3 {add = true} : memref<256x16xf32, #tpu.memory_space<vmem>>[vector<16xi32>, vector<16xi32>], vector<16xf32>,
      %get3A_214 = arith.constant 0 : i32
      %get3A_215 = arith.constant 0 : i32
      %get3A_216 = arith.constant 1 : i32
      %get3A_217 = arith.index_cast %get3A_214 : i32 to index
      %get3A_218 = arith.index_cast %get3A_215 : i32 to index
      %get3A_219 = arith.index_cast %get3A_216 : i32 to index
      %get3A_220 = arith.constant 16 : index
      %get3A_221 = tpu.vector_load %arg9[%get3A_217, %get3A_218, %get3A_219, %get3A_220] {strides = array<i32>} : memref<2x1x4x80xi32, #tpu.memory_space<vmem>>, vector<16xi32>,
      tpu.vector_store_idx %arg10[%get3A_221, %iota3A], %broadcast_in_dim3A_3 {add = true} : memref<256x16xf32, #tpu.memory_space<vmem>>[vector<16xi32>, vector<16xi32>], vector<16xf32>,
      %get3A_222 = arith.constant 0 : i32
      %get3A_223 = arith.constant 0 : i32
      %get3A_224 = arith.constant 1 : i32
      %get3A_225 = arith.index_cast %get3A_222 : i32 to index
      %get3A_226 = arith.index_cast %get3A_223 : i32 to index
      %get3A_227 = arith.index_cast %get3A_224 : i32 to index
      %get3A_228 = arith.constant 32 : index
      %get3A_229 = tpu.vector_load %arg9[%get3A_225, %get3A_226, %get3A_227, %get3A_228] {strides = array<i32>} : memref<2x1x4x80xi32, #tpu.memory_space<vmem>>, vector<16xi32>,
      tpu.vector_store_idx %arg10[%get3A_229, %iota3A], %broadcast_in_dim3A_3 {add = true} : memref<256x16xf32, #tpu.memory_space<vmem>>[vector<16xi32>, vector<16xi32>], vector<16xf32>,
      %get3A_230 = arith.constant 0 : i32
      %get3A_231 = arith.constant 0 : i32
      %get3A_232 = arith.constant 1 : i32
      %get3A_233 = arith.index_cast %get3A_230 : i32 to index
      %get3A_234 = arith.index_cast %get3A_231 : i32 to index
      %get3A_235 = arith.index_cast %get3A_232 : i32 to index
      %get3A_236 = arith.constant 48 : index
      %get3A_237 = tpu.vector_load %arg9[%get3A_233, %get3A_234, %get3A_235, %get3A_236] {strides = array<i32>} : memref<2x1x4x80xi32, #tpu.memory_space<vmem>>, vector<16xi32>,
      tpu.vector_store_idx %arg10[%get3A_237, %iota3A], %broadcast_in_dim3A_3 {add = true} : memref<256x16xf32, #tpu.memory_space<vmem>>[vector<16xi32>, vector<16xi32>], vector<16xf32>,
      %get3A_238 = arith.constant 0 : i32
      %get3A_239 = arith.constant 0 : i32
      %get3A_240 = arith.constant 1 : i32
      %get3A_241 = arith.index_cast %get3A_238 : i32 to index
      %get3A_242 = arith.index_cast %get3A_239 : i32 to index
      %get3A_243 = arith.index_cast %get3A_240 : i32 to index
      %get3A_244 = arith.constant 64 : index
      %get3A_245 = tpu.vector_load %arg9[%get3A_241, %get3A_242, %get3A_243, %get3A_244] {strides = array<i32>} : memref<2x1x4x80xi32, #tpu.memory_space<vmem>>, vector<16xi32>,
      tpu.vector_store_idx %arg10[%get3A_245, %iota3A], %broadcast_in_dim3A_3 {add = true} : memref<256x16xf32, #tpu.memory_space<vmem>>[vector<16xi32>, vector<16xi32>], vector<16xf32>,
      %get3A_246 = arith.constant 0 : i32
      %get3A_247 = arith.constant 0 : i32
      %get3A_248 = arith.constant 2 : i32
      %get3A_249 = arith.index_cast %get3A_246 : i32 to index
      %get3A_250 = arith.index_cast %get3A_247 : i32 to index
      %get3A_251 = arith.index_cast %get3A_248 : i32 to index
      %get3A_252 = arith.constant 0 : index
      %get3A_253 = tpu.vector_load %arg9[%get3A_249, %get3A_250, %get3A_251, %get3A_252] {strides = array<i32>} : memref<2x1x4x80xi32, #tpu.memory_space<vmem>>, vector<16xi32>,
      tpu.vector_store_idx %arg10[%get3A_253, %iota3A], %broadcast_in_dim3A_3 {add = true} : memref<256x16xf32, #tpu.memory_space<vmem>>[vector<16xi32>, vector<16xi32>], vector<16xf32>,
      %get3A_254 = arith.constant 0 : i32
      %get3A_255 = arith.constant 0 : i32
      %get3A_256 = arith.constant 2 : i32
      %get3A_257 = arith.index_cast %get3A_254 : i32 to index
      %get3A_258 = arith.index_cast %get3A_255 : i32 to index
      %get3A_259 = arith.index_cast %get3A_256 : i32 to index
      %get3A_260 = arith.constant 16 : index
      %get3A_261 = tpu.vector_load %arg9[%get3A_257, %get3A_258, %get3A_259, %get3A_260] {strides = array<i32>} : memref<2x1x4x80xi32, #tpu.memory_space<vmem>>, vector<16xi32>,
      tpu.vector_store_idx %arg10[%get3A_261, %iota3A], %broadcast_in_dim3A_3 {add = true} : memref<256x16xf32, #tpu.memory_space<vmem>>[vector<16xi32>, vector<16xi32>], vector<16xf32>,
      %get3A_262 = arith.constant 0 : i32
      %get3A_263 = arith.constant 0 : i32
      %get3A_264 = arith.constant 2 : i32
      %get3A_265 = arith.index_cast %get3A_262 : i32 to index
      %get3A_266 = arith.index_cast %get3A_263 : i32 to index
      %get3A_267 = arith.index_cast %get3A_264 : i32 to index
      %get3A_268 = arith.constant 32 : index
      %get3A_269 = tpu.vector_load %arg9[%get3A_265, %get3A_266, %get3A_267, %get3A_268] {strides = array<i32>} : memref<2x1x4x80xi32, #tpu.memory_space<vmem>>, vector<16xi32>,
      tpu.vector_store_idx %arg10[%get3A_269, %iota3A], %broadcast_in_dim3A_3 {add = true} : memref<256x16xf32, #tpu.memory_space<vmem>>[vector<16xi32>, vector<16xi32>], vector<16xf32>,
      %get3A_270 = arith.constant 0 : i32
      %get3A_271 = arith.constant 0 : i32
      %get3A_272 = arith.constant 2 : i32
      %get3A_273 = arith.index_cast %get3A_270 : i32 to index
      %get3A_274 = arith.index_cast %get3A_271 : i32 to index
      %get3A_275 = arith.index_cast %get3A_272 : i32 to index
      %get3A_276 = arith.constant 48 : index
      %get3A_277 = tpu.vector_load %arg9[%get3A_273, %get3A_274, %get3A_275, %get3A_276] {strides = array<i32>} : memref<2x1x4x80xi32, #tpu.memory_space<vmem>>, vector<16xi32>,
      tpu.vector_store_idx %arg10[%get3A_277, %iota3A], %broadcast_in_dim3A_3 {add = true} : memref<256x16xf32, #tpu.memory_space<vmem>>[vector<16xi32>, vector<16xi32>], vector<16xf32>,
      %get3A_278 = arith.constant 0 : i32
      %get3A_279 = arith.constant 0 : i32
      %get3A_280 = arith.constant 2 : i32
      %get3A_281 = arith.index_cast %get3A_278 : i32 to index
      %get3A_282 = arith.index_cast %get3A_279 : i32 to index
      %get3A_283 = arith.index_cast %get3A_280 : i32 to index
      %get3A_284 = arith.constant 64 : index
      %get3A_285 = tpu.vector_load %arg9[%get3A_281, %get3A_282, %get3A_283, %get3A_284] {strides = array<i32>} : memref<2x1x4x80xi32, #tpu.memory_space<vmem>>, vector<16xi32>,
      tpu.vector_store_idx %arg10[%get3A_285, %iota3A], %broadcast_in_dim3A_3 {add = true} : memref<256x16xf32, #tpu.memory_space<vmem>>[vector<16xi32>, vector<16xi32>], vector<16xf32>,
      %get3A_286 = arith.constant 0 : i32
      %get3A_287 = arith.constant 0 : i32
      %get3A_288 = arith.constant 3 : i32
      %get3A_289 = arith.index_cast %get3A_286 : i32 to index
      %get3A_290 = arith.index_cast %get3A_287 : i32 to index
      %get3A_291 = arith.index_cast %get3A_288 : i32 to index
      %get3A_292 = arith.constant 0 : index
      %get3A_293 = tpu.vector_load %arg9[%get3A_289, %get3A_290, %get3A_291, %get3A_292] {strides = array<i32>} : memref<2x1x4x80xi32, #tpu.memory_space<vmem>>, vector<16xi32>,
      tpu.vector_store_idx %arg10[%get3A_293, %iota3A], %broadcast_in_dim3A_3 {add = true} : memref<256x16xf32, #tpu.memory_space<vmem>>[vector<16xi32>, vector<16xi32>], vector<16xf32>,
      %get3A_294 = arith.constant 0 : i32
      %get3A_295 = arith.constant 0 : i32
      %get3A_296 = arith.constant 3 : i32
      %get3A_297 = arith.index_cast %get3A_294 : i32 to index
      %get3A_298 = arith.index_cast %get3A_295 : i32 to index
      %get3A_299 = arith.index_cast %get3A_296 : i32 to index
      %get3A_300 = arith.constant 16 : index
      %get3A_301 = tpu.vector_load %arg9[%get3A_297, %get3A_298, %get3A_299, %get3A_300] {strides = array<i32>} : memref<2x1x4x80xi32, #tpu.memory_space<vmem>>, vector<16xi32>,
      tpu.vector_store_idx %arg10[%get3A_301, %iota3A], %broadcast_in_dim3A_3 {add = true} : memref<256x16xf32, #tpu.memory_space<vmem>>[vector<16xi32>, vector<16xi32>], vector<16xf32>,
      %get3A_302 = arith.constant 0 : i32
      %get3A_303 = arith.constant 0 : i32
      %get3A_304 = arith.constant 3 : i32
      %get3A_305 = arith.index_cast %get3A_302 : i32 to index
      %get3A_306 = arith.index_cast %get3A_303 : i32 to index
      %get3A_307 = arith.index_cast %get3A_304 : i32 to index
      %get3A_308 = arith.constant 32 : index
      %get3A_309 = tpu.vector_load %arg9[%get3A_305, %get3A_306, %get3A_307, %get3A_308] {strides = array<i32>} : memref<2x1x4x80xi32, #tpu.memory_space<vmem>>, vector<16xi32>,
      tpu.vector_store_idx %arg10[%get3A_309, %iota3A], %broadcast_in_dim3A_3 {add = true} : memref<256x16xf32, #tpu.memory_space<vmem>>[vector<16xi32>, vector<16xi32>], vector<16xf32>,
      %get3A_310 = arith.constant 0 : i32
      %get3A_311 = arith.constant 0 : i32
      %get3A_312 = arith.constant 3 : i32
      %get3A_313 = arith.index_cast %get3A_310 : i32 to index
      %get3A_314 = arith.index_cast %get3A_311 : i32 to index
      %get3A_315 = arith.index_cast %get3A_312 : i32 to index
      %get3A_316 = arith.constant 48 : index
      %get3A_317 = tpu.vector_load %arg9[%get3A_313, %get3A_314, %get3A_315, %get3A_316] {strides = array<i32>} : memref<2x1x4x80xi32, #tpu.memory_space<vmem>>, vector<16xi32>,
      tpu.vector_store_idx %arg10[%get3A_317, %iota3A], %broadcast_in_dim3A_3 {add = true} : memref<256x16xf32, #tpu.memory_space<vmem>>[vector<16xi32>, vector<16xi32>], vector<16xf32>,
      %get3A_318 = arith.constant 0 : i32
      %get3A_319 = arith.constant 0 : i32
      %get3A_320 = arith.constant 3 : i32
      %get3A_321 = arith.index_cast %get3A_318 : i32 to index
      %get3A_322 = arith.index_cast %get3A_319 : i32 to index
      %get3A_323 = arith.index_cast %get3A_320 : i32 to index
      %get3A_324 = arith.constant 64 : index
      %get3A_325 = tpu.vector_load %arg9[%get3A_321, %get3A_322, %get3A_323, %get3A_324] {strides = array<i32>} : memref<2x1x4x80xi32, #tpu.memory_space<vmem>>, vector<16xi32>,
      tpu.vector_store_idx %arg10[%get3A_325, %iota3A], %broadcast_in_dim3A_3 {add = true} : memref<256x16xf32, #tpu.memory_space<vmem>>[vector<16xi32>, vector<16xi32>], vector<16xf32>,
      %dma_wait3A_326 = arith.constant 0 : i32
      %dma_wait3A_327 = arith.constant 0 : i32
      %dma_wait3A_328 = arith.constant 0 : i32
      %dma_wait3A_329 = arith.constant 0 : i32
      %dma_wait3A_330 = arith.constant 0 : i32
      %dma_wait3A_331 = arith.constant 0 : i32
      %dma_wait3A_332 = tpu.memref_slice %arg8[%dma_wait3A_326, %dma_wait3A_330, %dma_wait3A_331] : memref<2x320x128xf32, #tpu.memory_space<vmem>> -> memref<1x80x128xf32, #tpu.memory_space<vmem>>
      %dma_wait3A_333 = tpu.memref_squeeze %dma_wait3A_332 : memref<1x80x128xf32, #tpu.memory_space<vmem>> -> memref<80x128xf32, #tpu.memory_space<vmem>>
      %dma_wait3A_334 = arith.constant 0 : i32
      %dma_wait3A_335 = tpu.memref_slice %arg9[%dma_wait3A_327, %dma_wait3A_328, %dma_wait3A_329, %dma_wait3A_334] : memref<2x1x4x80xi32, #tpu.memory_space<vmem>> -> memref<1x1x1x80xi32, #tpu.memory_space<vmem>>
      %dma_wait3A_336 = tpu.memref_squeeze %dma_wait3A_335 : memref<1x1x1x80xi32, #tpu.memory_space<vmem>> -> memref<80xi32, #tpu.memory_space<vmem>>
      %dma_wait3A_337 = arith.constant 0 : i32
      %dma_wait3A_338 = arith.constant 0 : i32
      %dma_wait3A_339 = tpu.memref_slice %arg11[%dma_wait3A_337, %dma_wait3A_338] : memref<256x128xf32, #tpu.memory_space<vmem_shared>> -> memref<256x128xf32, #tpu.memory_space<vmem_shared>>
      tpu.wait_indirect_dma semaphore(%arg12 : memref<!tpu.dma_semaphore, #tpu.memory_space<semaphore_mem>>) src(%dma_wait3A_333 : memref<80x128xf32, #tpu.memory_space<vmem>>) dst(%dma_wait3A_339 : memref<256x128xf32, #tpu.memory_space<vmem_shared>>)
      %dma_wait3A_340 = arith.constant 0 : i32
      %dma_wait3A_341 = arith.constant 0 : i32
      %dma_wait3A_342 = arith.constant 0 : i32
      %dma_wait3A_343 = arith.constant 1 : i32
      %dma_wait3A_344 = arith.constant 80 : i32
      %dma_wait3A_345 = arith.constant 0 : i32
      %dma_wait3A_346 = tpu.memref_slice %arg8[%dma_wait3A_340, %dma_wait3A_344, %dma_wait3A_345] : memref<2x320x128xf32, #tpu.memory_space<vmem>> -> memref<1x80x128xf32, #tpu.memory_space<vmem>>
      %dma_wait3A_347 = tpu.memref_squeeze %dma_wait3A_346 : memref<1x80x128xf32, #tpu.memory_space<vmem>> -> memref<80x128xf32, #tpu.memory_space<vmem>>
      %dma_wait3A_348 = arith.constant 0 : i32
      %dma_wait3A_349 = tpu.memref_slice %arg9[%dma_wait3A_341, %dma_wait3A_342, %dma_wait3A_343, %dma_wait3A_348] : memref<2x1x4x80xi32, #tpu.memory_space<vmem>> -> memref<1x1x1x80xi32, #tpu.memory_space<vmem>>
      %dma_wait3A_350 = tpu.memref_squeeze %dma_wait3A_349 : memref<1x1x1x80xi32, #tpu.memory_space<vmem>> -> memref<80xi32, #tpu.memory_space<vmem>>
      %dma_wait3A_351 = arith.constant 0 : i32
      %dma_wait3A_352 = arith.constant 0 : i32
      %dma_wait3A_353 = tpu.memref_slice %arg11[%dma_wait3A_351, %dma_wait3A_352] : memref<256x128xf32, #tpu.memory_space<vmem_shared>> -> memref<256x128xf32, #tpu.memory_space<vmem_shared>>
      tpu.wait_indirect_dma semaphore(%arg12 : memref<!tpu.dma_semaphore, #tpu.memory_space<semaphore_mem>>) src(%dma_wait3A_347 : memref<80x128xf32, #tpu.memory_space<vmem>>) dst(%dma_wait3A_353 : memref<256x128xf32, #tpu.memory_space<vmem_shared>>)
      %dma_wait3A_354 = arith.constant 0 : i32
      %dma_wait3A_355 = arith.constant 0 : i32
      %dma_wait3A_356 = arith.constant 0 : i32
      %dma_wait3A_357 = arith.constant 2 : i32
      %dma_wait3A_358 = arith.constant 160 : i32
      %dma_wait3A_359 = arith.constant 0 : i32
      %dma_wait3A_360 = tpu.memref_slice %arg8[%dma_wait3A_354, %dma_wait3A_358, %dma_wait3A_359] : memref<2x320x128xf32, #tpu.memory_space<vmem>> -> memref<1x80x128xf32, #tpu.memory_space<vmem>>
      %dma_wait3A_361 = tpu.memref_squeeze %dma_wait3A_360 : memref<1x80x128xf32, #tpu.memory_space<vmem>> -> memref<80x128xf32, #tpu.memory_space<vmem>>
      %dma_wait3A_362 = arith.constant 0 : i32
      %dma_wait3A_363 = tpu.memref_slice %arg9[%dma_wait3A_355, %dma_wait3A_356, %dma_wait3A_357, %dma_wait3A_362] : memref<2x1x4x80xi32, #tpu.memory_space<vmem>> -> memref<1x1x1x80xi32, #tpu.memory_space<vmem>>
      %dma_wait3A_364 = tpu.memref_squeeze %dma_wait3A_363 : memref<1x1x1x80xi32, #tpu.memory_space<vmem>> -> memref<80xi32, #tpu.memory_space<vmem>>
      %dma_wait3A_365 = arith.constant 0 : i32
      %dma_wait3A_366 = arith.constant 0 : i32
      %dma_wait3A_367 = tpu.memref_slice %arg11[%dma_wait3A_365, %dma_wait3A_366] : memref<256x128xf32, #tpu.memory_space<vmem_shared>> -> memref<256x128xf32, #tpu.memory_space<vmem_shared>>
      tpu.wait_indirect_dma semaphore(%arg12 : memref<!tpu.dma_semaphore, #tpu.memory_space<semaphore_mem>>) src(%dma_wait3A_361 : memref<80x128xf32, #tpu.memory_space<vmem>>) dst(%dma_wait3A_367 : memref<256x128xf32, #tpu.memory_space<vmem_shared>>)
      %dma_wait3A_368 = arith.constant 0 : i32
      %dma_wait3A_369 = arith.constant 0 : i32
      %dma_wait3A_370 = arith.constant 0 : i32
      %dma_wait3A_371 = arith.constant 3 : i32
      %dma_wait3A_372 = arith.constant 240 : i32
      %dma_wait3A_373 = arith.constant 0 : i32
      %dma_wait3A_374 = tpu.memref_slice %arg8[%dma_wait3A_368, %dma_wait3A_372, %dma_wait3A_373] : memref<2x320x128xf32, #tpu.memory_space<vmem>> -> memref<1x80x128xf32, #tpu.memory_space<vmem>>
      %dma_wait3A_375 = tpu.memref_squeeze %dma_wait3A_374 : memref<1x80x128xf32, #tpu.memory_space<vmem>> -> memref<80x128xf32, #tpu.memory_space<vmem>>
      %dma_wait3A_376 = arith.constant 0 : i32
      %dma_wait3A_377 = tpu.memref_slice %arg9[%dma_wait3A_369, %dma_wait3A_370, %dma_wait3A_371, %dma_wait3A_376] : memref<2x1x4x80xi32, #tpu.memory_space<vmem>> -> memref<1x1x1x80xi32, #tpu.memory_space<vmem>>
      %dma_wait3A_378 = tpu.memref_squeeze %dma_wait3A_377 : memref<1x1x1x80xi32, #tpu.memory_space<vmem>> -> memref<80xi32, #tpu.memory_space<vmem>>
      %dma_wait3A_379 = arith.constant 0 : i32
      %dma_wait3A_380 = arith.constant 0 : i32
      %dma_wait3A_381 = tpu.memref_slice %arg11[%dma_wait3A_379, %dma_wait3A_380] : memref<256x128xf32, #tpu.memory_space<vmem_shared>> -> memref<256x128xf32, #tpu.memory_space<vmem_shared>>
      tpu.wait_indirect_dma semaphore(%arg12 : memref<!tpu.dma_semaphore, #tpu.memory_space<semaphore_mem>>) src(%dma_wait3A_375 : memref<80x128xf32, #tpu.memory_space<vmem>>) dst(%dma_wait3A_381 : memref<256x128xf32, #tpu.memory_space<vmem_shared>>)
    } else {
    }
    %barrier3A_73 = arith.constant 0 : index
    tpu.barrier barrier_id(%barrier3A_73)
    %eq3A_74 = arith.constant 0 : i32
    %eq3A_75 = arith.cmpi eq, %arg1, %eq3A_74 : i32
    %convert_element_type3A_76 = arith.extui %eq3A_75 : i1 to i32
    %cond3A_77 = arith.constant 0 : i32
    %cond3A_78 = arith.cmpi ne, %convert_element_type3A_76, %cond3A_77 : i32
    scf.if %cond3A_78 {
      "tpu.region"() ({
        %run_scoped3A = tpu.sem_alloc : memref<!tpu.dma_semaphore, #tpu.memory_space<semaphore_mem>>
        %dma_start3A = arith.constant 0 : i32
        %dma_start3A_79 = arith.constant 0 : i32
        %dma_start3A_80 = tpu.memref_slice %arg6[%arg0, %dma_start3A, %dma_start3A_79] : memref<2x256x128xf32, #tpu.memory_space<hbm>> -> memref<1x256x128xf32, #tpu.memory_space<hbm>>
        %dma_start3A_81 = tpu.memref_squeeze %dma_start3A_80 : memref<1x256x128xf32, #tpu.memory_space<hbm>> -> memref<256x128xf32, #tpu.memory_space<hbm>>
        tpu.enqueue_dma source(%arg11 : memref<256x128xf32, #tpu.memory_space<vmem_shared>>) target(%dma_start3A_81 : memref<256x128xf32, #tpu.memory_space<hbm>>) target_semaphore(%run_scoped3A : memref<!tpu.dma_semaphore, #tpu.memory_space<semaphore_mem>>)
        %dma_wait3A = arith.constant 0 : i32
        %dma_wait3A_82 = arith.constant 0 : i32
        %dma_wait3A_83 = tpu.memref_slice %arg6[%arg0, %dma_wait3A, %dma_wait3A_82] : memref<2x256x128xf32, #tpu.memory_space<hbm>> -> memref<1x256x128xf32, #tpu.memory_space<hbm>>
        %dma_wait3A_84 = tpu.memref_squeeze %dma_wait3A_83 : memref<1x256x128xf32, #tpu.memory_space<hbm>> -> memref<256x128xf32, #tpu.memory_space<hbm>>
        tpu.wait_dma2 semaphore(%run_scoped3A : memref<!tpu.dma_semaphore, #tpu.memory_space<semaphore_mem>>) src(%arg11 : memref<256x128xf32, #tpu.memory_space<vmem_shared>>) dst(%dma_wait3A_84 : memref<256x128xf32, #tpu.memory_space<hbm>>)
        tpu.yield
      }) : () -> ()
    } else {
    }
    "tpu.region"() ({
      %run_scoped3A = tpu.sem_alloc : memref<!tpu.dma_semaphore, #tpu.memory_space<semaphore_mem>>
      %dma_start3A = arith.constant 0 : i32
      %dma_start3A_79 = arith.constant 0 : i32
      %dma_start3A_80 = tpu.memref_slice %arg7[%add3A, %dma_start3A, %dma_start3A_79] : memref<32x256x16xf32, #tpu.memory_space<hbm>> -> memref<1x256x16xf32, #tpu.memory_space<hbm>>
      %dma_start3A_81 = tpu.memref_squeeze %dma_start3A_80 : memref<1x256x16xf32, #tpu.memory_space<hbm>> -> memref<256x16xf32, #tpu.memory_space<hbm>>
      %dma_start3A_82 = arith.constant 0 : i32
      %dma_start3A_83 = arith.constant 0 : i32
      %dma_start3A_84 = tpu.memref_slice %arg7[%add3A, %dma_start3A_82, %dma_start3A_83] : memref<32x256x16xf32, #tpu.memory_space<hbm>> -> memref<1x256x16xf32, #tpu.memory_space<hbm>>
      %dma_start3A_85 = tpu.memref_squeeze %dma_start3A_84 : memref<1x256x16xf32, #tpu.memory_space<hbm>> -> memref<256x16xf32, #tpu.memory_space<hbm>>
      tpu.enqueue_dma source(%arg10 : memref<256x16xf32, #tpu.memory_space<vmem>>) target(%dma_start3A_85 : memref<256x16xf32, #tpu.memory_space<hbm>>) target_semaphore(%run_scoped3A : memref<!tpu.dma_semaphore, #tpu.memory_space<semaphore_mem>>)
      %dma_wait3A = arith.constant 0 : i32
      %dma_wait3A_86 = arith.constant 0 : i32
      %dma_wait3A_87 = tpu.memref_slice %arg7[%add3A, %dma_wait3A, %dma_wait3A_86] : memref<32x256x16xf32, #tpu.memory_space<hbm>> -> memref<1x256x16xf32, #tpu.memory_space<hbm>>
      %dma_wait3A_88 = tpu.memref_squeeze %dma_wait3A_87 : memref<1x256x16xf32, #tpu.memory_space<hbm>> -> memref<256x16xf32, #tpu.memory_space<hbm>>
      %dma_wait3A_89 = arith.constant 0 : i32
      %dma_wait3A_90 = arith.constant 0 : i32
      %dma_wait3A_91 = tpu.memref_slice %arg7[%add3A, %dma_wait3A_89, %dma_wait3A_90] : memref<32x256x16xf32, #tpu.memory_space<hbm>> -> memref<1x256x16xf32, #tpu.memory_space<hbm>>
      %dma_wait3A_92 = tpu.memref_squeeze %dma_wait3A_91 : memref<1x256x16xf32, #tpu.memory_space<hbm>> -> memref<256x16xf32, #tpu.memory_space<hbm>>
      tpu.wait_dma2 semaphore(%run_scoped3A : memref<!tpu.dma_semaphore, #tpu.memory_space<semaphore_mem>>) src(%arg10 : memref<256x16xf32, #tpu.memory_space<vmem>>) dst(%dma_wait3A_92 : memref<256x16xf32, #tpu.memory_space<hbm>>)
      tpu.yield
    }) : () -> ()
    return
  }
}

</mosaic_0001>

<sc_bundles>
// kernel: _sc_segment_sums.3.cloned.1.call-start
scs
__scs_entry_jumppad:
0x0: {  	(pc) =	sbr.rel $0x88, $3  }
0x1: {  	(tag) =	ssettag $0x0;
	lr =	simm.s32 $0x1  }
0x2: {  	[smem:$0x3F9D] =	sst lr;
	_ =	strace $0xD0000000  }
0x3: {  	_ = 	snop  }
0x4: {  	_ = 	snop  }
0x5: {  	_ = 	snop  }
0x6: {  	_ = 	snop  }
0x7: {  	_ = 	snop  }
__scs_overlays_trampoline_lowered:
0x8: {  	[smem:$0x3FAC] =	sst s0  }
0x9: {  	[smem:$0x3FAD] =	sst s1  }
0xa: {  	[smem:$0x3FAE] =	sst s2  }
0xb: {  	[smem:$0x3FAF] =	sst s3  }
0xc: {  	[smem:$0x3FB0] =	sst s4  }
0xd: {  	[smem:$0x3FB1] =	sst s5  }
0xe: {  	[smem:$0x3FB2] =	sst s6  }
0xf: {  	[smem:$0x3FB3] =	sst s7  }
0x10: {  	[smem:$0x3FB4] =	sst s8  }
0x11: {  	[smem:$0x3FB5] =	sst s9;
	s0 =	simm.s32 @!p0 $0x0  }
0x12: {  	s1 =	sld [smem:$0x3F9B];
	s0 =	simm.s32 @p0 $0x1  }
0x13: {  	[smem:$0x3FB6] =	sst s0;
	s0 =	simm.s32 @!p1 $0x0  }
0x14: {  	s2 =	sld [smem:$0x3F9A];
	s0 =	simm.s32 @p1 $0x1  }
0x15: {  	[smem:$0x3FB7] =	sst s0;
	s0 =	simm.s32 @!p2 $0x0  }
0x16: {  	s3 =	sld [smem:$0x3FDB];
	s0 =	simm.s32 @p2 $0x1  }
0x17: {  	s4 =	simm.s32 $0x1BF5;
	[smem:$0x3FB9] =	sst s0  }
0x18: {  	s0 =	sld [smem:$0x3F9C];
	_ =	swait.ge [sflag:s4], $0x0  }
0x19: {  	s7 =	sld [smem:$0x3F9D]  }
0x1a: {  	s8 =	sadd.s32 $0xFFFFE003, lr  }
0x1b: {  	s9 =	sadd.s32 $0xFFFFFEF7, lr;
	s5 =	simm.s32 $0xFFFFFFFF;
	p2 =	slt.u32 s8, $0xFFFFF086  }
0x1c: {  	p1 =	slt.u32 s9, $0xF7A;
	s5 =	simm.s32 @!p2 $0x0  }
0x1d: {  	s5 =	simm.s32 @p1 $0x1;
	p0 =	seq.s32 s7, s2  }
0x1e: {  	s7 =	smul.u32 @!p0 $0xF7A, s2;
	p2 =	seq.s32 @!p0 s5, $0x0  }
0x1f: {  	s9 =	smul.u32 $0xF7A, s1;
	s8 =	simm.s32 @!p0 $0x1BF5;
	p2 =	por !p2, p0  }
0x20: {  	[sflag:s8] =	ssyncset.s32 @!p0 $0xFFFFF086;
	s6 =	sadd.s32 @!p0 s3, s7;
	s7 =	simm.s32 @!p0 $0x108  }
0x21: {  	s3 =	sadd.s32 s3, s9;
	s6 =	sadd.s32 @!p0 $0x88, s6;
	s7 =	simm.s32 @p2 $0x1082  }
0x22: {  	[simem:s7], [sflag:s8] =	dma.local @!p0 [hbm:s6], $0xF7A  }
0x23: {  	s9 =	sor.u32 $0xD0000000, s2;
	s6 =	simm.s32 $0x108;
	_ =	swait.ge @!p0 [sflag:s8], $0x0  }
0x24: {  	s3 =	sadd.s32 $0x88, s3;
	s6 =	simm.s32 @!p1 $0x1082;
	[sflag:s4] =	ssyncset.s32 $0xFFFFF086  }
0x25: {  	[simem:s6], [sflag:s4] =	dma.local [hbm:s3], $0xF7A  }
0x26: {  	[smem:$0x3F9D] =	sst s1;
	(tag) =	ssettag s2;
	_ =	strace s9  }
0x27: {  	s1 =	sld [smem:$0x3FAD]  }
0x28: {  	s2 =	sld [smem:$0x3FAE]  }
0x29: {  	s4 =	sld [smem:$0x3FB0]  }
0x2a: {  	p0 =	seq.s32 s5, $0x0;
	s5 =	sld [smem:$0x3FB1]  }
0x2b: {  	s6 =	sld [smem:$0x3FB2]  }
0x2c: {  	s7 =	sld [smem:$0x3FB3]  }
0x2d: {  	s3 =	simm.s32 $0x108;
	s8 =	sld [smem:$0x3FB4]  }
0x2e: {  	s3 =	simm.s32 @!p0 $0x1082;
	s9 =	sld [smem:$0x3FB5]  }
0x2f: {  	lr =	sadd.s32 s0, s3;
	s0 =	sld [smem:$0x3FAC]  }
0x30: {  	s3 =	sld [smem:$0x3FAF]  }
0x31: {  	[smem:$0x3FB8] =	sst s10  }
0x32: {  	s10 =	sld [smem:$0x3FB6];
	_ =	sdelay $0x3  }
0x33: {  	p0 =	seq.s32 s10, $0x1;
	s10 =	sld [smem:$0x3FB8];
	_ =	sdelay $0x3  }
0x34: {  	[smem:$0x3FB8] =	sst s10  }
0x35: {  	s10 =	sld [smem:$0x3FB7];
	_ =	sdelay $0x3  }
0x36: {  	p1 =	seq.s32 s10, $0x1;
	s10 =	sld [smem:$0x3FB8];
	_ =	sdelay $0x3  }
0x37: {  	[smem:$0x3FB8] =	sst s10  }
0x38: {  	s10 =	sld [smem:$0x3FB9]  }
0x39: {  	_ = 	snop;
	(pc) =	sbr.ind lr, $3  }
0x3a: {  	_ = 	snop  }
0x3b: {  	_ = 	snop  }
0x3c: {  	p2 =	seq.s32 s10, $0x1;
	s10 =	sld [smem:$0x3FB8]  }
0x3d: {  	_ =	shalt  }
0x3e: {  	_ =	shalt  }
0x3f: {  	_ =	shalt  }
0x40: {  	_ =	shalt  }
0x41: {  	_ =	shalt  }
0x42: {  	_ =	shalt  }
0x43: {  	_ =	shalt  }
0x44: {  	_ =	shalt  }
0x45: {  	_ =	shalt  }
0x46: {  	_ =	shalt  }
0x47: {  	_ =	shalt  }
0x48: {  	_ =	shalt  }
0x49: {  	_ =	shalt  }
0x4a: {  	_ =	shalt  }
0x4b: {  	_ =	shalt  }
0x4c: {  	_ =	shalt  }
0x4d: {  	_ =	shalt  }
0x4e: {  	_ =	shalt  }
0x4f: {  	_ =	shalt  }
0x50: {  	_ =	shalt  }
0x51: {  	_ =	shalt  }
0x52: {  	_ =	shalt  }
0x53: {  	_ =	shalt  }
0x54: {  	_ =	shalt  }
0x55: {  	_ =	shalt  }
0x56: {  	_ =	shalt  }
0x57: {  	_ =	shalt  }
0x58: {  	_ =	shalt  }
0x59: {  	_ =	shalt  }
0x5a: {  	_ =	shalt  }
0x5b: {  	_ =	shalt  }
0x5c: {  	_ =	shalt  }
0x5d: {  	_ =	shalt  }
0x5e: {  	_ =	shalt  }
0x5f: {  	_ =	shalt  }
0x60: {  	_ =	shalt  }
0x61: {  	_ =	shalt  }
0x62: {  	_ =	shalt  }
0x63: {  	_ =	shalt  }
0x64: {  	_ =	shalt  }
0x65: {  	_ =	shalt  }
0x66: {  	_ =	shalt  }
0x67: {  	_ =	shalt  }
0x68: {  	_ =	shalt  }
0x69: {  	_ =	shalt  }
0x6a: {  	_ =	shalt  }
0x6b: {  	_ =	shalt  }
0x6c: {  	_ =	shalt  }
0x6d: {  	_ =	shalt  }
0x6e: {  	_ =	shalt  }
0x6f: {  	_ =	shalt  }
0x70: {  	_ =	shalt  }
0x71: {  	_ =	shalt  }
0x72: {  	_ =	shalt  }
0x73: {  	_ =	shalt  }
0x74: {  	_ =	shalt  }
0x75: {  	_ =	shalt  }
0x76: {  	_ =	shalt  }
0x77: {  	_ =	shalt  }
0x78: {  	_ =	shalt  }
0x79: {  	_ =	shalt  }
0x7a: {  	_ =	shalt  }
0x7b: {  	_ =	shalt  }
0x7c: {  	_ =	shalt  }
0x7d: {  	_ =	shalt  }
0x7e: {  	_ =	shalt  }
0x7f: {  	_ =	shalt  }
0x80: {  	_ =	shalt  }
0x81: {  	_ =	shalt  }
0x82: {  	_ =	shalt  }
0x83: {  	_ =	shalt  }
0x84: {  	_ =	shalt  }
0x85: {  	_ =	shalt  }
0x86: {  	_ =	shalt  }
0x87: {  	_ =	shalt  }
.Lfunc_end0:
.L_simem_size_0:
called_computation_lowered:
.L_overlay_start_0:
0x88: {  	s2 =	sld [smem:$0x3FD9]  }
0x89: {  	s3 =	sld [smem:$0x3FFE];
	_ =	sdelay $0x1  }
0x8a: {  	s1 =	srdreg.scid  }
0x8b: {  	s0 =	sand.u32 $0x1, s1  }
0x8c: {  	s14 =	sshll.u32 s0, $0xA;
	s2 =	sadd.s32 s3, s2  }
0x8d: {  	s2 =	sadd.s32 s2, s14  }
0x8e: {  	[smem:$0x3FC4] =	sst s2  }
0x8f: {  	_ = 	snop  }
0x90: {  	s2 =	sld [smem:$0x3FD0]  }
0x91: {  	s15 =	sld [smem:$0x3FC9]  }
0x92: {  	s4 =	sld [smem:$0x3FC8]  }
0x93: {  	s6 =	simm.s32 $0xA;
	s7 =	simm.s32 $0x10;
	s5 =	sld [smem:$0x3FC7]  }
0x94: {  	[smem:s7], [sflag:s6] =	dma.local [hbm:s2], $0x1  }
0x95: {  	_ =	swait.eq [sflag:s6], $0x1  }
0x96: {  	[sflag:s6] =	ssyncset.done $0x0  }
0x97: {  	s16 =	sld [smem:$0x10];
	[sflag:s6] =	ssyncadd.s32 $0xFFFFFFFF  }
0x98: {  	s17 =	sld [smem:$0x11];
	(tm) =	ssettm $0x1  }
0x99: {  	s18 =	sld [smem:$0x3FFB];
	_ =	sdelay $0x3  }
0x9a: {  	_ =	strace s18  }
0x9b: {  	s7 =	sld [smem:$0x3FFC];
	_ =	sdelay $0x3  }
0x9c: {  	_ =	strace s7  }
0x9d: {  	s7 =	sld [smem:$0x3FFD];
	_ =	sdelay $0x3  }
0x9e: {  	_ =	strace s7  }
0x9f: {  	_ =	strace $0x8FFFFFFF  }
0xa0: {  	s19 =	sld [smem:$0x3FDB];
	_ =	sdelay $0x1  }
0xa1: {  	s8 =	simm.s32 $_scs_section_size  }
0xa2: {  	s9 =	simm.s32 $_size__tile_overlayer_lowered;
	s10 =	simm.s32 $_tile_overlayer_lowered  }
0xa3: {  	s22 =	simm.s32 $0x1BFF;
	s21 =	sshll.u32 s10, $0x1;
	s7 =	sadd.s32 s8, s19  }
0xa4: {  	s11 =	simm.s32 $0x0;
	s20 =	sshll.u32 s9, $0x1;
	s9 =	sadd.s32 s21, s7  }
0xa5: {  	[timem:s11], [sflag:s22] =	dma.local [hbm:s9], s20  }
0xa6: {  	_ =	swait.ge [sflag:s22], s20  }
0xa7: {  	s8 =	ssub.s32 $0x0, s20;
	[sflag:s22] =	ssyncset.done $0x0  }
0xa8: {  	[sflag:s22] =	ssyncadd.s32 s8;
	_ =	sdelay $0x1  }
0xa9: {  	s23 =	simm.s32 $0x1B8B  }
0xaa: {  	_ =	swait.ge [sflag:s23], $0x1  }
0xab: {  	[sflag:s23] =	ssyncset.done $0x0  }
0xac: {  	s25 =	simm.s32 $0x1B8E;
	s24 =	sld [smem:$0x3FFE];
	[sflag:s23] =	ssyncadd.s32 $0xFFFFFFFF  }
0xad: {  	s26 =	simm.s32 $execute0_lowered;
	[smem:$0x3FD2] =	sst s25  }
0xae: {  	s9 =	sshll.u32 s26, $0x1;
	_ =	strace $0x80000046;
	[dreg:$0x1] =	wrdreg $0xFFFFFFFF  }
0xaf: {  	s28 =	simm.s32 $_size_execute0_lowered;
	s7 =	sadd.s32 s7, s9;
	[dreg:$0x0] =	wrdreg $0x0  }
0xb0: {  	s9 =	sshll.u32 s28, $0x1;
	[dreg:$0x2] =	wrdreg s7  }
0xb1: {  	[dreg:$0x3] =	wrdreg s9  }
0xb2: {  	[dreg:$0x4] =	wrdreg $0xC0  }
0xb3: {  	_ =	task [dreg:s11], $0x5FFFF  }
0xb4: {  	[dreg:$0x1] =	wrdreg $0xFFFFFFFF  }
0xb5: {  	[dreg:$0x0] =	wrdreg $0x60  }
0xb6: {  	[dreg:$0x2] =	wrdreg s15  }
0xb7: {  	[dreg:$0x3] =	wrdreg s4  }
0xb8: {  	[dreg:$0x4] =	wrdreg s5  }
0xb9: {  	[dreg:$0x5] =	wrdreg s17  }
0xba: {  	[dreg:$0x6] =	wrdreg s16  }
0xbb: {  	[dreg:$0x7] =	wrdreg s24  }
0xbc: {  	[dreg:$0x8] =	wrdreg $0x1C4000  }
0xbd: {  	[dreg:$0x9] =	wrdreg $0x9  }
0xbe: {  	_ =	task.clear_ibuf [dreg:s11], $0xAFFFF;
	_ =	strace $0x90000046  }
0xbf: {  	s29 =	simm.s32 $0x9;
	_ =	strace $0x80000048  }
0xc0: {  	_ =	swait.ge [sflag:s29], $0x1  }
0xc1: {  	[sflag:s29] =	ssyncadd.s32 $0xFFFFFFFF  }
0xc2: {  	_ =	strace $0x90000048  }
0xc3: {  	_ =	sfence  }
0xc4: {  	s30 =	sld [smem:$0x0];
	_ =	sdelay $0x2  }
0xc5: {  	s31 =	sshll.u32 s1, $0xD;
	s1 =	sshrl.u32 s1, $0x2  }
0xc6: {  	s3 =	sand.u32 $0x4000, s31;
	s1 =	sadd.s32 s1, s30  }
0xc7: {  	s0 =	sor.u32 s3, s0;
	s1 =	sshll.u32 s1, $0x11  }
0xc8: {  	s0 =	sor.u32 s1, s0  }
0xc9: {  	s0 =	sadd.s32 $0x8F2B, s0  }
0xca: {  	[sflag:s0] =	ssyncadd.remote.s32 $0x1  }
0xcb: {  	_ =	sfence.sel $0xFFFF  }
0xcc: {  	[dreg:$0x0] =	wrdreg $0xFFFFFFFF;
	(pc) =	sbr.abs _section_cstart, $3  }
0xcd: {  	[dreg:$0x1] =	wrdreg $0xFFFFFFFF  }
0xce: {  	_ =	task.clear_ibuf [dreg:s11], $0x2FFFF;
	_ =	strace $0x9FFFFFFF  }
0xcf: {  	(tm) =	ssettm $0x7FFFFFFF  }
tec
execute0_lowered:
.L_overlay_start_1:
0x0: {  	(tag) =	ssettag $0x1  }
0x1: {  	s0 =	rddreg [dreg:$0x0]  }
0x2: {  	s1 =	rddreg [dreg:$0x1]  }
0x3: {  	s2 =	rddreg [dreg:$0x4]  }
0x4: {  	s5 =	rddreg [dreg:$0x5]  }
0x5: {  	s3 =	rddreg [dreg:$0x6];
	s4 =	srdreg.scid  }
0x6: {  	s7 =	stileid.u32;
	s28 =	simm.s32 $0x14080;
	s29 =	simm.s32 $0x2800  }
0x7: {  	s30 =	simm.s32 $0x14100;
	s31 =	simm.s32 $0x5000;
	s6 =	sand.u32 $0x1, s4  }
0x8: {  	s4 =	simm.s32 $0x0;
	p0 =	sne.s32 s7, $0x0;
	s8 =	sshll.u32 s6, $0x4  }
0x9: {  	[smem:$0x7FF] =	sst s4;
	s10 =	ssub.s32 $0x2, s6;
	s6 =	sshll.u32 s6, $0xC  }
0xa: {  	s8 =	sor.u32 s7, s8;
	_ =	strace $0x80000047;
	s26 =	sshrl.u32 s10, $0x1  }
0xb: {  	s25 =	sadd.s32 s2, s6;
	s2 =	simm.s32 $0x2;
	s6 =	simm.s32 $0x14280  }
0xc: {  	s7 =	simm.s32 $0xC800;
	s9 =	sshll.u32 s8, $0xC;
	s11 =	smul.u32 $0x1400, s8  }
0xd: {  	s12 =	sor.u32 $0x20, s8;
	s14 =	sshll.u32 s8, $0x6;
	s16 =	sor.u32 $0x40, s8  }
0xe: {  	s19 =	sor.u32 $0x60, s8;
	s21 =	sor.u32 $0x80, s8;
	[dreg:$0x12] =	wrdreg s25  }
0xf: {  	p1 =	sgt.u32 s8, $0x15;
	s25 =	simm.s32 $0x3;
	s13 =	smul.u32 $0x1400, s12  }
0x10: {  	s8 =	simm.s32 $0x14300;
	s5 =	sadd.s32 s9, s5;
	s18 =	smul.u32 $0x1400, s16  }
0x11: {  	s9 =	ssub.s32 s10, s26;
	s10 =	sadd.s32 s1, s14;
	s20 =	smul.u32 $0x1400, s19  }
0x12: {  	s17 =	sshll.u32 s12, $0x6;
	s22 =	sshll.u32 s19, $0x6;
	s23 =	smul.u32 $0x1400, s21  }
0x13: {  	s19 =	simm.s32 $0x5;
	s11 =	sadd.s32 s0, s11;
	[dreg:$0x9] =	wrdreg s10  }
0x14: {  	s10 =	sshll.u32 s16, $0x6;
	s26 =	sadd.s32 $0x800, s5;
	[dreg:$0x8] =	wrdreg s11  }
0x15: {  	s5 =	simm.s32 $0x4;
	s15 =	sadd.s32 s0, s13;
	[dreg:$0x13] =	wrdreg s26  }
0x16: {  	s11 =	sadd.s32 s1, s17;
	s12 =	sadd.s32 s0, s18;
	[dreg:$0xa] =	wrdreg s15  }
0x17: {  	s10 =	sadd.s32 s1, s10;
	s17 =	smax.u32 s9, $0x1;
	[dreg:$0xb] =	wrdreg s11  }
0x18: {  	s18 =	simm.s32 $0x14400;
	s26 =	simm.s32 $0x50;
	[dreg:$0xc] =	wrdreg s12  }
0x19: {  	s9 =	simm.s32 $0xF000;
	[dreg:$0xd] =	wrdreg s10;
	s11 =	sadd.s32 s0, s20  }
0x1a: {  	s10 =	sshll.u32 s21, $0x6;
	s0 =	sadd.s32 s0, s23;
	s20 =	sshrl.u32 @!p0 s3, $0x3  }
.Ltmp0:
0x1b: {  	s21 =	simm.s32 $0x14000;
	[dreg:$0xe] =	wrdreg s11;
	(pc) =	sbr.rel .LBB2_1-.Ltmp0, $4  }
0x1c: {  	s23 =	simm.s32 $0x14200;
	s11 =	sadd.s32 s1, s22;
	[dreg:$0x10] =	wrdreg s0  }
0x1d: {  	s24 =	sadd.s32 s1, s10;
	s22 =	simm.s32 $0xA000;
	s1 =	simm.s32 $0x14180  }
0x1e: {  	s0 =	simm.s32 $0x7800;
	s10 =	simm.s32 $0x14380;
	[dreg:$0xf] =	wrdreg s11  }
0x1f: {  	v0 =	vlaneseq.u32;
	v1 =	vimm.f32 $1.000000000e+00;
	[dreg:$0x11] =	wrdreg s24;
	s24 =	simm.s32 $0x1;
	s11 =	simm.s32 $0x11800  }
.LBB2_3:
0x20: {  	[bflag:$0x0] =	sbarrier.arrive $0xFFFF  }
0x21: {  	s14 =	rddreg [dreg:$0x12]  }
0x22: {  	[hbm:s14], [sflag:s13] =	dma.local @!p0 [spmem:s20], $0x1000  }
0x23: {  	s17 =	sadd.s32 $0xFFFFFFFF, s17;
	_ =	swait.ge @!p0 [sflag:s12], $0x1000  }
0x24: {  	p2 =	sne.s32 s17, $0x0;
	[sflag:s12] =	ssyncset.done @!p0 $0x0  }
.Ltmp1:
0x25: {  	s16 =	rddreg [dreg:$0x13];
	[sflag:s12] =	ssyncadd.s32 @!p0 $0xFFFFF000;
	(pc) =	sbr.rel @!p2 .LBB2_4-.Ltmp1, $4  }
0x26: {  	[hbm4b:s16+s4] =	stream.linear.scatter [tilespmem:s18], [sflag:$0x5], $0x8000, $0x38;
	[tilespmem:$0x1CC00] =	vst v63  }
0x27: {  	_ =	swait.ge [sflag:s19], $0x8000  }
0x28: {  	[sflag:s19] =	ssyncset.done $0x0  }
0x29: {  	[sflag:s19] =	ssyncadd.s32 $0xFFFF8000  }
.LBB2_1:
0x2a: {  	s12 =	rddreg [dreg:$0x3]  }
0x2b: {  	[tilespmem:s18], [sflag:$0x5] =	stream.linear.gather [hbm4b:s12+s4], $0x8000, $0x38;
	[tilespmem:$0x1CC00] =	vst v63  }
0x2c: {  	_ =	swait.ge [sflag:s19], $0x8000  }
0x2d: {  	[sflag:s19] =	ssyncset.done $0x0  }
0x2e: {  	[sflag:s19] =	ssyncadd.s32 $0xFFFF8000  }
0x2f: {  	s13 =	simm.s32 @!p0 $0x1C05;
	s12 =	rddreg [dreg:$0x2]  }
0x30: {  	[spmem:s20], [sflag:s13] =	dma.local @!p0 [hbm:s12], $0x1000  }
0x31: {  	s12 =	simm.s32 @!p0 $0x5  }
0x32: {  	_ =	swait.ge @!p0 [sflag:s12], $0x1000  }
0x33: {  	[sflag:s12] =	ssyncset.done @!p0 $0x0  }
0x34: {  	[sflag:s12] =	ssyncadd.s32 @!p0 $0xFFFFF000  }
0x35: {  	[bflag:$0x0] =	sbarrier.arrive $0xFFFF  }
0x36: {  	s14 =	rddreg [dreg:$0x8]  }
0x37: {  	[tilespmem:s4], [sflag:$0x1] =	stream.linear.gather [hbm4b:s14+s4], $0xA000, $0x38;
	[tilespmem:$0x1CC00] =	vst v63  }
0x38: {  	s16 =	rddreg [dreg:$0x9]  }
0x39: {  	[tilespmem:s21], [sflag:$0x3] =	stream.linear.gather [hbm4b:s16+s4], $0x200, $0x38;
	[tilespmem:$0x1CC00] =	vst v63  }
0x3a: {  	s15 =	rddreg [dreg:$0xa]  }
0x3b: {  	[tilespmem:s22], [sflag:$0x2] =	stream.linear.gather [hbm4b:s15+s4], $0xA000, $0x38;
	[tilespmem:$0x1CC00] =	vst v63  }
0x3c: {  	s16 =	rddreg [dreg:$0xb]  }
0x3d: {  	[tilespmem:s23], [sflag:$0x4] =	stream.linear.gather [hbm4b:s16+s4], $0x200, $0x38;
	[tilespmem:$0x1CC00] =	vst v63  }
0x3e: {  	_ =	swait.ge [sflag:s24], $0xA000  }
0x3f: {  	[sflag:s24] =	ssyncset.done $0x0  }
0x40: {  	[sflag:s24] =	ssyncadd.s32 $0xFFFF6000  }
0x41: {  	_ =	swait.ge [sflag:s25], $0x200  }
0x42: {  	[sflag:s25] =	ssyncset.done $0x0  }
0x43: {  	[sflag:s25] =	ssyncadd.s32 $0xFFFFFE00  }
0x44: {  	[spmem:s3] =	stream.indirect.scatter.add.f32 [tilespmem:s4], [sflag:$0x1], $0x80, s21, s26, $0xb8;
	[tilespmem:$0x1CC00] =	vst v63  }
0x45: {  	_ = 	snop  }
0x46: {  	[spmem:s3] =	stream.indirect.scatter.add.f32 [tilespmem:s29], [sflag:$0x1], $0x80, s28, s26, $0xb8;
	[tilespmem:$0x1CC00] =	vst v63  }
0x47: {  	_ = 	snop  }
0x48: {  	[spmem:s3] =	stream.indirect.scatter.add.f32 [tilespmem:s31], [sflag:$0x1], $0x80, s30, s26, $0xb8;
	[tilespmem:$0x1CC00] =	vst v63  }
0x49: {  	_ = 	snop  }
0x4a: {  	[spmem:s3] =	stream.indirect.scatter.add.f32 [tilespmem:s0], [sflag:$0x1], $0x80, s1, s26, $0xb8;
	[tilespmem:$0x1CC00] =	vst v63  }
0x4b: {  	v2 =	vld [tilespmem:$0x14000];
	_ =	sdelay $0x4  }
0x4c: {  	v2 =	vshll.u32 v2, $0x7  }
0x4d: {  	v2 =	vor.u32 v0, v2;
	_ =	sdelay $0x4  }
0x4e: {  	[tilespmem:v2+s18+$0x0] =	vst.idx.add.f32.msk $0xffff, v1  }
0x4f: {  	v2 =	vld [tilespmem:$0x14010];
	_ =	sdelay $0x4  }
0x50: {  	v2 =	vshll.u32 v2, $0x7  }
0x51: {  	v2 =	vor.u32 v0, v2;
	_ =	sdelay $0x4  }
0x52: {  	[tilespmem:v2+s18+$0x0] =	vst.idx.add.f32.msk $0xffff, v1  }
0x53: {  	v2 =	vld [tilespmem:$0x14020];
	_ =	sdelay $0x4  }
0x54: {  	v2 =	vshll.u32 v2, $0x7  }
0x55: {  	v2 =	vor.u32 v0, v2;
	_ =	sdelay $0x4  }
0x56: {  	[tilespmem:v2+s18+$0x0] =	vst.idx.add.f32.msk $0xffff, v1  }
0x57: {  	v2 =	vld [tilespmem:$0x14030];
	_ =	sdelay $0x4  }
0x58: {  	v2 =	vshll.u32 v2, $0x7  }
0x59: {  	v2 =	vor.u32 v0, v2;
	_ =	sdelay $0x4  }
0x5a: {  	[tilespmem:v2+s18+$0x0] =	vst.idx.add.f32.msk $0xffff, v1  }
0x5b: {  	v2 =	vld [tilespmem:$0x14040];
	_ =	sdelay $0x4  }
0x5c: {  	v2 =	vshll.u32 v2, $0x7  }
0x5d: {  	v2 =	vor.u32 v0, v2;
	_ =	sdelay $0x4  }
0x5e: {  	[tilespmem:v2+s18+$0x0] =	vst.idx.add.f32.msk $0xffff, v1  }
0x5f: {  	v2 =	vld [tilespmem:$0x14080];
	_ =	sdelay $0x4  }
0x60: {  	v2 =	vshll.u32 v2, $0x7  }
0x61: {  	v2 =	vor.u32 v0, v2;
	_ =	sdelay $0x4  }
0x62: {  	[tilespmem:v2+s18+$0x0] =	vst.idx.add.f32.msk $0xffff, v1  }
0x63: {  	v2 =	vld [tilespmem:$0x14090];
	_ =	sdelay $0x4  }
0x64: {  	v2 =	vshll.u32 v2, $0x7  }
0x65: {  	v2 =	vor.u32 v0, v2;
	_ =	sdelay $0x4  }
0x66: {  	[tilespmem:v2+s18+$0x0] =	vst.idx.add.f32.msk $0xffff, v1  }
0x67: {  	v2 =	vld [tilespmem:$0x140A0];
	_ =	sdelay $0x4  }
0x68: {  	v2 =	vshll.u32 v2, $0x7  }
0x69: {  	v2 =	vor.u32 v0, v2;
	_ =	sdelay $0x4  }
0x6a: {  	[tilespmem:v2+s18+$0x0] =	vst.idx.add.f32.msk $0xffff, v1  }
0x6b: {  	v2 =	vld [tilespmem:$0x140B0];
	_ =	sdelay $0x4  }
0x6c: {  	v2 =	vshll.u32 v2, $0x7  }
0x6d: {  	v2 =	vor.u32 v0, v2;
	_ =	sdelay $0x4  }
0x6e: {  	[tilespmem:v2+s18+$0x0] =	vst.idx.add.f32.msk $0xffff, v1  }
0x6f: {  	v2 =	vld [tilespmem:$0x140C0];
	_ =	sdelay $0x4  }
0x70: {  	v2 =	vshll.u32 v2, $0x7  }
0x71: {  	v2 =	vor.u32 v0, v2;
	_ =	sdelay $0x4  }
0x72: {  	[tilespmem:v2+s18+$0x0] =	vst.idx.add.f32.msk $0xffff, v1  }
0x73: {  	v2 =	vld [tilespmem:$0x14100];
	_ =	sdelay $0x4  }
0x74: {  	v2 =	vshll.u32 v2, $0x7  }
0x75: {  	v2 =	vor.u32 v0, v2;
	_ =	sdelay $0x4  }
0x76: {  	[tilespmem:v2+s18+$0x0] =	vst.idx.add.f32.msk $0xffff, v1  }
0x77: {  	v2 =	vld [tilespmem:$0x14110];
	_ =	sdelay $0x4  }
0x78: {  	v2 =	vshll.u32 v2, $0x7  }
0x79: {  	v2 =	vor.u32 v0, v2;
	_ =	sdelay $0x4  }
0x7a: {  	[tilespmem:v2+s18+$0x0] =	vst.idx.add.f32.msk $0xffff, v1  }
0x7b: {  	v2 =	vld [tilespmem:$0x14120];
	_ =	sdelay $0x4  }
0x7c: {  	v2 =	vshll.u32 v2, $0x7  }
0x7d: {  	v2 =	vor.u32 v0, v2;
	_ =	sdelay $0x4  }
0x7e: {  	[tilespmem:v2+s18+$0x0] =	vst.idx.add.f32.msk $0xffff, v1  }
0x7f: {  	v2 =	vld [tilespmem:$0x14130];
	_ =	sdelay $0x4  }
0x80: {  	v2 =	vshll.u32 v2, $0x7  }
0x81: {  	v2 =	vor.u32 v0, v2;
	_ =	sdelay $0x4  }
0x82: {  	[tilespmem:v2+s18+$0x0] =	vst.idx.add.f32.msk $0xffff, v1  }
0x83: {  	v2 =	vld [tilespmem:$0x14140];
	_ =	sdelay $0x4  }
0x84: {  	v2 =	vshll.u32 v2, $0x7  }
0x85: {  	v2 =	vor.u32 v0, v2;
	_ =	sdelay $0x4  }
0x86: {  	[tilespmem:v2+s18+$0x0] =	vst.idx.add.f32.msk $0xffff, v1  }
0x87: {  	v2 =	vld [tilespmem:$0x14180];
	_ =	sdelay $0x4  }
0x88: {  	v2 =	vshll.u32 v2, $0x7  }
0x89: {  	v2 =	vor.u32 v0, v2;
	_ =	sdelay $0x4  }
0x8a: {  	[tilespmem:v2+s18+$0x0] =	vst.idx.add.f32.msk $0xffff, v1  }
0x8b: {  	v2 =	vld [tilespmem:$0x14190];
	_ =	sdelay $0x4  }
0x8c: {  	v2 =	vshll.u32 v2, $0x7  }
0x8d: {  	v2 =	vor.u32 v0, v2;
	_ =	sdelay $0x4  }
0x8e: {  	[tilespmem:v2+s18+$0x0] =	vst.idx.add.f32.msk $0xffff, v1  }
0x8f: {  	v2 =	vld [tilespmem:$0x141A0];
	_ =	sdelay $0x4  }
0x90: {  	v2 =	vshll.u32 v2, $0x7  }
0x91: {  	v2 =	vor.u32 v0, v2;
	_ =	sdelay $0x4  }
0x92: {  	[tilespmem:v2+s18+$0x0] =	vst.idx.add.f32.msk $0xffff, v1  }
0x93: {  	v2 =	vld [tilespmem:$0x141B0];
	_ =	sdelay $0x4  }
0x94: {  	v2 =	vshll.u32 v2, $0x7  }
0x95: {  	v2 =	vor.u32 v0, v2;
	_ =	sdelay $0x4  }
0x96: {  	[tilespmem:v2+s18+$0x0] =	vst.idx.add.f32.msk $0xffff, v1  }
0x97: {  	v2 =	vld [tilespmem:$0x141C0];
	_ =	sdelay $0x4  }
0x98: {  	v2 =	vshll.u32 v2, $0x7  }
0x99: {  	v2 =	vor.u32 v0, v2;
	_ =	sdelay $0x4  }
0x9a: {  	[tilespmem:v2+s18+$0x0] =	vst.idx.add.f32.msk $0xffff, v1  }
0x9b: {  	_ =	swait.ge [sflag:s24], $0x2800  }
0x9c: {  	[sflag:s24] =	ssyncset.done $0x0  }
0x9d: {  	[sflag:s24] =	ssyncadd.s32 $0xFFFFD800  }
0x9e: {  	_ =	swait.ge [sflag:s24], $0x2800  }
0x9f: {  	[sflag:s24] =	ssyncset.done $0x0  }
0xa0: {  	[sflag:s24] =	ssyncadd.s32 $0xFFFFD800  }
0xa1: {  	_ =	swait.ge [sflag:s24], $0x2800  }
0xa2: {  	[sflag:s24] =	ssyncset.done $0x0  }
0xa3: {  	[sflag:s24] =	ssyncadd.s32 $0xFFFFD800  }
0xa4: {  	_ =	swait.ge [sflag:s24], $0x2800  }
0xa5: {  	[sflag:s24] =	ssyncset.done $0x0  }
0xa6: {  	s15 =	rddreg [dreg:$0xc];
	[sflag:s24] =	ssyncadd.s32 $0xFFFFD800  }
0xa7: {  	[tilespmem:s4], [sflag:$0x1] =	stream.linear.gather [hbm4b:s15+s4], $0xA000, $0x38;
	[tilespmem:$0x1CC00] =	vst v63  }
0xa8: {  	s16 =	rddreg [dreg:$0xd]  }
0xa9: {  	[tilespmem:s21], [sflag:$0x3] =	stream.linear.gather [hbm4b:s16+s4], $0x200, $0x38;
	[tilespmem:$0x1CC00] =	vst v63  }
0xaa: {  	_ =	swait.ge [sflag:s2], $0xA000  }
0xab: {  	[sflag:s2] =	ssyncset.done $0x0  }
0xac: {  	[sflag:s2] =	ssyncadd.s32 $0xFFFF6000  }
0xad: {  	_ =	swait.ge [sflag:s5], $0x200  }
0xae: {  	[sflag:s5] =	ssyncset.done $0x0  }
0xaf: {  	[sflag:s5] =	ssyncadd.s32 $0xFFFFFE00  }
0xb0: {  	[spmem:s3] =	stream.indirect.scatter.add.f32 [tilespmem:s22], [sflag:$0x2], $0x80, s23, s26, $0xb8;
	[tilespmem:$0x1CC00] =	vst v63  }
0xb1: {  	_ = 	snop  }
0xb2: {  	[spmem:s3] =	stream.indirect.scatter.add.f32 [tilespmem:s7], [sflag:$0x2], $0x80, s6, s26, $0xb8;
	[tilespmem:$0x1CC00] =	vst v63  }
0xb3: {  	_ = 	snop  }
0xb4: {  	[spmem:s3] =	stream.indirect.scatter.add.f32 [tilespmem:s9], [sflag:$0x2], $0x80, s8, s26, $0xb8;
	[tilespmem:$0x1CC00] =	vst v63  }
0xb5: {  	_ = 	snop  }
0xb6: {  	[spmem:s3] =	stream.indirect.scatter.add.f32 [tilespmem:s11], [sflag:$0x2], $0x80, s10, s26, $0xb8;
	[tilespmem:$0x1CC00] =	vst v63  }
0xb7: {  	v2 =	vld [tilespmem:$0x14200];
	_ =	sdelay $0x4  }
0xb8: {  	v2 =	vshll.u32 v2, $0x7  }
0xb9: {  	v2 =	vor.u32 v0, v2;
	_ =	sdelay $0x4  }
0xba: {  	[tilespmem:v2+s18+$0x0] =	vst.idx.add.f32.msk $0xffff, v1  }
0xbb: {  	v2 =	vld [tilespmem:$0x14210];
	_ =	sdelay $0x4  }
0xbc: {  	v2 =	vshll.u32 v2, $0x7  }
0xbd: {  	v2 =	vor.u32 v0, v2;
	_ =	sdelay $0x4  }
0xbe: {  	[tilespmem:v2+s18+$0x0] =	vst.idx.add.f32.msk $0xffff, v1  }
0xbf: {  	v2 =	vld [tilespmem:$0x14220];
	_ =	sdelay $0x4  }
0xc0: {  	v2 =	vshll.u32 v2, $0x7  }
0xc1: {  	v2 =	vor.u32 v0, v2;
	_ =	sdelay $0x4  }
0xc2: {  	[tilespmem:v2+s18+$0x0] =	vst.idx.add.f32.msk $0xffff, v1  }
0xc3: {  	v2 =	vld [tilespmem:$0x14230];
	_ =	sdelay $0x4  }
0xc4: {  	v2 =	vshll.u32 v2, $0x7  }
0xc5: {  	v2 =	vor.u32 v0, v2;
	_ =	sdelay $0x4  }
0xc6: {  	[tilespmem:v2+s18+$0x0] =	vst.idx.add.f32.msk $0xffff, v1  }
0xc7: {  	v2 =	vld [tilespmem:$0x14240];
	_ =	sdelay $0x4  }
0xc8: {  	v2 =	vshll.u32 v2, $0x7  }
0xc9: {  	v2 =	vor.u32 v0, v2;
	_ =	sdelay $0x4  }
0xca: {  	[tilespmem:v2+s18+$0x0] =	vst.idx.add.f32.msk $0xffff, v1  }
0xcb: {  	v2 =	vld [tilespmem:$0x14280];
	_ =	sdelay $0x4  }
0xcc: {  	v2 =	vshll.u32 v2, $0x7  }
0xcd: {  	v2 =	vor.u32 v0, v2;
	_ =	sdelay $0x4  }
0xce: {  	[tilespmem:v2+s18+$0x0] =	vst.idx.add.f32.msk $0xffff, v1  }
0xcf: {  	v2 =	vld [tilespmem:$0x14290];
	_ =	sdelay $0x4  }
0xd0: {  	v2 =	vshll.u32 v2, $0x7  }
0xd1: {  	v2 =	vor.u32 v0, v2;
	_ =	sdelay $0x4  }
0xd2: {  	[tilespmem:v2+s18+$0x0] =	vst.idx.add.f32.msk $0xffff, v1  }
0xd3: {  	v2 =	vld [tilespmem:$0x142A0];
	_ =	sdelay $0x4  }
0xd4: {  	v2 =	vshll.u32 v2, $0x7  }
0xd5: {  	v2 =	vor.u32 v0, v2;
	_ =	sdelay $0x4  }
0xd6: {  	[tilespmem:v2+s18+$0x0] =	vst.idx.add.f32.msk $0xffff, v1  }
0xd7: {  	v2 =	vld [tilespmem:$0x142B0];
	_ =	sdelay $0x4  }
0xd8: {  	v2 =	vshll.u32 v2, $0x7  }
0xd9: {  	v2 =	vor.u32 v0, v2;
	_ =	sdelay $0x4  }
0xda: {  	[tilespmem:v2+s18+$0x0] =	vst.idx.add.f32.msk $0xffff, v1  }
0xdb: {  	v2 =	vld [tilespmem:$0x142C0];
	_ =	sdelay $0x4  }
0xdc: {  	v2 =	vshll.u32 v2, $0x7  }
0xdd: {  	v2 =	vor.u32 v0, v2;
	_ =	sdelay $0x4  }
0xde: {  	[tilespmem:v2+s18+$0x0] =	vst.idx.add.f32.msk $0xffff, v1  }
0xdf: {  	v2 =	vld [tilespmem:$0x14300];
	_ =	sdelay $0x4  }
0xe0: {  	v2 =	vshll.u32 v2, $0x7  }
0xe1: {  	v2 =	vor.u32 v0, v2;
	_ =	sdelay $0x4  }
0xe2: {  	[tilespmem:v2+s18+$0x0] =	vst.idx.add.f32.msk $0xffff, v1  }
0xe3: {  	v2 =	vld [tilespmem:$0x14310];
	_ =	sdelay $0x4  }
0xe4: {  	v2 =	vshll.u32 v2, $0x7  }
0xe5: {  	v2 =	vor.u32 v0, v2;
	_ =	sdelay $0x4  }
0xe6: {  	[tilespmem:v2+s18+$0x0] =	vst.idx.add.f32.msk $0xffff, v1  }
0xe7: {  	v2 =	vld [tilespmem:$0x14320];
	_ =	sdelay $0x4  }
0xe8: {  	v2 =	vshll.u32 v2, $0x7  }
0xe9: {  	v2 =	vor.u32 v0, v2;
	_ =	sdelay $0x4  }
0xea: {  	[tilespmem:v2+s18+$0x0] =	vst.idx.add.f32.msk $0xffff, v1  }
0xeb: {  	v2 =	vld [tilespmem:$0x14330];
	_ =	sdelay $0x4  }
0xec: {  	v2 =	vshll.u32 v2, $0x7  }
0xed: {  	v2 =	vor.u32 v0, v2;
	_ =	sdelay $0x4  }
0xee: {  	[tilespmem:v2+s18+$0x0] =	vst.idx.add.f32.msk $0xffff, v1  }
0xef: {  	v2 =	vld [tilespmem:$0x14340];
	_ =	sdelay $0x4  }
0xf0: {  	v2 =	vshll.u32 v2, $0x7  }
0xf1: {  	v2 =	vor.u32 v0, v2;
	_ =	sdelay $0x4  }
0xf2: {  	[tilespmem:v2+s18+$0x0] =	vst.idx.add.f32.msk $0xffff, v1  }
0xf3: {  	v2 =	vld [tilespmem:$0x14380];
	_ =	sdelay $0x4  }
0xf4: {  	v2 =	vshll.u32 v2, $0x7  }
0xf5: {  	v2 =	vor.u32 v0, v2;
	_ =	sdelay $0x4  }
0xf6: {  	[tilespmem:v2+s18+$0x0] =	vst.idx.add.f32.msk $0xffff, v1  }
0xf7: {  	v2 =	vld [tilespmem:$0x14390];
	_ =	sdelay $0x4  }
0xf8: {  	v2 =	vshll.u32 v2, $0x7  }
0xf9: {  	v2 =	vor.u32 v0, v2;
	_ =	sdelay $0x4  }
0xfa: {  	[tilespmem:v2+s18+$0x0] =	vst.idx.add.f32.msk $0xffff, v1  }
0xfb: {  	v2 =	vld [tilespmem:$0x143A0];
	_ =	sdelay $0x4  }
0xfc: {  	v2 =	vshll.u32 v2, $0x7  }
0xfd: {  	v2 =	vor.u32 v0, v2;
	_ =	sdelay $0x4  }
0xfe: {  	[tilespmem:v2+s18+$0x0] =	vst.idx.add.f32.msk $0xffff, v1  }
0xff: {  	v2 =	vld [tilespmem:$0x143B0];
	_ =	sdelay $0x4  }
0x100: {  	v2 =	vshll.u32 v2, $0x7  }
0x101: {  	v2 =	vor.u32 v0, v2;
	_ =	sdelay $0x4  }
0x102: {  	[tilespmem:v2+s18+$0x0] =	vst.idx.add.f32.msk $0xffff, v1  }
0x103: {  	v2 =	vld [tilespmem:$0x143C0];
	_ =	sdelay $0x4  }
0x104: {  	v2 =	vshll.u32 v2, $0x7  }
0x105: {  	v2 =	vor.u32 v0, v2;
	_ =	sdelay $0x4  }
0x106: {  	[tilespmem:v2+s18+$0x0] =	vst.idx.add.f32.msk $0xffff, v1  }
0x107: {  	_ =	swait.ge [sflag:s2], $0x2800  }
0x108: {  	[sflag:s2] =	ssyncset.done $0x0  }
0x109: {  	[sflag:s2] =	ssyncadd.s32 $0xFFFFD800  }
0x10a: {  	_ =	swait.ge [sflag:s2], $0x2800  }
0x10b: {  	[sflag:s2] =	ssyncset.done $0x0  }
0x10c: {  	[sflag:s2] =	ssyncadd.s32 $0xFFFFD800  }
0x10d: {  	_ =	swait.ge [sflag:s2], $0x2800  }
0x10e: {  	[sflag:s2] =	ssyncset.done $0x0  }
0x10f: {  	[sflag:s2] =	ssyncadd.s32 $0xFFFFD800  }
0x110: {  	_ =	swait.ge [sflag:s2], $0x2800  }
0x111: {  	[sflag:s2] =	ssyncset.done $0x0  }
0x112: {  	s15 =	rddreg [dreg:$0xe];
	[sflag:s2] =	ssyncadd.s32 $0xFFFFD800  }
0x113: {  	[tilespmem:s22], [sflag:$0x2] =	stream.linear.gather [hbm4b:s15+s4], $0xA000, $0x38;
	[tilespmem:$0x1CC00] =	vst v63  }
0x114: {  	s16 =	rddreg [dreg:$0xf]  }
0x115: {  	[tilespmem:s23], [sflag:$0x4] =	stream.linear.gather [hbm4b:s16+s4], $0x200, $0x38;
	[tilespmem:$0x1CC00] =	vst v63  }
0x116: {  	_ =	swait.ge [sflag:s24], $0xA000  }
0x117: {  	[sflag:s24] =	ssyncset.done $0x0  }
0x118: {  	[sflag:s24] =	ssyncadd.s32 $0xFFFF6000  }
0x119: {  	_ =	swait.ge [sflag:s25], $0x200  }
0x11a: {  	[sflag:s25] =	ssyncset.done $0x0  }
0x11b: {  	[sflag:s25] =	ssyncadd.s32 $0xFFFFFE00  }
0x11c: {  	[spmem:s3] =	stream.indirect.scatter.add.f32 [tilespmem:s4], [sflag:$0x1], $0x80, s21, s26, $0xb8;
	[tilespmem:$0x1CC00] =	vst v63  }
0x11d: {  	_ = 	snop  }
0x11e: {  	[spmem:s3] =	stream.indirect.scatter.add.f32 [tilespmem:s29], [sflag:$0x1], $0x80, s28, s26, $0xb8;
	[tilespmem:$0x1CC00] =	vst v63  }
0x11f: {  	_ = 	snop  }
0x120: {  	[spmem:s3] =	stream.indirect.scatter.add.f32 [tilespmem:s31], [sflag:$0x1], $0x80, s30, s26, $0xb8;
	[tilespmem:$0x1CC00] =	vst v63  }
0x121: {  	_ = 	snop  }
0x122: {  	[spmem:s3] =	stream.indirect.scatter.add.f32 [tilespmem:s0], [sflag:$0x1], $0x80, s1, s26, $0xb8;
	[tilespmem:$0x1CC00] =	vst v63  }
0x123: {  	v2 =	vld [tilespmem:$0x14000];
	_ =	sdelay $0x4  }
0x124: {  	v2 =	vshll.u32 v2, $0x7  }
0x125: {  	v2 =	vor.u32 v0, v2;
	_ =	sdelay $0x4  }
0x126: {  	[tilespmem:v2+s18+$0x0] =	vst.idx.add.f32.msk $0xffff, v1  }
0x127: {  	v2 =	vld [tilespmem:$0x14010];
	_ =	sdelay $0x4  }
0x128: {  	v2 =	vshll.u32 v2, $0x7  }
0x129: {  	v2 =	vor.u32 v0, v2;
	_ =	sdelay $0x4  }
0x12a: {  	[tilespmem:v2+s18+$0x0] =	vst.idx.add.f32.msk $0xffff, v1  }
0x12b: {  	v2 =	vld [tilespmem:$0x14020];
	_ =	sdelay $0x4  }
0x12c: {  	v2 =	vshll.u32 v2, $0x7  }
0x12d: {  	v2 =	vor.u32 v0, v2;
	_ =	sdelay $0x4  }
0x12e: {  	[tilespmem:v2+s18+$0x0] =	vst.idx.add.f32.msk $0xffff, v1  }
0x12f: {  	v2 =	vld [tilespmem:$0x14030];
	_ =	sdelay $0x4  }
0x130: {  	v2 =	vshll.u32 v2, $0x7  }
0x131: {  	v2 =	vor.u32 v0, v2;
	_ =	sdelay $0x4  }
0x132: {  	[tilespmem:v2+s18+$0x0] =	vst.idx.add.f32.msk $0xffff, v1  }
0x133: {  	v2 =	vld [tilespmem:$0x14040];
	_ =	sdelay $0x4  }
0x134: {  	v2 =	vshll.u32 v2, $0x7  }
0x135: {  	v2 =	vor.u32 v0, v2;
	_ =	sdelay $0x4  }
0x136: {  	[tilespmem:v2+s18+$0x0] =	vst.idx.add.f32.msk $0xffff, v1  }
0x137: {  	v2 =	vld [tilespmem:$0x14080];
	_ =	sdelay $0x4  }
0x138: {  	v2 =	vshll.u32 v2, $0x7  }
0x139: {  	v2 =	vor.u32 v0, v2;
	_ =	sdelay $0x4  }
0x13a: {  	[tilespmem:v2+s18+$0x0] =	vst.idx.add.f32.msk $0xffff, v1  }
0x13b: {  	v2 =	vld [tilespmem:$0x14090];
	_ =	sdelay $0x4  }
0x13c: {  	v2 =	vshll.u32 v2, $0x7  }
0x13d: {  	v2 =	vor.u32 v0, v2;
	_ =	sdelay $0x4  }
0x13e: {  	[tilespmem:v2+s18+$0x0] =	vst.idx.add.f32.msk $0xffff, v1  }
0x13f: {  	v2 =	vld [tilespmem:$0x140A0];
	_ =	sdelay $0x4  }
0x140: {  	v2 =	vshll.u32 v2, $0x7  }
0x141: {  	v2 =	vor.u32 v0, v2;
	_ =	sdelay $0x4  }
0x142: {  	[tilespmem:v2+s18+$0x0] =	vst.idx.add.f32.msk $0xffff, v1  }
0x143: {  	v2 =	vld [tilespmem:$0x140B0];
	_ =	sdelay $0x4  }
0x144: {  	v2 =	vshll.u32 v2, $0x7  }
0x145: {  	v2 =	vor.u32 v0, v2;
	_ =	sdelay $0x4  }
0x146: {  	[tilespmem:v2+s18+$0x0] =	vst.idx.add.f32.msk $0xffff, v1  }
0x147: {  	v2 =	vld [tilespmem:$0x140C0];
	_ =	sdelay $0x4  }
0x148: {  	v2 =	vshll.u32 v2, $0x7  }
0x149: {  	v2 =	vor.u32 v0, v2;
	_ =	sdelay $0x4  }
0x14a: {  	[tilespmem:v2+s18+$0x0] =	vst.idx.add.f32.msk $0xffff, v1  }
0x14b: {  	v2 =	vld [tilespmem:$0x14100];
	_ =	sdelay $0x4  }
0x14c: {  	v2 =	vshll.u32 v2, $0x7  }
0x14d: {  	v2 =	vor.u32 v0, v2;
	_ =	sdelay $0x4  }
0x14e: {  	[tilespmem:v2+s18+$0x0] =	vst.idx.add.f32.msk $0xffff, v1  }
0x14f: {  	v2 =	vld [tilespmem:$0x14110];
	_ =	sdelay $0x4  }
0x150: {  	v2 =	vshll.u32 v2, $0x7  }
0x151: {  	v2 =	vor.u32 v0, v2;
	_ =	sdelay $0x4  }
0x152: {  	[tilespmem:v2+s18+$0x0] =	vst.idx.add.f32.msk $0xffff, v1  }
0x153: {  	v2 =	vld [tilespmem:$0x14120];
	_ =	sdelay $0x4  }
0x154: {  	v2 =	vshll.u32 v2, $0x7  }
0x155: {  	v2 =	vor.u32 v0, v2;
	_ =	sdelay $0x4  }
0x156: {  	[tilespmem:v2+s18+$0x0] =	vst.idx.add.f32.msk $0xffff, v1  }
0x157: {  	v2 =	vld [tilespmem:$0x14130];
	_ =	sdelay $0x4  }
0x158: {  	v2 =	vshll.u32 v2, $0x7  }
0x159: {  	v2 =	vor.u32 v0, v2;
	_ =	sdelay $0x4  }
0x15a: {  	[tilespmem:v2+s18+$0x0] =	vst.idx.add.f32.msk $0xffff, v1  }
0x15b: {  	v2 =	vld [tilespmem:$0x14140];
	_ =	sdelay $0x4  }
0x15c: {  	v2 =	vshll.u32 v2, $0x7  }
0x15d: {  	v2 =	vor.u32 v0, v2;
	_ =	sdelay $0x4  }
0x15e: {  	[tilespmem:v2+s18+$0x0] =	vst.idx.add.f32.msk $0xffff, v1  }
0x15f: {  	v2 =	vld [tilespmem:$0x14180];
	_ =	sdelay $0x4  }
0x160: {  	v2 =	vshll.u32 v2, $0x7  }
0x161: {  	v2 =	vor.u32 v0, v2;
	_ =	sdelay $0x4  }
0x162: {  	[tilespmem:v2+s18+$0x0] =	vst.idx.add.f32.msk $0xffff, v1  }
0x163: {  	v2 =	vld [tilespmem:$0x14190];
	_ =	sdelay $0x4  }
0x164: {  	v2 =	vshll.u32 v2, $0x7  }
0x165: {  	v2 =	vor.u32 v0, v2;
	_ =	sdelay $0x4  }
0x166: {  	[tilespmem:v2+s18+$0x0] =	vst.idx.add.f32.msk $0xffff, v1  }
0x167: {  	v2 =	vld [tilespmem:$0x141A0];
	_ =	sdelay $0x4  }
0x168: {  	v2 =	vshll.u32 v2, $0x7  }
0x169: {  	v2 =	vor.u32 v0, v2;
	_ =	sdelay $0x4  }
0x16a: {  	[tilespmem:v2+s18+$0x0] =	vst.idx.add.f32.msk $0xffff, v1  }
0x16b: {  	v2 =	vld [tilespmem:$0x141B0];
	_ =	sdelay $0x4  }
0x16c: {  	v2 =	vshll.u32 v2, $0x7  }
0x16d: {  	v2 =	vor.u32 v0, v2;
	_ =	sdelay $0x4  }
0x16e: {  	[tilespmem:v2+s18+$0x0] =	vst.idx.add.f32.msk $0xffff, v1  }
0x16f: {  	v2 =	vld [tilespmem:$0x141C0];
	_ =	sdelay $0x4  }
0x170: {  	v2 =	vshll.u32 v2, $0x7  }
0x171: {  	v2 =	vor.u32 v0, v2;
	_ =	sdelay $0x4  }
0x172: {  	[tilespmem:v2+s18+$0x0] =	vst.idx.add.f32.msk $0xffff, v1  }
0x173: {  	_ =	swait.ge [sflag:s24], $0x2800  }
0x174: {  	[sflag:s24] =	ssyncset.done $0x0  }
0x175: {  	[sflag:s24] =	ssyncadd.s32 $0xFFFFD800  }
0x176: {  	_ =	swait.ge [sflag:s24], $0x2800  }
0x177: {  	[sflag:s24] =	ssyncset.done $0x0  }
0x178: {  	[sflag:s24] =	ssyncadd.s32 $0xFFFFD800  }
0x179: {  	_ =	swait.ge [sflag:s24], $0x2800  }
0x17a: {  	[sflag:s24] =	ssyncset.done $0x0  }
0x17b: {  	[sflag:s24] =	ssyncadd.s32 $0xFFFFD800  }
0x17c: {  	_ =	swait.ge [sflag:s24], $0x2800  }
0x17d: {  	[sflag:s24] =	ssyncset.done $0x0  }
0x17e: {  	s14 =	simm.s32 @!p1 $0x0;
	s15 =	rddreg [dreg:$0x10];
	[sflag:s24] =	ssyncadd.s32 $0xFFFFD800  }
0x17f: {  	[tilespmem:s14], [sflag:$0x1] =	stream.linear.gather @!p1 [hbm4b:s15+s14], $0xA000, $0x38;
	[tilespmem:$0x1CC00] =	vst v63  }
0x180: {  	s16 =	rddreg [dreg:$0x11];
	s15 =	simm.s32 @!p1 $0x14000  }
0x181: {  	[tilespmem:s15], [sflag:$0x3] =	stream.linear.gather @!p1 [hbm4b:s16+s14], $0x200, $0x38;
	[tilespmem:$0x1CC00] =	vst v63  }
0x182: {  	_ =	swait.ge [sflag:s2], $0xA000  }
0x183: {  	[sflag:s2] =	ssyncset.done $0x0  }
0x184: {  	[sflag:s2] =	ssyncadd.s32 $0xFFFF6000  }
0x185: {  	_ =	swait.ge [sflag:s5], $0x200  }
0x186: {  	[sflag:s5] =	ssyncset.done $0x0  }
0x187: {  	[sflag:s5] =	ssyncadd.s32 $0xFFFFFE00  }
0x188: {  	[spmem:s3] =	stream.indirect.scatter.add.f32 [tilespmem:s22], [sflag:$0x2], $0x80, s23, s26, $0xb8;
	[tilespmem:$0x1CC00] =	vst v63  }
0x189: {  	_ = 	snop  }
0x18a: {  	[spmem:s3] =	stream.indirect.scatter.add.f32 [tilespmem:s7], [sflag:$0x2], $0x80, s6, s26, $0xb8;
	[tilespmem:$0x1CC00] =	vst v63  }
0x18b: {  	_ = 	snop  }
0x18c: {  	[spmem:s3] =	stream.indirect.scatter.add.f32 [tilespmem:s9], [sflag:$0x2], $0x80, s8, s26, $0xb8;
	[tilespmem:$0x1CC00] =	vst v63  }
0x18d: {  	_ = 	snop  }
0x18e: {  	[spmem:s3] =	stream.indirect.scatter.add.f32 [tilespmem:s11], [sflag:$0x2], $0x80, s10, s26, $0xb8;
	[tilespmem:$0x1CC00] =	vst v63  }
0x18f: {  	v2 =	vld [tilespmem:$0x14200];
	_ =	sdelay $0x4  }
0x190: {  	v2 =	vshll.u32 v2, $0x7  }
0x191: {  	v2 =	vor.u32 v0, v2;
	_ =	sdelay $0x4  }
0x192: {  	[tilespmem:v2+s18+$0x0] =	vst.idx.add.f32.msk $0xffff, v1  }
0x193: {  	v2 =	vld [tilespmem:$0x14210];
	_ =	sdelay $0x4  }
0x194: {  	v2 =	vshll.u32 v2, $0x7  }
0x195: {  	v2 =	vor.u32 v0, v2;
	_ =	sdelay $0x4  }
0x196: {  	[tilespmem:v2+s18+$0x0] =	vst.idx.add.f32.msk $0xffff, v1  }
0x197: {  	v2 =	vld [tilespmem:$0x14220];
	_ =	sdelay $0x4  }
0x198: {  	v2 =	vshll.u32 v2, $0x7  }
0x199: {  	v2 =	vor.u32 v0, v2;
	_ =	sdelay $0x4  }
0x19a: {  	[tilespmem:v2+s18+$0x0] =	vst.idx.add.f32.msk $0xffff, v1  }
0x19b: {  	v2 =	vld [tilespmem:$0x14230];
	_ =	sdelay $0x4  }
0x19c: {  	v2 =	vshll.u32 v2, $0x7  }
0x19d: {  	v2 =	vor.u32 v0, v2;
	_ =	sdelay $0x4  }
0x19e: {  	[tilespmem:v2+s18+$0x0] =	vst.idx.add.f32.msk $0xffff, v1  }
0x19f: {  	v2 =	vld [tilespmem:$0x14240];
	_ =	sdelay $0x4  }
0x1a0: {  	v2 =	vshll.u32 v2, $0x7  }
0x1a1: {  	v2 =	vor.u32 v0, v2;
	_ =	sdelay $0x4  }
0x1a2: {  	[tilespmem:v2+s18+$0x0] =	vst.idx.add.f32.msk $0xffff, v1  }
0x1a3: {  	v2 =	vld [tilespmem:$0x14280];
	_ =	sdelay $0x4  }
0x1a4: {  	v2 =	vshll.u32 v2, $0x7  }
0x1a5: {  	v2 =	vor.u32 v0, v2;
	_ =	sdelay $0x4  }
0x1a6: {  	[tilespmem:v2+s18+$0x0] =	vst.idx.add.f32.msk $0xffff, v1  }
0x1a7: {  	v2 =	vld [tilespmem:$0x14290];
	_ =	sdelay $0x4  }
0x1a8: {  	v2 =	vshll.u32 v2, $0x7  }
0x1a9: {  	v2 =	vor.u32 v0, v2;
	_ =	sdelay $0x4  }
0x1aa: {  	[tilespmem:v2+s18+$0x0] =	vst.idx.add.f32.msk $0xffff, v1  }
0x1ab: {  	v2 =	vld [tilespmem:$0x142A0];
	_ =	sdelay $0x4  }
0x1ac: {  	v2 =	vshll.u32 v2, $0x7  }
0x1ad: {  	v2 =	vor.u32 v0, v2;
	_ =	sdelay $0x4  }
0x1ae: {  	[tilespmem:v2+s18+$0x0] =	vst.idx.add.f32.msk $0xffff, v1  }
0x1af: {  	v2 =	vld [tilespmem:$0x142B0];
	_ =	sdelay $0x4  }
0x1b0: {  	v2 =	vshll.u32 v2, $0x7  }
0x1b1: {  	v2 =	vor.u32 v0, v2;
	_ =	sdelay $0x4  }
0x1b2: {  	[tilespmem:v2+s18+$0x0] =	vst.idx.add.f32.msk $0xffff, v1  }
0x1b3: {  	v2 =	vld [tilespmem:$0x142C0];
	_ =	sdelay $0x4  }
0x1b4: {  	v2 =	vshll.u32 v2, $0x7  }
0x1b5: {  	v2 =	vor.u32 v0, v2;
	_ =	sdelay $0x4  }
0x1b6: {  	[tilespmem:v2+s18+$0x0] =	vst.idx.add.f32.msk $0xffff, v1  }
0x1b7: {  	v2 =	vld [tilespmem:$0x14300];
	_ =	sdelay $0x4  }
0x1b8: {  	v2 =	vshll.u32 v2, $0x7  }
0x1b9: {  	v2 =	vor.u32 v0, v2;
	_ =	sdelay $0x4  }
0x1ba: {  	[tilespmem:v2+s18+$0x0] =	vst.idx.add.f32.msk $0xffff, v1  }
0x1bb: {  	v2 =	vld [tilespmem:$0x14310];
	_ =	sdelay $0x4  }
0x1bc: {  	v2 =	vshll.u32 v2, $0x7  }
0x1bd: {  	v2 =	vor.u32 v0, v2;
	_ =	sdelay $0x4  }
0x1be: {  	[tilespmem:v2+s18+$0x0] =	vst.idx.add.f32.msk $0xffff, v1  }
0x1bf: {  	v2 =	vld [tilespmem:$0x14320];
	_ =	sdelay $0x4  }
0x1c0: {  	v2 =	vshll.u32 v2, $0x7  }
0x1c1: {  	v2 =	vor.u32 v0, v2;
	_ =	sdelay $0x4  }
0x1c2: {  	[tilespmem:v2+s18+$0x0] =	vst.idx.add.f32.msk $0xffff, v1  }
0x1c3: {  	v2 =	vld [tilespmem:$0x14330];
	_ =	sdelay $0x4  }
0x1c4: {  	v2 =	vshll.u32 v2, $0x7  }
0x1c5: {  	v2 =	vor.u32 v0, v2;
	_ =	sdelay $0x4  }
0x1c6: {  	[tilespmem:v2+s18+$0x0] =	vst.idx.add.f32.msk $0xffff, v1  }
0x1c7: {  	v2 =	vld [tilespmem:$0x14340];
	_ =	sdelay $0x4  }
0x1c8: {  	v2 =	vshll.u32 v2, $0x7  }
0x1c9: {  	v2 =	vor.u32 v0, v2;
	_ =	sdelay $0x4  }
0x1ca: {  	[tilespmem:v2+s18+$0x0] =	vst.idx.add.f32.msk $0xffff, v1  }
0x1cb: {  	v2 =	vld [tilespmem:$0x14380];
	_ =	sdelay $0x4  }
0x1cc: {  	v2 =	vshll.u32 v2, $0x7  }
0x1cd: {  	v2 =	vor.u32 v0, v2;
	_ =	sdelay $0x4  }
0x1ce: {  	[tilespmem:v2+s18+$0x0] =	vst.idx.add.f32.msk $0xffff, v1  }
0x1cf: {  	v2 =	vld [tilespmem:$0x14390];
	_ =	sdelay $0x4  }
0x1d0: {  	v2 =	vshll.u32 v2, $0x7  }
0x1d1: {  	v2 =	vor.u32 v0, v2;
	_ =	sdelay $0x4  }
0x1d2: {  	[tilespmem:v2+s18+$0x0] =	vst.idx.add.f32.msk $0xffff, v1  }
0x1d3: {  	v2 =	vld [tilespmem:$0x143A0];
	_ =	sdelay $0x4  }
0x1d4: {  	v2 =	vshll.u32 v2, $0x7  }
0x1d5: {  	v2 =	vor.u32 v0, v2;
	_ =	sdelay $0x4  }
0x1d6: {  	[tilespmem:v2+s18+$0x0] =	vst.idx.add.f32.msk $0xffff, v1  }
0x1d7: {  	v2 =	vld [tilespmem:$0x143B0];
	_ =	sdelay $0x4  }
0x1d8: {  	v2 =	vshll.u32 v2, $0x7  }
0x1d9: {  	v2 =	vor.u32 v0, v2;
	_ =	sdelay $0x4  }
0x1da: {  	[tilespmem:v2+s18+$0x0] =	vst.idx.add.f32.msk $0xffff, v1  }
0x1db: {  	v2 =	vld [tilespmem:$0x143C0];
	_ =	sdelay $0x4  }
0x1dc: {  	v2 =	vshll.u32 v2, $0x7  }
0x1dd: {  	v2 =	vor.u32 v0, v2;
	_ =	sdelay $0x4  }
0x1de: {  	[tilespmem:v2+s18+$0x0] =	vst.idx.add.f32.msk $0xffff, v1  }
0x1df: {  	_ =	swait.ge [sflag:s2], $0x2800  }
0x1e0: {  	[sflag:s2] =	ssyncset.done $0x0  }
0x1e1: {  	[sflag:s2] =	ssyncadd.s32 $0xFFFFD800  }
0x1e2: {  	_ =	swait.ge [sflag:s2], $0x2800  }
0x1e3: {  	[sflag:s2] =	ssyncset.done $0x0  }
0x1e4: {  	[sflag:s2] =	ssyncadd.s32 $0xFFFFD800  }
0x1e5: {  	_ =	swait.ge [sflag:s2], $0x2800  }
.Ltmp2:
0x1e6: {  	[sflag:s2] =	ssyncset.done $0x0;
	(pc) =	sbr.rel @p1 .LBB2_3-.Ltmp2, $4  }
0x1e7: {  	[sflag:s2] =	ssyncadd.s32 $0xFFFFD800  }
0x1e8: {  	_ =	swait.ge [sflag:s2], $0x2800  }
0x1e9: {  	[sflag:s2] =	ssyncset.done $0x0  }
0x1ea: {  	[sflag:s2] =	ssyncadd.s32 $0xFFFFD800  }
0x1eb: {  	_ =	swait.ge [sflag:s24], $0xA000  }
0x1ec: {  	[sflag:s24] =	ssyncset.done $0x0  }
0x1ed: {  	[sflag:s24] =	ssyncadd.s32 $0xFFFF6000  }
0x1ee: {  	_ =	swait.ge [sflag:s25], $0x200  }
0x1ef: {  	[sflag:s25] =	ssyncset.done $0x0  }
0x1f0: {  	[sflag:s25] =	ssyncadd.s32 $0xFFFFFE00  }
0x1f1: {  	[spmem:s3] =	stream.indirect.scatter.add.f32 [tilespmem:s4], [sflag:$0x1], $0x80, s21, s26, $0xb8;
	[tilespmem:$0x1CC00] =	vst v63  }
0x1f2: {  	_ = 	snop  }
0x1f3: {  	[spmem:s3] =	stream.indirect.scatter.add.f32 [tilespmem:s29], [sflag:$0x1], $0x80, s28, s26, $0xb8;
	[tilespmem:$0x1CC00] =	vst v63  }
0x1f4: {  	_ = 	snop  }
0x1f5: {  	[spmem:s3] =	stream.indirect.scatter.add.f32 [tilespmem:s31], [sflag:$0x1], $0x80, s30, s26, $0xb8;
	[tilespmem:$0x1CC00] =	vst v63  }
0x1f6: {  	_ = 	snop  }
0x1f7: {  	[spmem:s3] =	stream.indirect.scatter.add.f32 [tilespmem:s0], [sflag:$0x1], $0x80, s1, s26, $0xb8;
	[tilespmem:$0x1CC00] =	vst v63  }
0x1f8: {  	v2 =	vld [tilespmem:$0x14000];
	_ =	sdelay $0x4  }
0x1f9: {  	v2 =	vshll.u32 v2, $0x7  }
0x1fa: {  	v2 =	vor.u32 v0, v2;
	_ =	sdelay $0x4  }
0x1fb: {  	[tilespmem:v2+s18+$0x0] =	vst.idx.add.f32.msk $0xffff, v1  }
0x1fc: {  	v2 =	vld [tilespmem:$0x14010];
	_ =	sdelay $0x4  }
0x1fd: {  	v2 =	vshll.u32 v2, $0x7  }
0x1fe: {  	v2 =	vor.u32 v0, v2;
	_ =	sdelay $0x4  }
0x1ff: {  	[tilespmem:v2+s18+$0x0] =	vst.idx.add.f32.msk $0xffff, v1  }
0x200: {  	v2 =	vld [tilespmem:$0x14020];
	_ =	sdelay $0x4  }
0x201: {  	v2 =	vshll.u32 v2, $0x7  }
0x202: {  	v2 =	vor.u32 v0, v2;
	_ =	sdelay $0x4  }
0x203: {  	[tilespmem:v2+s18+$0x0] =	vst.idx.add.f32.msk $0xffff, v1  }
0x204: {  	v2 =	vld [tilespmem:$0x14030];
	_ =	sdelay $0x4  }
0x205: {  	v2 =	vshll.u32 v2, $0x7  }
0x206: {  	v2 =	vor.u32 v0, v2;
	_ =	sdelay $0x4  }
0x207: {  	[tilespmem:v2+s18+$0x0] =	vst.idx.add.f32.msk $0xffff, v1  }
0x208: {  	v2 =	vld [tilespmem:$0x14040];
	_ =	sdelay $0x4  }
0x209: {  	v2 =	vshll.u32 v2, $0x7  }
0x20a: {  	v2 =	vor.u32 v0, v2;
	_ =	sdelay $0x4  }
0x20b: {  	[tilespmem:v2+s18+$0x0] =	vst.idx.add.f32.msk $0xffff, v1  }
0x20c: {  	v2 =	vld [tilespmem:$0x14080];
	_ =	sdelay $0x4  }
0x20d: {  	v2 =	vshll.u32 v2, $0x7  }
0x20e: {  	v2 =	vor.u32 v0, v2;
	_ =	sdelay $0x4  }
0x20f: {  	[tilespmem:v2+s18+$0x0] =	vst.idx.add.f32.msk $0xffff, v1  }
0x210: {  	v2 =	vld [tilespmem:$0x14090];
	_ =	sdelay $0x4  }
0x211: {  	v2 =	vshll.u32 v2, $0x7  }
0x212: {  	v2 =	vor.u32 v0, v2;
	_ =	sdelay $0x4  }
0x213: {  	[tilespmem:v2+s18+$0x0] =	vst.idx.add.f32.msk $0xffff, v1  }
0x214: {  	v2 =	vld [tilespmem:$0x140A0];
	_ =	sdelay $0x4  }
0x215: {  	v2 =	vshll.u32 v2, $0x7  }
0x216: {  	v2 =	vor.u32 v0, v2;
	_ =	sdelay $0x4  }
0x217: {  	[tilespmem:v2+s18+$0x0] =	vst.idx.add.f32.msk $0xffff, v1  }
0x218: {  	v2 =	vld [tilespmem:$0x140B0];
	_ =	sdelay $0x4  }
0x219: {  	v2 =	vshll.u32 v2, $0x7  }
0x21a: {  	v2 =	vor.u32 v0, v2;
	_ =	sdelay $0x4  }
0x21b: {  	[tilespmem:v2+s18+$0x0] =	vst.idx.add.f32.msk $0xffff, v1  }
0x21c: {  	v2 =	vld [tilespmem:$0x140C0];
	_ =	sdelay $0x4  }
0x21d: {  	v2 =	vshll.u32 v2, $0x7  }
0x21e: {  	v2 =	vor.u32 v0, v2;
	_ =	sdelay $0x4  }
0x21f: {  	[tilespmem:v2+s18+$0x0] =	vst.idx.add.f32.msk $0xffff, v1  }
0x220: {  	v2 =	vld [tilespmem:$0x14100];
	_ =	sdelay $0x4  }
0x221: {  	v2 =	vshll.u32 v2, $0x7  }
0x222: {  	v2 =	vor.u32 v0, v2;
	_ =	sdelay $0x4  }
0x223: {  	[tilespmem:v2+s18+$0x0] =	vst.idx.add.f32.msk $0xffff, v1  }
0x224: {  	v2 =	vld [tilespmem:$0x14110];
	_ =	sdelay $0x4  }
0x225: {  	v2 =	vshll.u32 v2, $0x7  }
0x226: {  	v2 =	vor.u32 v0, v2;
	_ =	sdelay $0x4  }
0x227: {  	[tilespmem:v2+s18+$0x0] =	vst.idx.add.f32.msk $0xffff, v1  }
0x228: {  	v2 =	vld [tilespmem:$0x14120];
	_ =	sdelay $0x4  }
0x229: {  	v2 =	vshll.u32 v2, $0x7  }
0x22a: {  	v2 =	vor.u32 v0, v2;
	_ =	sdelay $0x4  }
0x22b: {  	[tilespmem:v2+s18+$0x0] =	vst.idx.add.f32.msk $0xffff, v1  }
0x22c: {  	v2 =	vld [tilespmem:$0x14130];
	_ =	sdelay $0x4  }
0x22d: {  	v2 =	vshll.u32 v2, $0x7  }
0x22e: {  	v2 =	vor.u32 v0, v2;
	_ =	sdelay $0x4  }
0x22f: {  	[tilespmem:v2+s18+$0x0] =	vst.idx.add.f32.msk $0xffff, v1  }
0x230: {  	v2 =	vld [tilespmem:$0x14140];
	_ =	sdelay $0x4  }
0x231: {  	v2 =	vshll.u32 v2, $0x7  }
0x232: {  	v2 =	vor.u32 v0, v2;
	_ =	sdelay $0x4  }
0x233: {  	[tilespmem:v2+s18+$0x0] =	vst.idx.add.f32.msk $0xffff, v1  }
0x234: {  	v2 =	vld [tilespmem:$0x14180];
	_ =	sdelay $0x4  }
0x235: {  	v2 =	vshll.u32 v2, $0x7  }
0x236: {  	v2 =	vor.u32 v0, v2;
	_ =	sdelay $0x4  }
0x237: {  	[tilespmem:v2+s18+$0x0] =	vst.idx.add.f32.msk $0xffff, v1  }
0x238: {  	v2 =	vld [tilespmem:$0x14190];
	_ =	sdelay $0x4  }
0x239: {  	v2 =	vshll.u32 v2, $0x7  }
0x23a: {  	v2 =	vor.u32 v0, v2;
	_ =	sdelay $0x4  }
0x23b: {  	[tilespmem:v2+s18+$0x0] =	vst.idx.add.f32.msk $0xffff, v1  }
0x23c: {  	v2 =	vld [tilespmem:$0x141A0];
	_ =	sdelay $0x4  }
0x23d: {  	v2 =	vshll.u32 v2, $0x7  }
0x23e: {  	v2 =	vor.u32 v0, v2;
	_ =	sdelay $0x4  }
0x23f: {  	[tilespmem:v2+s18+$0x0] =	vst.idx.add.f32.msk $0xffff, v1  }
0x240: {  	v2 =	vld [tilespmem:$0x141B0];
	_ =	sdelay $0x4  }
0x241: {  	v2 =	vshll.u32 v2, $0x7  }
0x242: {  	v2 =	vor.u32 v0, v2;
	_ =	sdelay $0x4  }
0x243: {  	[tilespmem:v2+s18+$0x0] =	vst.idx.add.f32.msk $0xffff, v1  }
0x244: {  	v2 =	vld [tilespmem:$0x141C0];
	_ =	sdelay $0x4  }
0x245: {  	v2 =	vshll.u32 v2, $0x7  }
0x246: {  	v2 =	vor.u32 v0, v2;
	_ =	sdelay $0x4  }
0x247: {  	[tilespmem:v2+s18+$0x0] =	vst.idx.add.f32.msk $0xffff, v1  }
0x248: {  	_ =	swait.ge [sflag:s24], $0x2800  }
0x249: {  	[sflag:s24] =	ssyncset.done $0x0  }
0x24a: {  	[sflag:s24] =	ssyncadd.s32 $0xFFFFD800  }
0x24b: {  	_ =	swait.ge [sflag:s24], $0x2800  }
0x24c: {  	[sflag:s24] =	ssyncset.done $0x0  }
0x24d: {  	[sflag:s24] =	ssyncadd.s32 $0xFFFFD800  }
0x24e: {  	_ =	swait.ge [sflag:s24], $0x2800  }
.Ltmp3:
0x24f: {  	[sflag:s24] =	ssyncset.done $0x0;
	(pc) =	sbr.rel .LBB2_3-.Ltmp3, $4  }
0x250: {  	[sflag:s24] =	ssyncadd.s32 $0xFFFFD800  }
0x251: {  	_ =	swait.ge [sflag:s24], $0x2800  }
0x252: {  	[sflag:s24] =	ssyncset.done $0x0  }
0x253: {  	[sflag:s24] =	ssyncadd.s32 $0xFFFFD800  }
.LBB2_4:
0x254: {  	_ =	sfence.sel $0x180000  }
0x255: {  	[bflag:$0x0] =	sbarrier.arrive $0xFFFF  }
0x256: {  	_ =	strace $0x90000047  }
0x257: {  	[bflag:$0x2] =	sbarrier.arrive $0xFFFF  }
0x258: {  	s0 =	rddreg [dreg:$0x7]  }
0x259: {  	s0 =	sadd.s32 @!p0 $0x100000, s0  }
0x25a: {  	[sflag:s0] =	ssyncadd.tile.s32 @!p0 $0x1;
	_ =	shalt  }
.Lfunc_end2:
_tile_overlayer_lowered:
.L_overlay_start_2:
0x25b: {  	(tag) =	ssettag $0x2  }
0x25c: {  	s0 =	rddreg [dreg:$0x0];
	s2 =	stileid.u32  }
0x25d: {  	s1 =	rddreg [dreg:$0x1];
	p0 =	sne.s32 s2, $0x0  }
0x25e: {  	s3 =	rddreg [dreg:$0x2];
	[bflag:$0x3] =	sbarrier.arrive $0xFFFF;
	s2 =	simm.s32 @!p0 $0x1C05  }
0x25f: {  	[timem:s3], [sflag:s2] =	dma.local @!p0 [hbm:s0], s1  }
0x260: {  	s0 =	simm.s32 @!p0 $0x5  }
0x261: {  	_ =	swait.ge @!p0 [sflag:s0], s1  }
0x262: {  	s1 =	ssub.s32 @!p0 $0x0, s1;
	[sflag:s0] =	ssyncset.done @!p0 $0x0  }
0x263: {  	[sflag:s0] =	ssyncadd.s32 @!p0 s1  }
0x264: {  	[bflag:$0x3] =	sbarrier.arrive $0xFFFF  }
0x265: {  	_ =	shalt  }

</sc_bundles>
